<compile_context>
chip_gen: v7x
topology: tpu7x:2x2x1
jax: 0.10.2.dev20260603
libtpu: 0.0.44.dev20260713+nightly
codegen_flags: <defaults>
</compile_context>

<pallas_src>
import functools

import numpy as np
import jax
import jax.numpy as jnp
from jax import lax
from jax.experimental import pallas as pl
from jax.experimental.pallas import tpu as pltpu
from jax.experimental.pallas import tpu_sc as plsc

MUL = 8
DIM = 4 * MUL
NB = 10
ND = 64
MAX_RADIUS = 3.5
WIN = 128
BLK = 2560
NUM_SC = 2
NUM_SUB = 16

_SQRT3 = float(np.sqrt(3.0))
_INV_S3 = float(1.0 / np.sqrt(3.0))
_EMB_C = float(1.14136 * np.exp(2.0) * np.sqrt(NB))
_STEP = float(MAX_RADIUS / (NB + 1))
_VALUES = np.linspace(0.0, MAX_RADIUS, NB + 2)[1:-1].astype(np.float32)


def _mesh():
    return plsc.VectorSubcoreMesh(core_axis_name="c", subcore_axis_name="s")


def _sc_gather(f_in, idx2d):
    e = idx2d.size
    d = f_in.shape[1]

    @functools.partial(
        pl.kernel,
        out_type=jax.ShapeDtypeStruct((e, 128), f_in.dtype),
        mesh=_mesh(),
        compiler_params=pltpu.CompilerParams(use_tc_tiling_on_sc=False),
    )
    def k(x_hbm, i_hbm, o_hbm):
        def body(i_vmem, o_vmem):
            pltpu.sync_copy(x_hbm.at[i_vmem.at[0]], o_vmem)

        pltpu.emit_pipeline(
            body,
            grid=(e // WIN,),
            in_specs=[pl.BlockSpec((1, WIN), lambda i: (i, 0))],
            out_specs=[pl.BlockSpec((WIN, d), lambda i: (i, 0))],
            core_axis_name=("c", "s"),
            dimension_semantics=(pltpu.PARALLEL,),
        )(i_hbm, o_hbm)

    return k(f_in, idx2d)


def _sc_scatter(summand, idx2d, zeros):
    e = summand.shape[0]
    d = DIM
    n = zeros.shape[0]
    rows_per_sub = n // NUM_SUB

    @functools.partial(
        pl.kernel,
        out_type=jax.ShapeDtypeStruct((NUM_SC, n, d), summand.dtype),
        mesh=_mesh(),
        scratch_types=[pltpu.VMEM_SHARED((n, d), summand.dtype)],
        compiler_params=pltpu.CompilerParams(use_tc_tiling_on_sc=False),
    )
    def k(s_hbm, i_hbm, z_hbm, o_hbm, acc):
        core = lax.axis_index("c")
        sid = lax.axis_index("s")
        sl = pl.ds(sid * rows_per_sub, rows_per_sub)
        pltpu.sync_copy(z_hbm.at[sl], acc.at[sl])
        plsc.subcore_barrier()

        def body(x_vmem, i_vmem):
            pltpu.sync_copy(x_vmem, acc.at[i_vmem.at[0]], add=True)

        pltpu.emit_pipeline(
            body,
            grid=(e // WIN,),
            in_specs=[
                pl.BlockSpec((WIN, d), lambda i: (i, 0)),
                pl.BlockSpec((1, WIN), lambda i: (i, 0)),
            ],
            out_specs=[],
            core_axis_name=("c", "s"),
            dimension_semantics=(pltpu.PARALLEL,),
        )(s_hbm, i_hbm)
        plsc.subcore_barrier()
        pltpu.sync_copy(acc.at[sl], o_hbm.at[core].at[sl])

    return k(summand, idx2d, zeros)


def _make_consts():
    rep2 = np.zeros((16, 128), np.float32)
    sum2 = np.zeros((128, 8), np.float32)
    tile_m = np.zeros((3, 24), np.float32)
    sum_m = np.zeros((24, 8), np.float32)
    rep3x = np.zeros((24, 192), np.float32)
    sp = np.zeros((192, 24), np.float32)
    sumtile = np.zeros((64, 24), np.float32)
    for u in range(8):
        for w in range(8):
            rep2[u, u * 8 + w] = 1.0
            rep2[8 + u, 64 + u * 8 + w] = 1.0
            sum2[u * 8 + w, w] = 1.0
            sum2[64 + u * 8 + w, w] = 1.0
            for m in range(3):
                sumtile[u * 8 + w, w * 3 + m] = 1.0
        for m in range(3):
            tile_m[m, u * 3 + m] = 1.0
            sum_m[u * 3 + m, u] = 1.0
            for w in range(8):
                rep3x[u * 3 + m, m * 64 + u * 8 + w] = 1.0
                sp[m * 64 + u * 8 + w, w * 3 + m] = 1.0
    return rep2, sum2, tile_m, sum_m, rep3x, sp, sumtile


def _dense_body(vec_ref, xg_ref, vals_ref, m2_ref,
                w1_ref, w2_ref, rep2_ref, sum2_ref, tilem_ref, summ_ref,
                rep3x_ref, sp_ref, sumtile_ref, out_ref, *, fscale):
    dotf = lambda a, b: jnp.dot(a, b, preferred_element_type=jnp.float32)

    v = vec_ref[...]
    xg = xg_ref[:, 0:DIM]
    r2 = jnp.sum(v * v, axis=1, keepdims=True)
    ir = lax.rsqrt(jnp.maximum(r2, 1e-24))
    r = r2 * ir
    rhi = r.astype(jnp.bfloat16).astype(jnp.float32)
    rlo = r - rhi
    rb = dotf(jnp.concatenate([rhi, rlo], axis=1), m2_ref[...])
    diff = rb * (1.0 / _STEP) - vals_ref[...]
    d2 = diff * diff
    ok = d2 < 1.0
    s = jnp.where(ok, 1.0 - d2, 1.0)
    emb = jnp.where(ok, _EMB_C * jnp.exp(-2.0 / s), 0.0)
    h = jax.nn.relu(dotf(emb, w1_ref[...]))
    w = dotf(h, w2_ref[...])

    w_ss = w[:, 0:64]
    w_sv = w[:, 64:128]
    w_vs = w[:, 128:192]
    w_vv = w[:, 192:256]
    x_s = xg[:, 0:8]
    x_v = xg[:, 8:32]

    vn = v * ir
    sh_t = _SQRT3 * dotf(vn, tilem_ref[...])
    sh_tb = _INV_S3 * sh_t

    xvdot = dotf(x_v * sh_tb, summ_ref[...])
    rep128 = dotf(jnp.concatenate([x_s, xvdot], axis=1), rep2_ref[...])
    wmix = jnp.concatenate([w_ss, w_vv], axis=1)
    out_s = dotf(rep128 * wmix, sum2_ref[...])
    sv_t = dotf(rep128[:, 0:64] * w_sv, sumtile_ref[...])
    xvm_rep = dotf(x_v, rep3x_ref[...])
    w_vs3 = jnp.concatenate([w_vs, w_vs, w_vs], axis=1)
    vs_flat = dotf(xvm_rep * w_vs3, sp_ref[...])
    out_v = sv_t * sh_t + vs_flat

    out_ref[:, 0:DIM] = fscale * jnp.concatenate([out_s, out_v], axis=1)


def _tc_dense(edge_vec, xg, w1s, w2sf, fscale):
    e = edge_vec.shape[0]
    consts = tuple(jnp.asarray(c) for c in _make_consts())
    vals = jnp.asarray(_VALUES / _STEP).reshape(1, NB)
    m2 = jnp.ones((2, NB), jnp.float32)
    n_blk = e // BLK
    full = lambda a: pl.BlockSpec(a.shape, lambda i: (0,) * a.ndim)
    args = (edge_vec, xg, vals, m2, w1s, w2sf) + consts
    in_specs = [
        pl.BlockSpec((BLK, 3), lambda i: (i, 0)),
        pl.BlockSpec((BLK, 128), lambda i: (i, 0)),
        *[full(a) for a in args[2:]],
    ]

    @functools.partial(
        pl.kernel,
        out_type=jax.ShapeDtypeStruct((e, 128), jnp.float32),
        mesh=pltpu.create_tensorcore_mesh("tc", num_cores=2),
    )
    def k(*refs):
        pltpu.emit_pipeline(
            functools.partial(_dense_body, fscale=fscale),
            grid=(n_blk,),
            in_specs=in_specs,
            out_specs=[pl.BlockSpec((BLK, 128), lambda i: (i, 0))],
            core_axis_name="tc",
            dimension_semantics=(pltpu.PARALLEL,),
        )(*refs)

    return k(*args)


def _combine_body(p_ref, o_ref):
    o_ref[...] = p_ref[0] + p_ref[1]


def _tc_combine(partials):
    _, n, d = partials.shape
    return pl.pallas_call(
        _combine_body,
        out_shape=jax.ShapeDtypeStruct((n, d), partials.dtype),
    )(partials)


def kernel(data, f_in, edge_src, edge_dst, edge_vec, fc_w1, fc_w2):
    n = f_in.shape[0]
    e = edge_src.shape[0]
    src2d = edge_src.astype(jnp.int32).reshape(e // WIN, WIN)
    dst2d = edge_dst.astype(jnp.int32).reshape(e // WIN, WIN)
    w1s = fc_w1 * (1.0 / np.sqrt(NB))
    w2sf = fc_w2 * (np.sqrt(2.0) / np.sqrt(ND))
    fscale = float(0.25 / np.sqrt(e / n))

    xg = _sc_gather(f_in, src2d)
    summand = _tc_dense(edge_vec, xg, w1s, w2sf, fscale)
    partials = _sc_scatter(summand, dst2d, jnp.zeros((n, DIM), jnp.float32))
    return _tc_combine(partials)

# --- scband reference (transcript-rebuilt; emitter-appended) ---
"""Pipeline reference for scband-convolution-40759239639120 (READ-ONLY COPY).

The authoritative reference and input builder live on the scoring server;
editing this copy changes nothing except your own understanding.
"""

import jax, jax.numpy as jnp
import numpy as np

N_NODES = 10000
N_EDGES = 320000
MUL = 8          # multiplicity of 0e and 1o in input/output irreps '8x0e + 8x1o'
DIM = 4 * MUL    # 8 scalars + 8 vectors*3 = 32
NB = 10          # num_radial_basis
ND = 64          # num_radial_dimension
MAX_RADIUS = 3.5
WEIGHT_NUMEL = 4 * MUL * MUL  # 4 tp paths, each 8x1x8 'uvw' weights = 256


def _soft_unit_step(x):
    # e3nn soft_unit_step: exp(-1/x) for x>0 else 0
    safe = jnp.where(x > 0.0, x, 1.0)
    return jnp.where(x > 0.0, jnp.exp(-1.0 / safe), 0.0)


def _soft_one_hot_smooth_finite(d, start, end, number):
    # e3nn.math.soft_one_hot_linspace(basis='smooth_finite', cutoff=True)
    values = jnp.linspace(start, end, number + 2)[1:-1]
    step = (end - start) / (number + 1)
    diff = (d[:, None] - values[None, :]) / step
    return 1.14136 * np.exp(2.0) * _soft_unit_step(diff + 1.0) * _soft_unit_step(1.0 - diff)


def setup_inputs(seed: int = 0):
    key = jax.random.key(seed)
    k1, k2, k3, k4, k5, k6, k7 = jax.random.split(key, 7)
    data = jax.random.normal(k1, (N_NODES, 3), dtype=jnp.float32)  # stands in for data.pos
    f_in = jax.random.normal(k2, (N_NODES, DIM), dtype=jnp.float32)
    edge_src = jax.random.randint(k3, (N_EDGES,), 0, N_NODES)
    edge_dst = jax.random.randint(k4, (N_EDGES,), 0, N_NODES)
    edge_vec = jax.random.normal(k5, (N_EDGES, 3), dtype=jnp.float32)
    # learned params: radial MLP [NB -> ND -> WEIGHT_NUMEL] (e3nn FullyConnectedNet style)
    fc_w1 = jax.random.normal(k6, (NB, ND), dtype=jnp.float32)
    fc_w2 = jax.random.normal(k7, (ND, WEIGHT_NUMEL), dtype=jnp.float32)
    return {"data": data, "f_in": f_in, "edge_src": edge_src, "edge_dst": edge_dst,
            "edge_vec": edge_vec, "fc_w1": fc_w1, "fc_w2": fc_w2}


def reference(data, f_in, edge_src, edge_dst, edge_vec, fc_w1, fc_w2):
    num_nodes = data.shape[0]
    E = edge_src.shape[0]
    num_neighbors = E / num_nodes

    # spherical harmonics lmax=1, normalize=True, normalization='component'
    r = jnp.linalg.norm(edge_vec, axis=1)
    unit = edge_vec / jnp.maximum(r, 1e-12)[:, None]
    sh1 = np.sqrt(3.0) * unit          # [E, 3]; sh0 == 1 (component norm)

    # radial embedding
    emb = _soft_one_hot_smooth_finite(r, 0.0, MAX_RADIUS, NB) * np.sqrt(NB)  # [E, NB]
    # FullyConnectedNet: x @ W / sqrt(fan_in), normalized relu (factor sqrt(2))
    h = np.sqrt(2.0) * jax.nn.relu(emb @ (fc_w1 / np.sqrt(NB)))
    w = h @ (fc_w2 / np.sqrt(ND))      # [E, WEIGHT_NUMEL]
    w = w.reshape(E, 4, MUL, MUL)
    W_ss, W_sv, W_vs, W_vv = w[:, 0], w[:, 1], w[:, 2], w[:, 3]

    xg = f_in[edge_src]                        # gather [E, 32]
    x_s = xg[:, :MUL]                          # [E, 8] scalars (0e)
    x_v = xg[:, MUL:].reshape(E, MUL, 3)       # [E, 8, 3] vectors (1o)

    # FullyConnectedTensorProduct path weights (normalization='component',
    # path_normalization='element'): out 0e fan_in=16 -> sqrt(1/16)=0.25;
    # out 1o fan_in=16 -> sqrt(3/16)=sqrt(3)/4. Real w3j: (1,1,0)=delta/sqrt(3),
    # (0,1,1)=(1,0,1)=delta/sqrt(3), (0,0,0)=1.
    pw0 = 0.25
    pw1 = np.sqrt(3.0) / 4.0
    inv_s3 = 1.0 / np.sqrt(3.0)

    out_s = pw0 * (jnp.einsum('eu,euw->ew', x_s, W_ss)
                   + inv_s3 * jnp.einsum('eum,em,euw->ew', x_v, sh1, W_vv))  # [E, 8]
    out_v = pw1 * inv_s3 * (jnp.einsum('eu,euw->ew', x_s, W_sv)[:, :, None] * sh1[:, None, :]
                            + jnp.einsum('eum,euw->ewm', x_v, W_vs))          # [E, 8, 3]

    summand = jnp.concatenate([out_s, out_v.reshape(E, 3 * MUL)], axis=1)     # [E, 32]
    f_out = jnp.zeros((num_nodes, DIM), dtype=summand.dtype).at[edge_dst].add(summand)
    return f_out / np.sqrt(num_neighbors)

if __name__ == "__main__":
    import jax
    _d = setup_inputs()
    print(jax.jit(kernel)(*tuple(_d.values())))

</pallas_src>

<mosaic_0001>
#map = affine_map<(d0, d1) -> (0, 0)>
module attributes {stable_mosaic.version = 14 : i64} {
  func.func @k(%arg0: i32, %arg1: i32, %arg2: memref<10000x32xf32, #tpu.memory_space<hbm>>, %arg3: memref<2500x128xi32, #tpu.memory_space<hbm>>, %arg4: memref<320000x128xf32, #tpu.memory_space<hbm>>) attributes {dimension_semantics = [#tpu.dimension_semantics<core_parallel>, #tpu.dimension_semantics<subcore_parallel>], iteration_bounds = array<i64: 2, 16>, scalar_prefetch = 0 : i64, scratch_operands = 0 : i64, tpu.core_type = #tpu.core_type<sc_vector_subcore>, window_params = [{transform_indices = #map}, {transform_indices = #map}, {transform_indices = #map}]} {
    %mul3A = arith.constant 1 : i32
    %mul3A_0 = arith.muli %arg1, %mul3A : i32
    %add3A = arith.constant 0 : i32
    %add3A_1 = arith.addi %add3A, %mul3A_0 : i32
    %mul3A_2 = arith.constant 16 : i32
    %mul3A_3 = arith.muli %arg0, %mul3A_2 : i32
    %add3A_4 = arith.addi %add3A_1, %mul3A_3 : i32
    %lt3A = arith.constant 4 : i32
    %lt3A_5 = arith.cmpi slt, %add3A_4, %lt3A : i32
    %jit3A = arith.constant 79 : i32
    %jit3A_6 = arith.constant 78 : i32
    %select_n3A = arith.select %lt3A_5, %jit3A, %jit3A_6 : i32
    %lt3A_7 = arith.constant 4 : i32
    %lt3A_8 = arith.cmpi slt, %add3A_4, %lt3A_7 : i32
    %mul3A_9 = arith.muli %add3A_4, %select_n3A : i32
    %mul3A_10 = arith.constant 78 : i32
    %mul3A_11 = arith.muli %add3A_4, %mul3A_10 : i32
    %add3A_12 = arith.constant 4 : i32
    %add3A_13 = arith.addi %mul3A_11, %add3A_12 : i32
    %select_n3A_14 = arith.select %lt3A_8, %mul3A_9, %add3A_13 : i32
    %mul3A_15 = arith.constant 1 : i32
    %mul3A_16 = arith.muli %mul3A_15, %select_n3A : i32
    "tpu.region"() ({
      %run_scoped3A = memref.alloca() : memref<2x1x128xi32, #tpu.memory_space<vmem>>
      %run_scoped3A_17 = tpu.sem_alloc : memref<2x!tpu.dma_semaphore, #tpu.memory_space<semaphore_mem>>
      %run_scoped3A_18 = memref.alloca() : memref<2x128x32xf32, #tpu.memory_space<vmem>>
      %run_scoped3A_19 = tpu.sem_alloc : memref<2x!tpu.dma_semaphore, #tpu.memory_space<semaphore_mem>>
      %gt3A = arith.constant 0 : i32
      %gt3A_20 = arith.cmpi sgt, %mul3A_16, %gt3A : i32
      %convert_element_type3A = arith.extui %gt3A_20 : i1 to i32
      %cond3A = arith.constant 0 : i32
      %cond3A_21 = arith.cmpi ne, %convert_element_type3A, %cond3A : i32
      scf.if %cond3A_21 {
        %mul3A_22 = arith.constant 1 : i32
        %mul3A_23 = arith.muli %mul3A_22, %select_n3A : i32
        %sub3A = arith.constant 1 : i32
        %sub3A_24 = arith.subi %mul3A_23, %sub3A : i32
        %eq3A = arith.constant 0 : i32
        %eq3A_25 = arith.cmpi eq, %sub3A_24, %eq3A : i32
        %add3A_26 = arith.constant 0 : i32
        %add3A_27 = arith.addi %add3A_26, %select_n3A_14 : i32
        %select_n3A_28 = arith.constant true
        %select_n3A_29 = arith.constant 0 : i32
        %select_n3A_30 = arith.constant -1 : i32
        %select_n3A_31 = arith.select %select_n3A_28, %select_n3A_30, %select_n3A_29 : i32
        %eq3A_32 = arith.constant -1 : i32
        %eq3A_33 = arith.cmpi eq, %select_n3A_31, %eq3A_32 : i32
        %sub3A_34 = arith.constant 1 : i32
        %sub3A_35 = arith.subi %select_n3A, %sub3A_34 : i32
        %select_n3A_36 = arith.select %eq3A_33, %sub3A_35, %select_n3A_31 : i32
        %add3A_37 = arith.addi %select_n3A_36, %select_n3A_14 : i32
        %select_n3A_38 = arith.constant true
        %select_n3A_39 = arith.constant 0 : i32
        %select_n3A_40 = arith.constant 1 : i32
        %select_n3A_41 = arith.select %select_n3A_38, %select_n3A_40, %select_n3A_39 : i32
        %eq3A_42 = arith.cmpi eq, %select_n3A_41, %select_n3A : i32
        %select_n3A_43 = arith.constant 0 : i32
        %select_n3A_44 = arith.select %eq3A_42, %select_n3A_43, %select_n3A_41 : i32
        %add3A_45 = arith.addi %select_n3A_44, %select_n3A_14 : i32
        %add3A_46 = arith.constant 1 : i32
        %add3A_47 = arith.addi %select_n3A_44, %add3A_46 : i32
        %select_n3A_48 = arith.constant true
        %select_n3A_49 = arith.select %select_n3A_48, %add3A_47, %select_n3A_44 : i32
        %eq3A_50 = arith.cmpi eq, %select_n3A_49, %select_n3A : i32
        %select_n3A_51 = arith.constant 0 : i32
        %select_n3A_52 = arith.select %eq3A_50, %select_n3A_51, %select_n3A_49 : i32
        %add3A_53 = arith.addi %select_n3A_52, %select_n3A_14 : i32
        "tpu.trace_start"() <{level = 10 : i32, message = "ep_initialize_0"}> : () -> ()
        %rem3A = arith.constant 0 : i32
        %rem3A_54 = arith.constant 2 : i32
        %rem3A_55 = arith.remui %rem3A, %rem3A_54 : i32
        %mul3A_56 = arith.constant 1 : i32
        %mul3A_57 = arith.muli %mul3A_56, %add3A_27 : i32
        %dma_start3A = arith.constant 0 : i32
        %dma_start3A_58 = arith.constant 0 : i32
        %dma_start3A_59 = tpu.memref_slice %run_scoped3A[%rem3A_55, %dma_start3A, %dma_start3A_58] : memref<2x1x128xi32, #tpu.memory_space<vmem>> -> memref<1x1x128xi32, #tpu.memory_space<vmem>>
        %dma_start3A_60 = tpu.memref_squeeze %dma_start3A_59 : memref<1x1x128xi32, #tpu.memory_space<vmem>> -> memref<1x128xi32, #tpu.memory_space<vmem>>
        %dma_start3A_61 = arith.constant 0 : i32
        %dma_start3A_62 = tpu.memref_slice %arg3[%mul3A_57, %dma_start3A_61] : memref<2500x128xi32, #tpu.memory_space<hbm>> -> memref<1x128xi32, #tpu.memory_space<hbm>>
        %dma_start3A_63 = tpu.memref_slice %run_scoped3A_17[%rem3A_55] : memref<2x!tpu.dma_semaphore, #tpu.memory_space<semaphore_mem>> -> memref<1x!tpu.dma_semaphore, #tpu.memory_space<semaphore_mem>>
        %dma_start3A_64 = tpu.memref_squeeze %dma_start3A_63 : memref<1x!tpu.dma_semaphore, #tpu.memory_space<semaphore_mem>> -> memref<!tpu.dma_semaphore, #tpu.memory_space<semaphore_mem>>
        %dma_start3A_65 = arith.constant 0 : i32
        %dma_start3A_66 = arith.constant 0 : i32
        %dma_start3A_67 = tpu.memref_slice %run_scoped3A[%rem3A_55, %dma_start3A_65, %dma_start3A_66] : memref<2x1x128xi32, #tpu.memory_space<vmem>> -> memref<1x1x128xi32, #tpu.memory_space<vmem>>
        %dma_start3A_68 = tpu.memref_squeeze %dma_start3A_67 : memref<1x1x128xi32, #tpu.memory_space<vmem>> -> memref<1x128xi32, #tpu.memory_space<vmem>>
        %dma_start3A_69 = arith.constant 0 : i32
        %dma_start3A_70 = tpu.memref_slice %arg3[%mul3A_57, %dma_start3A_69] : memref<2500x128xi32, #tpu.memory_space<hbm>> -> memref<1x128xi32, #tpu.memory_space<hbm>>
        tpu.enqueue_dma source(%dma_start3A_70 : memref<1x128xi32, #tpu.memory_space<hbm>>) target(%dma_start3A_68 : memref<1x128xi32, #tpu.memory_space<vmem>>) target_semaphore(%dma_start3A_64 : memref<!tpu.dma_semaphore, #tpu.memory_space<semaphore_mem>>)
        %add3A_71 = arith.constant 0 : i32
        %add3A_72 = arith.constant 1 : i32
        %add3A_73 = arith.addi %add3A_71, %add3A_72 : i32
        %select_n3A_74 = arith.constant true
        %select_n3A_75 = arith.constant 0 : i32
        %select_n3A_76 = arith.select %select_n3A_74, %add3A_73, %select_n3A_75 : i32
        %while3A = arith.constant 0 : i32
        %while3A_77 = arith.constant 0 : i32
        %while3A_78 = arith.constant 0 : i32
        %while3A_79 = arith.constant 0 : i32
        %while3A_80 = arith.constant 0 : i32
        "tpu.trace_stop"() : () -> ()
        %while3A_81 = arith.subi %mul3A_16, %while3A : i32
        %while3A_82 = arith.addi %while3A, %while3A_81 : i32
        %while3A_83 = arith.constant 1 : i32
        %while3A_84 = arith.divsi %while3A_81, %while3A_83 : i32
        %while3A_85 = arith.muli %while3A_84, %while3A_83 : i32
        %while3A_86 = arith.addi %while3A, %while3A_85 : i32
        %while3A_87 = arith.constant 1 : i32
        %while3A_88:5 = scf.for %while3A_142 = %while3A to %while3A_86 step %while3A_87 iter_args(%while3A_143 = %select_n3A_76, %while3A_144 = %while3A_77, %while3A_145 = %while3A_78, %while3A_146 = %while3A_79, %while3A_147 = %while3A_80) -> (i32, i32, i32, i32, i32)  : i32 {
          %mul3A_148 = arith.constant 1 : i32
          %mul3A_149 = arith.muli %mul3A_148, %select_n3A : i32
          %eq3A_150 = arith.constant 0 : i32
          %eq3A_151 = arith.cmpi eq, %while3A_142, %eq3A_150 : i32
          %sub3A_152 = arith.constant 1 : i32
          %sub3A_153 = arith.subi %mul3A_149, %sub3A_152 : i32
          %eq3A_154 = arith.cmpi eq, %while3A_142, %sub3A_153 : i32
          %add3A_155 = arith.addi %while3A_147, %select_n3A_14 : i32
          %sub3A_156 = arith.constant 1 : i32
          %sub3A_157 = arith.subi %while3A_147, %sub3A_156 : i32
          %select_n3A_158 = arith.constant true
          %select_n3A_159 = arith.select %select_n3A_158, %sub3A_157, %while3A_147 : i32
          %eq3A_160 = arith.constant -1 : i32
          %eq3A_161 = arith.cmpi eq, %select_n3A_159, %eq3A_160 : i32
          %sub3A_162 = arith.constant 1 : i32
          %sub3A_163 = arith.subi %select_n3A, %sub3A_162 : i32
          %select_n3A_164 = arith.select %eq3A_161, %sub3A_163, %select_n3A_159 : i32
          %add3A_165 = arith.addi %select_n3A_164, %select_n3A_14 : i32
          %add3A_166 = arith.constant 1 : i32
          %add3A_167 = arith.addi %while3A_147, %add3A_166 : i32
          %select_n3A_168 = arith.constant true
          %select_n3A_169 = arith.select %select_n3A_168, %add3A_167, %while3A_147 : i32
          %eq3A_170 = arith.cmpi eq, %select_n3A_169, %select_n3A : i32
          %select_n3A_171 = arith.constant 0 : i32
          %select_n3A_172 = arith.select %eq3A_170, %select_n3A_171, %select_n3A_169 : i32
          %add3A_173 = arith.addi %select_n3A_172, %select_n3A_14 : i32
          %add3A_174 = arith.constant 1 : i32
          %add3A_175 = arith.addi %select_n3A_172, %add3A_174 : i32
          %select_n3A_176 = arith.constant true
          %select_n3A_177 = arith.select %select_n3A_176, %add3A_175, %select_n3A_172 : i32
          %eq3A_178 = arith.cmpi eq, %select_n3A_177, %select_n3A : i32
          %select_n3A_179 = arith.constant 0 : i32
          %select_n3A_180 = arith.select %eq3A_178, %select_n3A_179, %select_n3A_177 : i32
          %add3A_181 = arith.addi %select_n3A_180, %select_n3A_14 : i32
          %ne3A = arith.cmpi ne, %add3A_155, %add3A_173 : i32
          %or3A = arith.constant false
          %or3A_182 = arith.ori %or3A, %ne3A : i1
          %or3A_183 = arith.constant false
          %or3A_184 = arith.ori %or3A_182, %or3A_183 : i1
          %sub3A_185 = arith.constant 2 : i32
          %sub3A_186 = arith.subi %mul3A_149, %sub3A_185 : i32
          %add3A_187 = arith.constant 1 : i32
          %add3A_188 = arith.addi %sub3A_186, %add3A_187 : i32
          %ge3A = arith.cmpi sge, %while3A_142, %add3A_188 : i32
          %not3A = arith.constant true
          %not3A_189 = arith.xori %ge3A, %not3A : i1
          %and3A = arith.andi %or3A_184, %not3A_189 : i1
          %convert_element_type3A_190 = arith.extui %and3A : i1 to i32
          %cond3A_191 = arith.constant 0 : i32
          %cond3A_192 = arith.cmpi ne, %convert_element_type3A_190, %cond3A_191 : i32
          scf.if %cond3A_192 {
            "tpu.trace_start"() <{level = 10 : i32, message = "ep_copy_in"}> : () -> ()
            %rem3A_304 = arith.constant 2 : i32
            %rem3A_305 = arith.remui %while3A_143, %rem3A_304 : i32
            %mul3A_306 = arith.constant 1 : i32
            %mul3A_307 = arith.muli %mul3A_306, %add3A_173 : i32
            %dma_start3A_308 = arith.constant 0 : i32
            %dma_start3A_309 = arith.constant 0 : i32
            %dma_start3A_310 = tpu.memref_slice %run_scoped3A[%rem3A_305, %dma_start3A_308, %dma_start3A_309] : memref<2x1x128xi32, #tpu.memory_space<vmem>> -> memref<1x1x128xi32, #tpu.memory_space<vmem>>
            %dma_start3A_311 = tpu.memref_squeeze %dma_start3A_310 : memref<1x1x128xi32, #tpu.memory_space<vmem>> -> memref<1x128xi32, #tpu.memory_space<vmem>>
            %dma_start3A_312 = arith.constant 0 : i32
            %dma_start3A_313 = tpu.memref_slice %arg3[%mul3A_307, %dma_start3A_312] : memref<2500x128xi32, #tpu.memory_space<hbm>> -> memref<1x128xi32, #tpu.memory_space<hbm>>
            %dma_start3A_314 = tpu.memref_slice %run_scoped3A_17[%rem3A_305] : memref<2x!tpu.dma_semaphore, #tpu.memory_space<semaphore_mem>> -> memref<1x!tpu.dma_semaphore, #tpu.memory_space<semaphore_mem>>
            %dma_start3A_315 = tpu.memref_squeeze %dma_start3A_314 : memref<1x!tpu.dma_semaphore, #tpu.memory_space<semaphore_mem>> -> memref<!tpu.dma_semaphore, #tpu.memory_space<semaphore_mem>>
            %dma_start3A_316 = arith.constant 0 : i32
            %dma_start3A_317 = arith.constant 0 : i32
            %dma_start3A_318 = tpu.memref_slice %run_scoped3A[%rem3A_305, %dma_start3A_316, %dma_start3A_317] : memref<2x1x128xi32, #tpu.memory_space<vmem>> -> memref<1x1x128xi32, #tpu.memory_space<vmem>>
            %dma_start3A_319 = tpu.memref_squeeze %dma_start3A_318 : memref<1x1x128xi32, #tpu.memory_space<vmem>> -> memref<1x128xi32, #tpu.memory_space<vmem>>
            %dma_start3A_320 = arith.constant 0 : i32
            %dma_start3A_321 = tpu.memref_slice %arg3[%mul3A_307, %dma_start3A_320] : memref<2500x128xi32, #tpu.memory_space<hbm>> -> memref<1x128xi32, #tpu.memory_space<hbm>>
            tpu.enqueue_dma source(%dma_start3A_321 : memref<1x128xi32, #tpu.memory_space<hbm>>) target(%dma_start3A_319 : memref<1x128xi32, #tpu.memory_space<vmem>>) target_semaphore(%dma_start3A_315 : memref<!tpu.dma_semaphore, #tpu.memory_space<semaphore_mem>>)
            "tpu.trace_stop"() : () -> ()
          } else {
          }
          %and3A_193 = arith.constant true
          %and3A_194 = arith.andi %and3A, %and3A_193 : i1
          %add3A_195 = arith.constant 1 : i32
          %add3A_196 = arith.addi %while3A_143, %add3A_195 : i32
          %select_n3A_197 = arith.select %and3A_194, %add3A_196, %while3A_143 : i32
          %ne3A_198 = arith.cmpi ne, %add3A_155, %add3A_173 : i32
          %or3A_199 = arith.constant false
          %or3A_200 = arith.ori %or3A_199, %ne3A_198 : i1
          %or3A_201 = arith.constant false
          %or3A_202 = arith.ori %or3A_200, %or3A_201 : i1
          %sub3A_203 = arith.constant 2 : i32
          %sub3A_204 = arith.subi %mul3A_149, %sub3A_203 : i32
          %add3A_205 = arith.constant 1 : i32
          %add3A_206 = arith.addi %sub3A_204, %add3A_205 : i32
          %ge3A_207 = arith.cmpi sge, %while3A_142, %add3A_206 : i32
          %not3A_208 = arith.constant true
          %not3A_209 = arith.xori %ge3A_207, %not3A_208 : i1
          %and3A_210 = arith.andi %or3A_202, %not3A_209 : i1
          %ne3A_211 = arith.cmpi ne, %add3A_155, %add3A_165 : i32
          %or3A_212 = arith.constant false
          %or3A_213 = arith.ori %or3A_212, %ne3A_211 : i1
          %or3A_214 = arith.constant false
          %or3A_215 = arith.ori %or3A_213, %or3A_214 : i1
          %or3A_216 = arith.ori %or3A_215, %eq3A_151 : i1
          %convert_element_type3A_217 = arith.extui %or3A_216 : i1 to i32
          %cond3A_218 = arith.constant 0 : i32
          %cond3A_219 = arith.cmpi ne, %convert_element_type3A_217, %cond3A_218 : i32
          scf.if %cond3A_219 {
            "tpu.trace_start"() <{level = 10 : i32, message = "ep_wait_in"}> : () -> ()
            %mul3A_304 = arith.constant 1 : i32
            %mul3A_305 = arith.muli %mul3A_304, %add3A_155 : i32
            %rem3A_306 = arith.constant 2 : i32
            %rem3A_307 = arith.remui %while3A_144, %rem3A_306 : i32
            %dma_wait3A = arith.constant 0 : i32
            %dma_wait3A_308 = arith.constant 0 : i32
            %dma_wait3A_309 = tpu.memref_slice %run_scoped3A[%rem3A_307, %dma_wait3A, %dma_wait3A_308] : memref<2x1x128xi32, #tpu.memory_space<vmem>> -> memref<1x1x128xi32, #tpu.memory_space<vmem>>
            %dma_wait3A_310 = tpu.memref_squeeze %dma_wait3A_309 : memref<1x1x128xi32, #tpu.memory_space<vmem>> -> memref<1x128xi32, #tpu.memory_space<vmem>>
            %dma_wait3A_311 = arith.constant 0 : i32
            %dma_wait3A_312 = tpu.memref_slice %arg3[%mul3A_305, %dma_wait3A_311] : memref<2500x128xi32, #tpu.memory_space<hbm>> -> memref<1x128xi32, #tpu.memory_space<hbm>>
            %dma_wait3A_313 = tpu.memref_slice %run_scoped3A_17[%rem3A_307] : memref<2x!tpu.dma_semaphore, #tpu.memory_space<semaphore_mem>> -> memref<1x!tpu.dma_semaphore, #tpu.memory_space<semaphore_mem>>
            %dma_wait3A_314 = tpu.memref_squeeze %dma_wait3A_313 : memref<1x!tpu.dma_semaphore, #tpu.memory_space<semaphore_mem>> -> memref<!tpu.dma_semaphore, #tpu.memory_space<semaphore_mem>>
            %dma_wait3A_315 = arith.constant 0 : i32
            %dma_wait3A_316 = arith.constant 0 : i32
            %dma_wait3A_317 = tpu.memref_slice %run_scoped3A[%rem3A_307, %dma_wait3A_315, %dma_wait3A_316] : memref<2x1x128xi32, #tpu.memory_space<vmem>> -> memref<1x1x128xi32, #tpu.memory_space<vmem>>
            %dma_wait3A_318 = tpu.memref_squeeze %dma_wait3A_317 : memref<1x1x128xi32, #tpu.memory_space<vmem>> -> memref<1x128xi32, #tpu.memory_space<vmem>>
            %dma_wait3A_319 = arith.constant 0 : i32
            %dma_wait3A_320 = tpu.memref_slice %arg3[%mul3A_305, %dma_wait3A_319] : memref<2500x128xi32, #tpu.memory_space<hbm>> -> memref<1x128xi32, #tpu.memory_space<hbm>>
            tpu.wait_dma2 semaphore(%dma_wait3A_314 : memref<!tpu.dma_semaphore, #tpu.memory_space<semaphore_mem>>) src(%dma_wait3A_320 : memref<1x128xi32, #tpu.memory_space<hbm>>) dst(%dma_wait3A_318 : memref<1x128xi32, #tpu.memory_space<vmem>>)
            "tpu.trace_stop"() : () -> ()
          } else {
          }
          %ne3A_220 = arith.cmpi ne, %add3A_155, %add3A_165 : i32
          %or3A_221 = arith.constant false
          %or3A_222 = arith.ori %or3A_221, %ne3A_220 : i1
          %or3A_223 = arith.constant false
          %or3A_224 = arith.ori %or3A_222, %or3A_223 : i1
          %or3A_225 = arith.ori %or3A_224, %eq3A_151 : i1
          %convert_element_type3A_226 = arith.extui %or3A_225 : i1 to i32
          %cond3A_227 = arith.constant 0 : i32
          %cond3A_228 = arith.cmpi ne, %convert_element_type3A_226, %cond3A_227 : i32
          scf.if %cond3A_228 {
          } else {
          }
          %rem3A_229 = arith.constant 2 : i32
          %rem3A_230 = arith.remui %while3A_144, %rem3A_229 : i32
          %rem3A_231 = arith.constant 2 : i32
          %rem3A_232 = arith.remui %while3A_145, %rem3A_231 : i32
          %run_scoped3A_233 = arith.constant 0 : i32
          "tpu.trace_start"() <{level = 10 : i32, message = "ep_run_kernel"}> : () -> ()
          "tpu.region"() ({
            %run_scoped3A_304 = tpu.sem_alloc : memref<!tpu.dma_semaphore, #tpu.memory_space<semaphore_mem>>
            %dma_start3A_305 = arith.constant 0 : i32
            %dma_start3A_306 = arith.constant 0 : i32
            %dma_start3A_307 = tpu.memref_slice %run_scoped3A_18[%rem3A_232, %dma_start3A_305, %dma_start3A_306] : memref<2x128x32xf32, #tpu.memory_space<vmem>> -> memref<1x128x32xf32, #tpu.memory_space<vmem>>
            %dma_start3A_308 = tpu.memref_squeeze %dma_start3A_307 : memref<1x128x32xf32, #tpu.memory_space<vmem>> -> memref<128x32xf32, #tpu.memory_space<vmem>>
            %dma_start3A_309 = arith.constant 0 : i32
            %dma_start3A_310 = arith.constant 0 : i32
            %dma_start3A_311 = tpu.memref_slice %run_scoped3A[%rem3A_230, %dma_start3A_309, %dma_start3A_310] : memref<2x1x128xi32, #tpu.memory_space<vmem>> -> memref<1x1x128xi32, #tpu.memory_space<vmem>>
            %dma_start3A_312 = tpu.memref_squeeze %dma_start3A_311 : memref<1x1x128xi32, #tpu.memory_space<vmem>> -> memref<1x128xi32, #tpu.memory_space<vmem>>
            %dma_start3A_313 = arith.constant 0 : i32
            %dma_start3A_314 = tpu.memref_slice %dma_start3A_312[%run_scoped3A_233, %dma_start3A_313] : memref<1x128xi32, #tpu.memory_space<vmem>> -> memref<1x128xi32, #tpu.memory_space<vmem>>
            %dma_start3A_315 = tpu.memref_squeeze %dma_start3A_314 : memref<1x128xi32, #tpu.memory_space<vmem>> -> memref<128xi32, #tpu.memory_space<vmem>>
            %dma_start3A_316 = arith.constant 0 : i32
            %dma_start3A_317 = arith.constant 0 : i32
            %dma_start3A_318 = tpu.memref_slice %arg2[%dma_start3A_316, %dma_start3A_317] : memref<10000x32xf32, #tpu.memory_space<hbm>> -> memref<10000x32xf32, #tpu.memory_space<hbm>>
            tpu.enqueue_indirect_dma source(%dma_start3A_318 : memref<10000x32xf32, #tpu.memory_space<hbm>>) target(%dma_start3A_308 : memref<128x32xf32, #tpu.memory_space<vmem>>) offsets(%dma_start3A_315 : memref<128xi32, #tpu.memory_space<vmem>>) semaphore(%run_scoped3A_304 : memref<!tpu.dma_semaphore, #tpu.memory_space<semaphore_mem>>)
            %dma_wait3A = arith.constant 0 : i32
            %dma_wait3A_319 = arith.constant 0 : i32
            %dma_wait3A_320 = tpu.memref_slice %run_scoped3A_18[%rem3A_232, %dma_wait3A, %dma_wait3A_319] : memref<2x128x32xf32, #tpu.memory_space<vmem>> -> memref<1x128x32xf32, #tpu.memory_space<vmem>>
            %dma_wait3A_321 = tpu.memref_squeeze %dma_wait3A_320 : memref<1x128x32xf32, #tpu.memory_space<vmem>> -> memref<128x32xf32, #tpu.memory_space<vmem>>
            %dma_wait3A_322 = arith.constant 0 : i32
            %dma_wait3A_323 = arith.constant 0 : i32
            %dma_wait3A_324 = tpu.memref_slice %run_scoped3A[%rem3A_230, %dma_wait3A_322, %dma_wait3A_323] : memref<2x1x128xi32, #tpu.memory_space<vmem>> -> memref<1x1x128xi32, #tpu.memory_space<vmem>>
            %dma_wait3A_325 = tpu.memref_squeeze %dma_wait3A_324 : memref<1x1x128xi32, #tpu.memory_space<vmem>> -> memref<1x128xi32, #tpu.memory_space<vmem>>
            %dma_wait3A_326 = arith.constant 0 : i32
            %dma_wait3A_327 = tpu.memref_slice %dma_wait3A_325[%run_scoped3A_233, %dma_wait3A_326] : memref<1x128xi32, #tpu.memory_space<vmem>> -> memref<1x128xi32, #tpu.memory_space<vmem>>
            %dma_wait3A_328 = tpu.memref_squeeze %dma_wait3A_327 : memref<1x128xi32, #tpu.memory_space<vmem>> -> memref<128xi32, #tpu.memory_space<vmem>>
            %dma_wait3A_329 = arith.constant 0 : i32
            %dma_wait3A_330 = arith.constant 0 : i32
            %dma_wait3A_331 = tpu.memref_slice %arg2[%dma_wait3A_329, %dma_wait3A_330] : memref<10000x32xf32, #tpu.memory_space<hbm>> -> memref<10000x32xf32, #tpu.memory_space<hbm>>
            tpu.wait_indirect_dma semaphore(%run_scoped3A_304 : memref<!tpu.dma_semaphore, #tpu.memory_space<semaphore_mem>>) src(%dma_wait3A_331 : memref<10000x32xf32, #tpu.memory_space<hbm>>) dst(%dma_wait3A_321 : memref<128x32xf32, #tpu.memory_space<vmem>>)
            tpu.yield
          }) : () -> ()
          "tpu.trace_stop"() : () -> ()
          %ne3A_234 = arith.cmpi ne, %add3A_155, %add3A_173 : i32
          %or3A_235 = arith.constant false
          %or3A_236 = arith.ori %or3A_235, %ne3A_234 : i1
          %or3A_237 = arith.constant false
          %or3A_238 = arith.ori %or3A_236, %or3A_237 : i1
          %or3A_239 = arith.ori %or3A_238, %eq3A_154 : i1
          %convert_element_type3A_240 = arith.extui %or3A_239 : i1 to i32
          %cond3A_241 = arith.constant 0 : i32
          %cond3A_242 = arith.cmpi ne, %convert_element_type3A_240, %cond3A_241 : i32
          scf.if %cond3A_242 {
          } else {
          }
          %and3A_243 = arith.constant false
          %and3A_244 = arith.andi %or3A_239, %and3A_243 : i1
          %ne3A_245 = arith.cmpi ne, %add3A_155, %add3A_173 : i32
          %or3A_246 = arith.constant false
          %or3A_247 = arith.ori %or3A_246, %ne3A_245 : i1
          %or3A_248 = arith.constant false
          %or3A_249 = arith.ori %or3A_247, %or3A_248 : i1
          %or3A_250 = arith.ori %or3A_249, %eq3A_154 : i1
          %convert_element_type3A_251 = arith.extui %or3A_250 : i1 to i32
          %cond3A_252 = arith.constant 0 : i32
          %cond3A_253 = arith.cmpi ne, %convert_element_type3A_251, %cond3A_252 : i32
          scf.if %cond3A_253 {
            "tpu.trace_start"() <{level = 10 : i32, message = "ep_copy_out"}> : () -> ()
            %rem3A_304 = arith.constant 2 : i32
            %rem3A_305 = arith.remui %while3A_145, %rem3A_304 : i32
            %mul3A_306 = arith.constant 128 : i32
            %mul3A_307 = arith.muli %mul3A_306, %add3A_155 : i32
            %dma_start3A_308 = arith.constant 0 : i32
            %dma_start3A_309 = arith.constant 0 : i32
            %dma_start3A_310 = tpu.memref_slice %run_scoped3A_18[%rem3A_305, %dma_start3A_308, %dma_start3A_309] : memref<2x128x32xf32, #tpu.memory_space<vmem>> -> memref<1x128x32xf32, #tpu.memory_space<vmem>>
            %dma_start3A_311 = tpu.memref_squeeze %dma_start3A_310 : memref<1x128x32xf32, #tpu.memory_space<vmem>> -> memref<128x32xf32, #tpu.memory_space<vmem>>
            %dma_start3A_312 = arith.constant 0 : i32
            %dma_start3A_313 = tpu.memref_slice %arg4[%mul3A_307, %dma_start3A_312] : memref<320000x128xf32, #tpu.memory_space<hbm>> -> memref<128x32xf32, #tpu.memory_space<hbm>>
            %dma_start3A_314 = tpu.memref_slice %run_scoped3A_19[%rem3A_305] : memref<2x!tpu.dma_semaphore, #tpu.memory_space<semaphore_mem>> -> memref<1x!tpu.dma_semaphore, #tpu.memory_space<semaphore_mem>>
            %dma_start3A_315 = tpu.memref_squeeze %dma_start3A_314 : memref<1x!tpu.dma_semaphore, #tpu.memory_space<semaphore_mem>> -> memref<!tpu.dma_semaphore, #tpu.memory_space<semaphore_mem>>
            %dma_start3A_316 = arith.constant 0 : i32
            %dma_start3A_317 = tpu.memref_slice %arg4[%mul3A_307, %dma_start3A_316] : memref<320000x128xf32, #tpu.memory_space<hbm>> -> memref<128x32xf32, #tpu.memory_space<hbm>>
            %dma_start3A_318 = arith.constant 0 : i32
            %dma_start3A_319 = arith.constant 0 : i32
            %dma_start3A_320 = tpu.memref_slice %run_scoped3A_18[%rem3A_305, %dma_start3A_318, %dma_start3A_319] : memref<2x128x32xf32, #tpu.memory_space<vmem>> -> memref<1x128x32xf32, #tpu.memory_space<vmem>>
            %dma_start3A_321 = tpu.memref_squeeze %dma_start3A_320 : memref<1x128x32xf32, #tpu.memory_space<vmem>> -> memref<128x32xf32, #tpu.memory_space<vmem>>
            tpu.enqueue_dma source(%dma_start3A_321 : memref<128x32xf32, #tpu.memory_space<vmem>>) target(%dma_start3A_317 : memref<128x32xf32, #tpu.memory_space<hbm>>) target_semaphore(%dma_start3A_315 : memref<!tpu.dma_semaphore, #tpu.memory_space<semaphore_mem>>)
            "tpu.trace_stop"() : () -> ()
          } else {
          }
          %and3A_254 = arith.constant true
          %and3A_255 = arith.andi %or3A_250, %and3A_254 : i1
          %add3A_256 = arith.constant 1 : i32
          %add3A_257 = arith.addi %while3A_145, %add3A_256 : i32
          %select_n3A_258 = arith.select %and3A_255, %add3A_257, %while3A_145 : i32
          %ne3A_259 = arith.cmpi ne, %add3A_155, %add3A_165 : i32
          %or3A_260 = arith.constant false
          %or3A_261 = arith.ori %or3A_260, %ne3A_259 : i1
          %or3A_262 = arith.constant false
          %or3A_263 = arith.ori %or3A_261, %or3A_262 : i1
          %not3A_264 = arith.constant true
          %not3A_265 = arith.xori %eq3A_151, %not3A_264 : i1
          %and3A_266 = arith.andi %or3A_263, %not3A_265 : i1
          %convert_element_type3A_267 = arith.extui %and3A_266 : i1 to i32
          %cond3A_268 = arith.constant 0 : i32
          %cond3A_269 = arith.cmpi ne, %convert_element_type3A_267, %cond3A_268 : i32
          scf.if %cond3A_269 {
          } else {
          }
          %and3A_270 = arith.constant false
          %and3A_271 = arith.andi %and3A_266, %and3A_270 : i1
          %ne3A_272 = arith.cmpi ne, %add3A_155, %add3A_165 : i32
          %or3A_273 = arith.constant false
          %or3A_274 = arith.ori %or3A_273, %ne3A_272 : i1
          %or3A_275 = arith.constant false
          %or3A_276 = arith.ori %or3A_274, %or3A_275 : i1
          %not3A_277 = arith.constant true
          %not3A_278 = arith.xori %eq3A_151, %not3A_277 : i1
          %and3A_279 = arith.andi %or3A_276, %not3A_278 : i1
          %convert_element_type3A_280 = arith.extui %and3A_279 : i1 to i32
          %cond3A_281 = arith.constant 0 : i32
          %cond3A_282 = arith.cmpi ne, %convert_element_type3A_280, %cond3A_281 : i32
          scf.if %cond3A_282 {
            "tpu.trace_start"() <{level = 10 : i32, message = "ep_wait_out"}> : () -> ()
            %rem3A_304 = arith.constant 2 : i32
            %rem3A_305 = arith.remui %while3A_146, %rem3A_304 : i32
            %mul3A_306 = arith.constant 128 : i32
            %mul3A_307 = arith.muli %mul3A_306, %add3A_165 : i32
            %dma_wait3A = arith.constant 0 : i32
            %dma_wait3A_308 = arith.constant 0 : i32
            %dma_wait3A_309 = tpu.memref_slice %run_scoped3A_18[%rem3A_305, %dma_wait3A, %dma_wait3A_308] : memref<2x128x32xf32, #tpu.memory_space<vmem>> -> memref<1x128x32xf32, #tpu.memory_space<vmem>>
            %dma_wait3A_310 = tpu.memref_squeeze %dma_wait3A_309 : memref<1x128x32xf32, #tpu.memory_space<vmem>> -> memref<128x32xf32, #tpu.memory_space<vmem>>
            %dma_wait3A_311 = arith.constant 0 : i32
            %dma_wait3A_312 = tpu.memref_slice %arg4[%mul3A_307, %dma_wait3A_311] : memref<320000x128xf32, #tpu.memory_space<hbm>> -> memref<128x32xf32, #tpu.memory_space<hbm>>
            %dma_wait3A_313 = tpu.memref_slice %run_scoped3A_19[%rem3A_305] : memref<2x!tpu.dma_semaphore, #tpu.memory_space<semaphore_mem>> -> memref<1x!tpu.dma_semaphore, #tpu.memory_space<semaphore_mem>>
            %dma_wait3A_314 = tpu.memref_squeeze %dma_wait3A_313 : memref<1x!tpu.dma_semaphore, #tpu.memory_space<semaphore_mem>> -> memref<!tpu.dma_semaphore, #tpu.memory_space<semaphore_mem>>
            %dma_wait3A_315 = arith.constant 0 : i32
            %dma_wait3A_316 = tpu.memref_slice %arg4[%mul3A_307, %dma_wait3A_315] : memref<320000x128xf32, #tpu.memory_space<hbm>> -> memref<128x32xf32, #tpu.memory_space<hbm>>
            %dma_wait3A_317 = arith.constant 0 : i32
            %dma_wait3A_318 = arith.constant 0 : i32
            %dma_wait3A_319 = tpu.memref_slice %run_scoped3A_18[%rem3A_305, %dma_wait3A_317, %dma_wait3A_318] : memref<2x128x32xf32, #tpu.memory_space<vmem>> -> memref<1x128x32xf32, #tpu.memory_space<vmem>>
            %dma_wait3A_320 = tpu.memref_squeeze %dma_wait3A_319 : memref<1x128x32xf32, #tpu.memory_space<vmem>> -> memref<128x32xf32, #tpu.memory_space<vmem>>
            tpu.wait_dma2 semaphore(%dma_wait3A_314 : memref<!tpu.dma_semaphore, #tpu.memory_space<semaphore_mem>>) src(%dma_wait3A_320 : memref<128x32xf32, #tpu.memory_space<vmem>>) dst(%dma_wait3A_316 : memref<128x32xf32, #tpu.memory_space<hbm>>)
            "tpu.trace_stop"() : () -> ()
          } else {
          }
          %and3A_283 = arith.constant true
          %and3A_284 = arith.andi %and3A_279, %and3A_283 : i1
          %add3A_285 = arith.constant 1 : i32
          %add3A_286 = arith.addi %while3A_146, %add3A_285 : i32
          %select_n3A_287 = arith.select %and3A_284, %add3A_286, %while3A_146 : i32
          %ne3A_288 = arith.cmpi ne, %add3A_155, %add3A_173 : i32
          %or3A_289 = arith.constant false
          %or3A_290 = arith.ori %or3A_289, %ne3A_288 : i1
          %or3A_291 = arith.constant false
          %or3A_292 = arith.ori %or3A_290, %or3A_291 : i1
          %or3A_293 = arith.ori %or3A_292, %eq3A_154 : i1
          %add3A_294 = arith.constant 1 : i32
          %add3A_295 = arith.addi %while3A_144, %add3A_294 : i32
          %select_n3A_296 = arith.select %or3A_293, %add3A_295, %while3A_144 : i32
          %add3A_297 = arith.constant 1 : i32
          %add3A_298 = arith.addi %while3A_147, %add3A_297 : i32
          %select_n3A_299 = arith.constant true
          %select_n3A_300 = arith.select %select_n3A_299, %add3A_298, %while3A_147 : i32
          %eq3A_301 = arith.cmpi eq, %select_n3A_300, %select_n3A : i32
          %select_n3A_302 = arith.constant 0 : i32
          %select_n3A_303 = arith.select %eq3A_301, %select_n3A_302, %select_n3A_300 : i32
          scf.yield %select_n3A_197, %select_n3A_296, %select_n3A_258, %select_n3A_287, %select_n3A_303 : i32, i32, i32, i32, i32
        }
        %while3A_89 = arith.constant 1 : i32
        %while3A_90:5 = scf.for %while3A_142 = %while3A_86 to %while3A_82 step %while3A_89 iter_args(%while3A_143 = %while3A_88#0, %while3A_144 = %while3A_88#1, %while3A_145 = %while3A_88#2, %while3A_146 = %while3A_88#3, %while3A_147 = %while3A_88#4) -> (i32, i32, i32, i32, i32)  : i32 {
          %mul3A_148 = arith.constant 1 : i32
          %mul3A_149 = arith.muli %mul3A_148, %select_n3A : i32
          %eq3A_150 = arith.constant 0 : i32
          %eq3A_151 = arith.cmpi eq, %while3A_142, %eq3A_150 : i32
          %sub3A_152 = arith.constant 1 : i32
          %sub3A_153 = arith.subi %mul3A_149, %sub3A_152 : i32
          %eq3A_154 = arith.cmpi eq, %while3A_142, %sub3A_153 : i32
          %add3A_155 = arith.addi %while3A_147, %select_n3A_14 : i32
          %sub3A_156 = arith.constant 1 : i32
          %sub3A_157 = arith.subi %while3A_147, %sub3A_156 : i32
          %select_n3A_158 = arith.constant true
          %select_n3A_159 = arith.select %select_n3A_158, %sub3A_157, %while3A_147 : i32
          %eq3A_160 = arith.constant -1 : i32
          %eq3A_161 = arith.cmpi eq, %select_n3A_159, %eq3A_160 : i32
          %sub3A_162 = arith.constant 1 : i32
          %sub3A_163 = arith.subi %select_n3A, %sub3A_162 : i32
          %select_n3A_164 = arith.select %eq3A_161, %sub3A_163, %select_n3A_159 : i32
          %add3A_165 = arith.addi %select_n3A_164, %select_n3A_14 : i32
          %add3A_166 = arith.constant 1 : i32
          %add3A_167 = arith.addi %while3A_147, %add3A_166 : i32
          %select_n3A_168 = arith.constant true
          %select_n3A_169 = arith.select %select_n3A_168, %add3A_167, %while3A_147 : i32
          %eq3A_170 = arith.cmpi eq, %select_n3A_169, %select_n3A : i32
          %select_n3A_171 = arith.constant 0 : i32
          %select_n3A_172 = arith.select %eq3A_170, %select_n3A_171, %select_n3A_169 : i32
          %add3A_173 = arith.addi %select_n3A_172, %select_n3A_14 : i32
          %add3A_174 = arith.constant 1 : i32
          %add3A_175 = arith.addi %select_n3A_172, %add3A_174 : i32
          %select_n3A_176 = arith.constant true
          %select_n3A_177 = arith.select %select_n3A_176, %add3A_175, %select_n3A_172 : i32
          %eq3A_178 = arith.cmpi eq, %select_n3A_177, %select_n3A : i32
          %select_n3A_179 = arith.constant 0 : i32
          %select_n3A_180 = arith.select %eq3A_178, %select_n3A_179, %select_n3A_177 : i32
          %add3A_181 = arith.addi %select_n3A_180, %select_n3A_14 : i32
          %ne3A = arith.cmpi ne, %add3A_155, %add3A_173 : i32
          %or3A = arith.constant false
          %or3A_182 = arith.ori %or3A, %ne3A : i1
          %or3A_183 = arith.constant false
          %or3A_184 = arith.ori %or3A_182, %or3A_183 : i1
          %sub3A_185 = arith.constant 2 : i32
          %sub3A_186 = arith.subi %mul3A_149, %sub3A_185 : i32
          %add3A_187 = arith.constant 1 : i32
          %add3A_188 = arith.addi %sub3A_186, %add3A_187 : i32
          %ge3A = arith.cmpi sge, %while3A_142, %add3A_188 : i32
          %not3A = arith.constant true
          %not3A_189 = arith.xori %ge3A, %not3A : i1
          %and3A = arith.andi %or3A_184, %not3A_189 : i1
          %convert_element_type3A_190 = arith.extui %and3A : i1 to i32
          %cond3A_191 = arith.constant 0 : i32
          %cond3A_192 = arith.cmpi ne, %convert_element_type3A_190, %cond3A_191 : i32
          scf.if %cond3A_192 {
            "tpu.trace_start"() <{level = 10 : i32, message = "ep_copy_in"}> : () -> ()
            %rem3A_304 = arith.constant 2 : i32
            %rem3A_305 = arith.remui %while3A_143, %rem3A_304 : i32
            %mul3A_306 = arith.constant 1 : i32
            %mul3A_307 = arith.muli %mul3A_306, %add3A_173 : i32
            %dma_start3A_308 = arith.constant 0 : i32
            %dma_start3A_309 = arith.constant 0 : i32
            %dma_start3A_310 = tpu.memref_slice %run_scoped3A[%rem3A_305, %dma_start3A_308, %dma_start3A_309] : memref<2x1x128xi32, #tpu.memory_space<vmem>> -> memref<1x1x128xi32, #tpu.memory_space<vmem>>
            %dma_start3A_311 = tpu.memref_squeeze %dma_start3A_310 : memref<1x1x128xi32, #tpu.memory_space<vmem>> -> memref<1x128xi32, #tpu.memory_space<vmem>>
            %dma_start3A_312 = arith.constant 0 : i32
            %dma_start3A_313 = tpu.memref_slice %arg3[%mul3A_307, %dma_start3A_312] : memref<2500x128xi32, #tpu.memory_space<hbm>> -> memref<1x128xi32, #tpu.memory_space<hbm>>
            %dma_start3A_314 = tpu.memref_slice %run_scoped3A_17[%rem3A_305] : memref<2x!tpu.dma_semaphore, #tpu.memory_space<semaphore_mem>> -> memref<1x!tpu.dma_semaphore, #tpu.memory_space<semaphore_mem>>
            %dma_start3A_315 = tpu.memref_squeeze %dma_start3A_314 : memref<1x!tpu.dma_semaphore, #tpu.memory_space<semaphore_mem>> -> memref<!tpu.dma_semaphore, #tpu.memory_space<semaphore_mem>>
            %dma_start3A_316 = arith.constant 0 : i32
            %dma_start3A_317 = arith.constant 0 : i32
            %dma_start3A_318 = tpu.memref_slice %run_scoped3A[%rem3A_305, %dma_start3A_316, %dma_start3A_317] : memref<2x1x128xi32, #tpu.memory_space<vmem>> -> memref<1x1x128xi32, #tpu.memory_space<vmem>>
            %dma_start3A_319 = tpu.memref_squeeze %dma_start3A_318 : memref<1x1x128xi32, #tpu.memory_space<vmem>> -> memref<1x128xi32, #tpu.memory_space<vmem>>
            %dma_start3A_320 = arith.constant 0 : i32
            %dma_start3A_321 = tpu.memref_slice %arg3[%mul3A_307, %dma_start3A_320] : memref<2500x128xi32, #tpu.memory_space<hbm>> -> memref<1x128xi32, #tpu.memory_space<hbm>>
            tpu.enqueue_dma source(%dma_start3A_321 : memref<1x128xi32, #tpu.memory_space<hbm>>) target(%dma_start3A_319 : memref<1x128xi32, #tpu.memory_space<vmem>>) target_semaphore(%dma_start3A_315 : memref<!tpu.dma_semaphore, #tpu.memory_space<semaphore_mem>>)
            "tpu.trace_stop"() : () -> ()
          } else {
          }
          %and3A_193 = arith.constant true
          %and3A_194 = arith.andi %and3A, %and3A_193 : i1
          %add3A_195 = arith.constant 1 : i32
          %add3A_196 = arith.addi %while3A_143, %add3A_195 : i32
          %select_n3A_197 = arith.select %and3A_194, %add3A_196, %while3A_143 : i32
          %ne3A_198 = arith.cmpi ne, %add3A_155, %add3A_173 : i32
          %or3A_199 = arith.constant false
          %or3A_200 = arith.ori %or3A_199, %ne3A_198 : i1
          %or3A_201 = arith.constant false
          %or3A_202 = arith.ori %or3A_200, %or3A_201 : i1
          %sub3A_203 = arith.constant 2 : i32
          %sub3A_204 = arith.subi %mul3A_149, %sub3A_203 : i32
          %add3A_205 = arith.constant 1 : i32
          %add3A_206 = arith.addi %sub3A_204, %add3A_205 : i32
          %ge3A_207 = arith.cmpi sge, %while3A_142, %add3A_206 : i32
          %not3A_208 = arith.constant true
          %not3A_209 = arith.xori %ge3A_207, %not3A_208 : i1
          %and3A_210 = arith.andi %or3A_202, %not3A_209 : i1
          %ne3A_211 = arith.cmpi ne, %add3A_155, %add3A_165 : i32
          %or3A_212 = arith.constant false
          %or3A_213 = arith.ori %or3A_212, %ne3A_211 : i1
          %or3A_214 = arith.constant false
          %or3A_215 = arith.ori %or3A_213, %or3A_214 : i1
          %or3A_216 = arith.ori %or3A_215, %eq3A_151 : i1
          %convert_element_type3A_217 = arith.extui %or3A_216 : i1 to i32
          %cond3A_218 = arith.constant 0 : i32
          %cond3A_219 = arith.cmpi ne, %convert_element_type3A_217, %cond3A_218 : i32
          scf.if %cond3A_219 {
            "tpu.trace_start"() <{level = 10 : i32, message = "ep_wait_in"}> : () -> ()
            %mul3A_304 = arith.constant 1 : i32
            %mul3A_305 = arith.muli %mul3A_304, %add3A_155 : i32
            %rem3A_306 = arith.constant 2 : i32
            %rem3A_307 = arith.remui %while3A_144, %rem3A_306 : i32
            %dma_wait3A = arith.constant 0 : i32
            %dma_wait3A_308 = arith.constant 0 : i32
            %dma_wait3A_309 = tpu.memref_slice %run_scoped3A[%rem3A_307, %dma_wait3A, %dma_wait3A_308] : memref<2x1x128xi32, #tpu.memory_space<vmem>> -> memref<1x1x128xi32, #tpu.memory_space<vmem>>
            %dma_wait3A_310 = tpu.memref_squeeze %dma_wait3A_309 : memref<1x1x128xi32, #tpu.memory_space<vmem>> -> memref<1x128xi32, #tpu.memory_space<vmem>>
            %dma_wait3A_311 = arith.constant 0 : i32
            %dma_wait3A_312 = tpu.memref_slice %arg3[%mul3A_305, %dma_wait3A_311] : memref<2500x128xi32, #tpu.memory_space<hbm>> -> memref<1x128xi32, #tpu.memory_space<hbm>>
            %dma_wait3A_313 = tpu.memref_slice %run_scoped3A_17[%rem3A_307] : memref<2x!tpu.dma_semaphore, #tpu.memory_space<semaphore_mem>> -> memref<1x!tpu.dma_semaphore, #tpu.memory_space<semaphore_mem>>
            %dma_wait3A_314 = tpu.memref_squeeze %dma_wait3A_313 : memref<1x!tpu.dma_semaphore, #tpu.memory_space<semaphore_mem>> -> memref<!tpu.dma_semaphore, #tpu.memory_space<semaphore_mem>>
            %dma_wait3A_315 = arith.constant 0 : i32
            %dma_wait3A_316 = arith.constant 0 : i32
            %dma_wait3A_317 = tpu.memref_slice %run_scoped3A[%rem3A_307, %dma_wait3A_315, %dma_wait3A_316] : memref<2x1x128xi32, #tpu.memory_space<vmem>> -> memref<1x1x128xi32, #tpu.memory_space<vmem>>
            %dma_wait3A_318 = tpu.memref_squeeze %dma_wait3A_317 : memref<1x1x128xi32, #tpu.memory_space<vmem>> -> memref<1x128xi32, #tpu.memory_space<vmem>>
            %dma_wait3A_319 = arith.constant 0 : i32
            %dma_wait3A_320 = tpu.memref_slice %arg3[%mul3A_305, %dma_wait3A_319] : memref<2500x128xi32, #tpu.memory_space<hbm>> -> memref<1x128xi32, #tpu.memory_space<hbm>>
            tpu.wait_dma2 semaphore(%dma_wait3A_314 : memref<!tpu.dma_semaphore, #tpu.memory_space<semaphore_mem>>) src(%dma_wait3A_320 : memref<1x128xi32, #tpu.memory_space<hbm>>) dst(%dma_wait3A_318 : memref<1x128xi32, #tpu.memory_space<vmem>>)
            "tpu.trace_stop"() : () -> ()
          } else {
          }
          %ne3A_220 = arith.cmpi ne, %add3A_155, %add3A_165 : i32
          %or3A_221 = arith.constant false
          %or3A_222 = arith.ori %or3A_221, %ne3A_220 : i1
          %or3A_223 = arith.constant false
          %or3A_224 = arith.ori %or3A_222, %or3A_223 : i1
          %or3A_225 = arith.ori %or3A_224, %eq3A_151 : i1
          %convert_element_type3A_226 = arith.extui %or3A_225 : i1 to i32
          %cond3A_227 = arith.constant 0 : i32
          %cond3A_228 = arith.cmpi ne, %convert_element_type3A_226, %cond3A_227 : i32
          scf.if %cond3A_228 {
          } else {
          }
          %rem3A_229 = arith.constant 2 : i32
          %rem3A_230 = arith.remui %while3A_144, %rem3A_229 : i32
          %rem3A_231 = arith.constant 2 : i32
          %rem3A_232 = arith.remui %while3A_145, %rem3A_231 : i32
          %run_scoped3A_233 = arith.constant 0 : i32
          "tpu.trace_start"() <{level = 10 : i32, message = "ep_run_kernel"}> : () -> ()
          "tpu.region"() ({
            %run_scoped3A_304 = tpu.sem_alloc : memref<!tpu.dma_semaphore, #tpu.memory_space<semaphore_mem>>
            %dma_start3A_305 = arith.constant 0 : i32
            %dma_start3A_306 = arith.constant 0 : i32
            %dma_start3A_307 = tpu.memref_slice %run_scoped3A_18[%rem3A_232, %dma_start3A_305, %dma_start3A_306] : memref<2x128x32xf32, #tpu.memory_space<vmem>> -> memref<1x128x32xf32, #tpu.memory_space<vmem>>
            %dma_start3A_308 = tpu.memref_squeeze %dma_start3A_307 : memref<1x128x32xf32, #tpu.memory_space<vmem>> -> memref<128x32xf32, #tpu.memory_space<vmem>>
            %dma_start3A_309 = arith.constant 0 : i32
            %dma_start3A_310 = arith.constant 0 : i32
            %dma_start3A_311 = tpu.memref_slice %run_scoped3A[%rem3A_230, %dma_start3A_309, %dma_start3A_310] : memref<2x1x128xi32, #tpu.memory_space<vmem>> -> memref<1x1x128xi32, #tpu.memory_space<vmem>>
            %dma_start3A_312 = tpu.memref_squeeze %dma_start3A_311 : memref<1x1x128xi32, #tpu.memory_space<vmem>> -> memref<1x128xi32, #tpu.memory_space<vmem>>
            %dma_start3A_313 = arith.constant 0 : i32
            %dma_start3A_314 = tpu.memref_slice %dma_start3A_312[%run_scoped3A_233, %dma_start3A_313] : memref<1x128xi32, #tpu.memory_space<vmem>> -> memref<1x128xi32, #tpu.memory_space<vmem>>
            %dma_start3A_315 = tpu.memref_squeeze %dma_start3A_314 : memref<1x128xi32, #tpu.memory_space<vmem>> -> memref<128xi32, #tpu.memory_space<vmem>>
            %dma_start3A_316 = arith.constant 0 : i32
            %dma_start3A_317 = arith.constant 0 : i32
            %dma_start3A_318 = tpu.memref_slice %arg2[%dma_start3A_316, %dma_start3A_317] : memref<10000x32xf32, #tpu.memory_space<hbm>> -> memref<10000x32xf32, #tpu.memory_space<hbm>>
            tpu.enqueue_indirect_dma source(%dma_start3A_318 : memref<10000x32xf32, #tpu.memory_space<hbm>>) target(%dma_start3A_308 : memref<128x32xf32, #tpu.memory_space<vmem>>) offsets(%dma_start3A_315 : memref<128xi32, #tpu.memory_space<vmem>>) semaphore(%run_scoped3A_304 : memref<!tpu.dma_semaphore, #tpu.memory_space<semaphore_mem>>)
            %dma_wait3A = arith.constant 0 : i32
            %dma_wait3A_319 = arith.constant 0 : i32
            %dma_wait3A_320 = tpu.memref_slice %run_scoped3A_18[%rem3A_232, %dma_wait3A, %dma_wait3A_319] : memref<2x128x32xf32, #tpu.memory_space<vmem>> -> memref<1x128x32xf32, #tpu.memory_space<vmem>>
            %dma_wait3A_321 = tpu.memref_squeeze %dma_wait3A_320 : memref<1x128x32xf32, #tpu.memory_space<vmem>> -> memref<128x32xf32, #tpu.memory_space<vmem>>
            %dma_wait3A_322 = arith.constant 0 : i32
            %dma_wait3A_323 = arith.constant 0 : i32
            %dma_wait3A_324 = tpu.memref_slice %run_scoped3A[%rem3A_230, %dma_wait3A_322, %dma_wait3A_323] : memref<2x1x128xi32, #tpu.memory_space<vmem>> -> memref<1x1x128xi32, #tpu.memory_space<vmem>>
            %dma_wait3A_325 = tpu.memref_squeeze %dma_wait3A_324 : memref<1x1x128xi32, #tpu.memory_space<vmem>> -> memref<1x128xi32, #tpu.memory_space<vmem>>
            %dma_wait3A_326 = arith.constant 0 : i32
            %dma_wait3A_327 = tpu.memref_slice %dma_wait3A_325[%run_scoped3A_233, %dma_wait3A_326] : memref<1x128xi32, #tpu.memory_space<vmem>> -> memref<1x128xi32, #tpu.memory_space<vmem>>
            %dma_wait3A_328 = tpu.memref_squeeze %dma_wait3A_327 : memref<1x128xi32, #tpu.memory_space<vmem>> -> memref<128xi32, #tpu.memory_space<vmem>>
            %dma_wait3A_329 = arith.constant 0 : i32
            %dma_wait3A_330 = arith.constant 0 : i32
            %dma_wait3A_331 = tpu.memref_slice %arg2[%dma_wait3A_329, %dma_wait3A_330] : memref<10000x32xf32, #tpu.memory_space<hbm>> -> memref<10000x32xf32, #tpu.memory_space<hbm>>
            tpu.wait_indirect_dma semaphore(%run_scoped3A_304 : memref<!tpu.dma_semaphore, #tpu.memory_space<semaphore_mem>>) src(%dma_wait3A_331 : memref<10000x32xf32, #tpu.memory_space<hbm>>) dst(%dma_wait3A_321 : memref<128x32xf32, #tpu.memory_space<vmem>>)
            tpu.yield
          }) : () -> ()
          "tpu.trace_stop"() : () -> ()
          %ne3A_234 = arith.cmpi ne, %add3A_155, %add3A_173 : i32
          %or3A_235 = arith.constant false
          %or3A_236 = arith.ori %or3A_235, %ne3A_234 : i1
          %or3A_237 = arith.constant false
          %or3A_238 = arith.ori %or3A_236, %or3A_237 : i1
          %or3A_239 = arith.ori %or3A_238, %eq3A_154 : i1
          %convert_element_type3A_240 = arith.extui %or3A_239 : i1 to i32
          %cond3A_241 = arith.constant 0 : i32
          %cond3A_242 = arith.cmpi ne, %convert_element_type3A_240, %cond3A_241 : i32
          scf.if %cond3A_242 {
          } else {
          }
          %and3A_243 = arith.constant false
          %and3A_244 = arith.andi %or3A_239, %and3A_243 : i1
          %ne3A_245 = arith.cmpi ne, %add3A_155, %add3A_173 : i32
          %or3A_246 = arith.constant false
          %or3A_247 = arith.ori %or3A_246, %ne3A_245 : i1
          %or3A_248 = arith.constant false
          %or3A_249 = arith.ori %or3A_247, %or3A_248 : i1
          %or3A_250 = arith.ori %or3A_249, %eq3A_154 : i1
          %convert_element_type3A_251 = arith.extui %or3A_250 : i1 to i32
          %cond3A_252 = arith.constant 0 : i32
          %cond3A_253 = arith.cmpi ne, %convert_element_type3A_251, %cond3A_252 : i32
          scf.if %cond3A_253 {
            "tpu.trace_start"() <{level = 10 : i32, message = "ep_copy_out"}> : () -> ()
            %rem3A_304 = arith.constant 2 : i32
            %rem3A_305 = arith.remui %while3A_145, %rem3A_304 : i32
            %mul3A_306 = arith.constant 128 : i32
            %mul3A_307 = arith.muli %mul3A_306, %add3A_155 : i32
            %dma_start3A_308 = arith.constant 0 : i32
            %dma_start3A_309 = arith.constant 0 : i32
            %dma_start3A_310 = tpu.memref_slice %run_scoped3A_18[%rem3A_305, %dma_start3A_308, %dma_start3A_309] : memref<2x128x32xf32, #tpu.memory_space<vmem>> -> memref<1x128x32xf32, #tpu.memory_space<vmem>>
            %dma_start3A_311 = tpu.memref_squeeze %dma_start3A_310 : memref<1x128x32xf32, #tpu.memory_space<vmem>> -> memref<128x32xf32, #tpu.memory_space<vmem>>
            %dma_start3A_312 = arith.constant 0 : i32
            %dma_start3A_313 = tpu.memref_slice %arg4[%mul3A_307, %dma_start3A_312] : memref<320000x128xf32, #tpu.memory_space<hbm>> -> memref<128x32xf32, #tpu.memory_space<hbm>>
            %dma_start3A_314 = tpu.memref_slice %run_scoped3A_19[%rem3A_305] : memref<2x!tpu.dma_semaphore, #tpu.memory_space<semaphore_mem>> -> memref<1x!tpu.dma_semaphore, #tpu.memory_space<semaphore_mem>>
            %dma_start3A_315 = tpu.memref_squeeze %dma_start3A_314 : memref<1x!tpu.dma_semaphore, #tpu.memory_space<semaphore_mem>> -> memref<!tpu.dma_semaphore, #tpu.memory_space<semaphore_mem>>
            %dma_start3A_316 = arith.constant 0 : i32
            %dma_start3A_317 = tpu.memref_slice %arg4[%mul3A_307, %dma_start3A_316] : memref<320000x128xf32, #tpu.memory_space<hbm>> -> memref<128x32xf32, #tpu.memory_space<hbm>>
            %dma_start3A_318 = arith.constant 0 : i32
            %dma_start3A_319 = arith.constant 0 : i32
            %dma_start3A_320 = tpu.memref_slice %run_scoped3A_18[%rem3A_305, %dma_start3A_318, %dma_start3A_319] : memref<2x128x32xf32, #tpu.memory_space<vmem>> -> memref<1x128x32xf32, #tpu.memory_space<vmem>>
            %dma_start3A_321 = tpu.memref_squeeze %dma_start3A_320 : memref<1x128x32xf32, #tpu.memory_space<vmem>> -> memref<128x32xf32, #tpu.memory_space<vmem>>
            tpu.enqueue_dma source(%dma_start3A_321 : memref<128x32xf32, #tpu.memory_space<vmem>>) target(%dma_start3A_317 : memref<128x32xf32, #tpu.memory_space<hbm>>) target_semaphore(%dma_start3A_315 : memref<!tpu.dma_semaphore, #tpu.memory_space<semaphore_mem>>)
            "tpu.trace_stop"() : () -> ()
          } else {
          }
          %and3A_254 = arith.constant true
          %and3A_255 = arith.andi %or3A_250, %and3A_254 : i1
          %add3A_256 = arith.constant 1 : i32
          %add3A_257 = arith.addi %while3A_145, %add3A_256 : i32
          %select_n3A_258 = arith.select %and3A_255, %add3A_257, %while3A_145 : i32
          %ne3A_259 = arith.cmpi ne, %add3A_155, %add3A_165 : i32
          %or3A_260 = arith.constant false
          %or3A_261 = arith.ori %or3A_260, %ne3A_259 : i1
          %or3A_262 = arith.constant false
          %or3A_263 = arith.ori %or3A_261, %or3A_262 : i1
          %not3A_264 = arith.constant true
          %not3A_265 = arith.xori %eq3A_151, %not3A_264 : i1
          %and3A_266 = arith.andi %or3A_263, %not3A_265 : i1
          %convert_element_type3A_267 = arith.extui %and3A_266 : i1 to i32
          %cond3A_268 = arith.constant 0 : i32
          %cond3A_269 = arith.cmpi ne, %convert_element_type3A_267, %cond3A_268 : i32
          scf.if %cond3A_269 {
          } else {
          }
          %and3A_270 = arith.constant false
          %and3A_271 = arith.andi %and3A_266, %and3A_270 : i1
          %ne3A_272 = arith.cmpi ne, %add3A_155, %add3A_165 : i32
          %or3A_273 = arith.constant false
          %or3A_274 = arith.ori %or3A_273, %ne3A_272 : i1
          %or3A_275 = arith.constant false
          %or3A_276 = arith.ori %or3A_274, %or3A_275 : i1
          %not3A_277 = arith.constant true
          %not3A_278 = arith.xori %eq3A_151, %not3A_277 : i1
          %and3A_279 = arith.andi %or3A_276, %not3A_278 : i1
          %convert_element_type3A_280 = arith.extui %and3A_279 : i1 to i32
          %cond3A_281 = arith.constant 0 : i32
          %cond3A_282 = arith.cmpi ne, %convert_element_type3A_280, %cond3A_281 : i32
          scf.if %cond3A_282 {
            "tpu.trace_start"() <{level = 10 : i32, message = "ep_wait_out"}> : () -> ()
            %rem3A_304 = arith.constant 2 : i32
            %rem3A_305 = arith.remui %while3A_146, %rem3A_304 : i32
            %mul3A_306 = arith.constant 128 : i32
            %mul3A_307 = arith.muli %mul3A_306, %add3A_165 : i32
            %dma_wait3A = arith.constant 0 : i32
            %dma_wait3A_308 = arith.constant 0 : i32
            %dma_wait3A_309 = tpu.memref_slice %run_scoped3A_18[%rem3A_305, %dma_wait3A, %dma_wait3A_308] : memref<2x128x32xf32, #tpu.memory_space<vmem>> -> memref<1x128x32xf32, #tpu.memory_space<vmem>>
            %dma_wait3A_310 = tpu.memref_squeeze %dma_wait3A_309 : memref<1x128x32xf32, #tpu.memory_space<vmem>> -> memref<128x32xf32, #tpu.memory_space<vmem>>
            %dma_wait3A_311 = arith.constant 0 : i32
            %dma_wait3A_312 = tpu.memref_slice %arg4[%mul3A_307, %dma_wait3A_311] : memref<320000x128xf32, #tpu.memory_space<hbm>> -> memref<128x32xf32, #tpu.memory_space<hbm>>
            %dma_wait3A_313 = tpu.memref_slice %run_scoped3A_19[%rem3A_305] : memref<2x!tpu.dma_semaphore, #tpu.memory_space<semaphore_mem>> -> memref<1x!tpu.dma_semaphore, #tpu.memory_space<semaphore_mem>>
            %dma_wait3A_314 = tpu.memref_squeeze %dma_wait3A_313 : memref<1x!tpu.dma_semaphore, #tpu.memory_space<semaphore_mem>> -> memref<!tpu.dma_semaphore, #tpu.memory_space<semaphore_mem>>
            %dma_wait3A_315 = arith.constant 0 : i32
            %dma_wait3A_316 = tpu.memref_slice %arg4[%mul3A_307, %dma_wait3A_315] : memref<320000x128xf32, #tpu.memory_space<hbm>> -> memref<128x32xf32, #tpu.memory_space<hbm>>
            %dma_wait3A_317 = arith.constant 0 : i32
            %dma_wait3A_318 = arith.constant 0 : i32
            %dma_wait3A_319 = tpu.memref_slice %run_scoped3A_18[%rem3A_305, %dma_wait3A_317, %dma_wait3A_318] : memref<2x128x32xf32, #tpu.memory_space<vmem>> -> memref<1x128x32xf32, #tpu.memory_space<vmem>>
            %dma_wait3A_320 = tpu.memref_squeeze %dma_wait3A_319 : memref<1x128x32xf32, #tpu.memory_space<vmem>> -> memref<128x32xf32, #tpu.memory_space<vmem>>
            tpu.wait_dma2 semaphore(%dma_wait3A_314 : memref<!tpu.dma_semaphore, #tpu.memory_space<semaphore_mem>>) src(%dma_wait3A_320 : memref<128x32xf32, #tpu.memory_space<vmem>>) dst(%dma_wait3A_316 : memref<128x32xf32, #tpu.memory_space<hbm>>)
            "tpu.trace_stop"() : () -> ()
          } else {
          }
          %and3A_283 = arith.constant true
          %and3A_284 = arith.andi %and3A_279, %and3A_283 : i1
          %add3A_285 = arith.constant 1 : i32
          %add3A_286 = arith.addi %while3A_146, %add3A_285 : i32
          %select_n3A_287 = arith.select %and3A_284, %add3A_286, %while3A_146 : i32
          %ne3A_288 = arith.cmpi ne, %add3A_155, %add3A_173 : i32
          %or3A_289 = arith.constant false
          %or3A_290 = arith.ori %or3A_289, %ne3A_288 : i1
          %or3A_291 = arith.constant false
          %or3A_292 = arith.ori %or3A_290, %or3A_291 : i1
          %or3A_293 = arith.ori %or3A_292, %eq3A_154 : i1
          %add3A_294 = arith.constant 1 : i32
          %add3A_295 = arith.addi %while3A_144, %add3A_294 : i32
          %select_n3A_296 = arith.select %or3A_293, %add3A_295, %while3A_144 : i32
          %add3A_297 = arith.constant 1 : i32
          %add3A_298 = arith.addi %while3A_147, %add3A_297 : i32
          %select_n3A_299 = arith.constant true
          %select_n3A_300 = arith.select %select_n3A_299, %add3A_298, %while3A_147 : i32
          %eq3A_301 = arith.cmpi eq, %select_n3A_300, %select_n3A : i32
          %select_n3A_302 = arith.constant 0 : i32
          %select_n3A_303 = arith.select %eq3A_301, %select_n3A_302, %select_n3A_300 : i32
          scf.yield %select_n3A_197, %select_n3A_296, %select_n3A_258, %select_n3A_287, %select_n3A_303 : i32, i32, i32, i32, i32
        }
        %sub3A_91 = arith.constant 1 : i32
        %sub3A_92 = arith.subi %while3A_90#4, %sub3A_91 : i32
        %select_n3A_93 = arith.constant true
        %select_n3A_94 = arith.select %select_n3A_93, %sub3A_92, %while3A_90#4 : i32
        %eq3A_95 = arith.constant -1 : i32
        %eq3A_96 = arith.cmpi eq, %select_n3A_94, %eq3A_95 : i32
        %sub3A_97 = arith.constant 1 : i32
        %sub3A_98 = arith.subi %select_n3A, %sub3A_97 : i32
        %select_n3A_99 = arith.select %eq3A_96, %sub3A_98, %select_n3A_94 : i32
        %sub3A_100 = arith.constant 1 : i32
        %sub3A_101 = arith.subi %mul3A_16, %sub3A_100 : i32
        %mul3A_102 = arith.constant 1 : i32
        %mul3A_103 = arith.muli %mul3A_102, %select_n3A : i32
        %eq3A_104 = arith.constant 0 : i32
        %eq3A_105 = arith.cmpi eq, %sub3A_101, %eq3A_104 : i32
        %sub3A_106 = arith.constant 1 : i32
        %sub3A_107 = arith.subi %mul3A_103, %sub3A_106 : i32
        %eq3A_108 = arith.cmpi eq, %sub3A_101, %sub3A_107 : i32
        %add3A_109 = arith.addi %select_n3A_99, %select_n3A_14 : i32
        %sub3A_110 = arith.constant 1 : i32
        %sub3A_111 = arith.subi %select_n3A_99, %sub3A_110 : i32
        %select_n3A_112 = arith.constant true
        %select_n3A_113 = arith.select %select_n3A_112, %sub3A_111, %select_n3A_99 : i32
        %eq3A_114 = arith.constant -1 : i32
        %eq3A_115 = arith.cmpi eq, %select_n3A_113, %eq3A_114 : i32
        %sub3A_116 = arith.constant 1 : i32
        %sub3A_117 = arith.subi %select_n3A, %sub3A_116 : i32
        %select_n3A_118 = arith.select %eq3A_115, %sub3A_117, %select_n3A_113 : i32
        %add3A_119 = arith.addi %select_n3A_118, %select_n3A_14 : i32
        %add3A_120 = arith.constant 1 : i32
        %add3A_121 = arith.addi %select_n3A_99, %add3A_120 : i32
        %select_n3A_122 = arith.constant true
        %select_n3A_123 = arith.select %select_n3A_122, %add3A_121, %select_n3A_99 : i32
        %eq3A_124 = arith.cmpi eq, %select_n3A_123, %select_n3A : i32
        %select_n3A_125 = arith.constant 0 : i32
        %select_n3A_126 = arith.select %eq3A_124, %select_n3A_125, %select_n3A_123 : i32
        %add3A_127 = arith.addi %select_n3A_126, %select_n3A_14 : i32
        %add3A_128 = arith.constant 1 : i32
        %add3A_129 = arith.addi %select_n3A_126, %add3A_128 : i32
        %select_n3A_130 = arith.constant true
        %select_n3A_131 = arith.select %select_n3A_130, %add3A_129, %select_n3A_126 : i32
        %eq3A_132 = arith.cmpi eq, %select_n3A_131, %select_n3A : i32
        %select_n3A_133 = arith.constant 0 : i32
        %select_n3A_134 = arith.select %eq3A_132, %select_n3A_133, %select_n3A_131 : i32
        %add3A_135 = arith.addi %select_n3A_134, %select_n3A_14 : i32
        %convert_element_type3A_136 = arith.extui %eq3A_108 : i1 to i32
        %cond3A_137 = arith.constant 0 : i32
        %cond3A_138 = arith.cmpi ne, %convert_element_type3A_136, %cond3A_137 : i32
        scf.if %cond3A_138 {
        } else {
        }
        %convert_element_type3A_139 = arith.extui %eq3A_108 : i1 to i32
        %cond3A_140 = arith.constant 0 : i32
        %cond3A_141 = arith.cmpi ne, %convert_element_type3A_139, %cond3A_140 : i32
        scf.if %cond3A_141 {
          "tpu.trace_start"() <{level = 10 : i32, message = "ep_finalize"}> : () -> ()
          %rem3A_142 = arith.constant 2 : i32
          %rem3A_143 = arith.remui %while3A_90#3, %rem3A_142 : i32
          %mul3A_144 = arith.constant 128 : i32
          %mul3A_145 = arith.muli %mul3A_144, %add3A_109 : i32
          %dma_wait3A = arith.constant 0 : i32
          %dma_wait3A_146 = arith.constant 0 : i32
          %dma_wait3A_147 = tpu.memref_slice %run_scoped3A_18[%rem3A_143, %dma_wait3A, %dma_wait3A_146] : memref<2x128x32xf32, #tpu.memory_space<vmem>> -> memref<1x128x32xf32, #tpu.memory_space<vmem>>
          %dma_wait3A_148 = tpu.memref_squeeze %dma_wait3A_147 : memref<1x128x32xf32, #tpu.memory_space<vmem>> -> memref<128x32xf32, #tpu.memory_space<vmem>>
          %dma_wait3A_149 = arith.constant 0 : i32
          %dma_wait3A_150 = tpu.memref_slice %arg4[%mul3A_145, %dma_wait3A_149] : memref<320000x128xf32, #tpu.memory_space<hbm>> -> memref<128x32xf32, #tpu.memory_space<hbm>>
          %dma_wait3A_151 = tpu.memref_slice %run_scoped3A_19[%rem3A_143] : memref<2x!tpu.dma_semaphore, #tpu.memory_space<semaphore_mem>> -> memref<1x!tpu.dma_semaphore, #tpu.memory_space<semaphore_mem>>
          %dma_wait3A_152 = tpu.memref_squeeze %dma_wait3A_151 : memref<1x!tpu.dma_semaphore, #tpu.memory_space<semaphore_mem>> -> memref<!tpu.dma_semaphore, #tpu.memory_space<semaphore_mem>>
          %dma_wait3A_153 = arith.constant 0 : i32
          %dma_wait3A_154 = tpu.memref_slice %arg4[%mul3A_145, %dma_wait3A_153] : memref<320000x128xf32, #tpu.memory_space<hbm>> -> memref<128x32xf32, #tpu.memory_space<hbm>>
          %dma_wait3A_155 = arith.constant 0 : i32
          %dma_wait3A_156 = arith.constant 0 : i32
          %dma_wait3A_157 = tpu.memref_slice %run_scoped3A_18[%rem3A_143, %dma_wait3A_155, %dma_wait3A_156] : memref<2x128x32xf32, #tpu.memory_space<vmem>> -> memref<1x128x32xf32, #tpu.memory_space<vmem>>
          %dma_wait3A_158 = tpu.memref_squeeze %dma_wait3A_157 : memref<1x128x32xf32, #tpu.memory_space<vmem>> -> memref<128x32xf32, #tpu.memory_space<vmem>>
          tpu.wait_dma2 semaphore(%dma_wait3A_152 : memref<!tpu.dma_semaphore, #tpu.memory_space<semaphore_mem>>) src(%dma_wait3A_158 : memref<128x32xf32, #tpu.memory_space<vmem>>) dst(%dma_wait3A_154 : memref<128x32xf32, #tpu.memory_space<hbm>>)
          "tpu.trace_stop"() : () -> ()
        } else {
        }
      } else {
      }
      tpu.yield
    }) : () -> ()
    return
  }
}

#map = affine_map<(d0, d1) -> (0, 0)>
#map1 = affine_map<(d0, d1) -> (0, 0, 0)>
module attributes {stable_mosaic.version = 14 : i64} {
  func.func @k(%arg0: i32, %arg1: i32, %arg2: memref<320000x128xf32, #tpu.memory_space<hbm>>, %arg3: memref<2500x128xi32, #tpu.memory_space<hbm>>, %arg4: memref<10000x32xf32, #tpu.memory_space<hbm>>, %arg5: memref<2x10000x32xf32, #tpu.memory_space<hbm>>, %arg6: memref<10000x32xf32, #tpu.memory_space<vmem_shared>>) attributes {dimension_semantics = [#tpu.dimension_semantics<core_parallel>, #tpu.dimension_semantics<subcore_parallel>], iteration_bounds = array<i64: 2, 16>, scalar_prefetch = 0 : i64, scratch_operands = 1 : i64, tpu.core_type = #tpu.core_type<sc_vector_subcore>, window_params = [{transform_indices = #map}, {transform_indices = #map}, {transform_indices = #map}, {transform_indices = #map1}]} {
    %mul3A = arith.constant 625 : i32
    %mul3A_0 = arith.muli %arg1, %mul3A : i32
    "tpu.region"() ({
      %run_scoped3A = tpu.sem_alloc : memref<!tpu.dma_semaphore, #tpu.memory_space<semaphore_mem>>
      %dma_start3A = arith.constant 0 : i32
      %dma_start3A_20 = tpu.memref_slice %arg6[%mul3A_0, %dma_start3A] : memref<10000x32xf32, #tpu.memory_space<vmem_shared>> -> memref<625x32xf32, #tpu.memory_space<vmem_shared>>
      %dma_start3A_21 = arith.constant 0 : i32
      %dma_start3A_22 = tpu.memref_slice %arg4[%mul3A_0, %dma_start3A_21] : memref<10000x32xf32, #tpu.memory_space<hbm>> -> memref<625x32xf32, #tpu.memory_space<hbm>>
      tpu.enqueue_dma source(%dma_start3A_22 : memref<625x32xf32, #tpu.memory_space<hbm>>) target(%dma_start3A_20 : memref<625x32xf32, #tpu.memory_space<vmem_shared>>) target_semaphore(%run_scoped3A : memref<!tpu.dma_semaphore, #tpu.memory_space<semaphore_mem>>)
      %dma_wait3A = arith.constant 0 : i32
      %dma_wait3A_23 = tpu.memref_slice %arg6[%mul3A_0, %dma_wait3A] : memref<10000x32xf32, #tpu.memory_space<vmem_shared>> -> memref<625x32xf32, #tpu.memory_space<vmem_shared>>
      %dma_wait3A_24 = arith.constant 0 : i32
      %dma_wait3A_25 = tpu.memref_slice %arg4[%mul3A_0, %dma_wait3A_24] : memref<10000x32xf32, #tpu.memory_space<hbm>> -> memref<625x32xf32, #tpu.memory_space<hbm>>
      tpu.wait_dma2 semaphore(%run_scoped3A : memref<!tpu.dma_semaphore, #tpu.memory_space<semaphore_mem>>) src(%dma_wait3A_25 : memref<625x32xf32, #tpu.memory_space<hbm>>) dst(%dma_wait3A_23 : memref<625x32xf32, #tpu.memory_space<vmem_shared>>)
      tpu.yield
    }) : () -> ()
    %barrier3A = arith.constant 0 : index
    tpu.barrier barrier_id(%barrier3A)
    %mul3A_1 = arith.constant 1 : i32
    %mul3A_2 = arith.muli %arg1, %mul3A_1 : i32
    %add3A = arith.constant 0 : i32
    %add3A_3 = arith.addi %add3A, %mul3A_2 : i32
    %mul3A_4 = arith.constant 16 : i32
    %mul3A_5 = arith.muli %arg0, %mul3A_4 : i32
    %add3A_6 = arith.addi %add3A_3, %mul3A_5 : i32
    %lt3A = arith.constant 4 : i32
    %lt3A_7 = arith.cmpi slt, %add3A_6, %lt3A : i32
    %jit3A = arith.constant 79 : i32
    %jit3A_8 = arith.constant 78 : i32
    %select_n3A = arith.select %lt3A_7, %jit3A, %jit3A_8 : i32
    %lt3A_9 = arith.constant 4 : i32
    %lt3A_10 = arith.cmpi slt, %add3A_6, %lt3A_9 : i32
    %mul3A_11 = arith.muli %add3A_6, %select_n3A : i32
    %mul3A_12 = arith.constant 78 : i32
    %mul3A_13 = arith.muli %add3A_6, %mul3A_12 : i32
    %add3A_14 = arith.constant 4 : i32
    %add3A_15 = arith.addi %mul3A_13, %add3A_14 : i32
    %select_n3A_16 = arith.select %lt3A_10, %mul3A_11, %add3A_15 : i32
    %mul3A_17 = arith.constant 1 : i32
    %mul3A_18 = arith.muli %mul3A_17, %select_n3A : i32
    "tpu.region"() ({
      %run_scoped3A = memref.alloca() : memref<2x128x32xf32, #tpu.memory_space<vmem>>
      %run_scoped3A_20 = tpu.sem_alloc : memref<2x!tpu.dma_semaphore, #tpu.memory_space<semaphore_mem>>
      %run_scoped3A_21 = memref.alloca() : memref<2x1x128xi32, #tpu.memory_space<vmem>>
      %run_scoped3A_22 = tpu.sem_alloc : memref<2x!tpu.dma_semaphore, #tpu.memory_space<semaphore_mem>>
      %gt3A = arith.constant 0 : i32
      %gt3A_23 = arith.cmpi sgt, %mul3A_18, %gt3A : i32
      %convert_element_type3A = arith.extui %gt3A_23 : i1 to i32
      %cond3A = arith.constant 0 : i32
      %cond3A_24 = arith.cmpi ne, %convert_element_type3A, %cond3A : i32
      scf.if %cond3A_24 {
        %mul3A_25 = arith.constant 1 : i32
        %mul3A_26 = arith.muli %mul3A_25, %select_n3A : i32
        %sub3A = arith.constant 1 : i32
        %sub3A_27 = arith.subi %mul3A_26, %sub3A : i32
        %eq3A = arith.constant 0 : i32
        %eq3A_28 = arith.cmpi eq, %sub3A_27, %eq3A : i32
        %add3A_29 = arith.constant 0 : i32
        %add3A_30 = arith.addi %add3A_29, %select_n3A_16 : i32
        %select_n3A_31 = arith.constant true
        %select_n3A_32 = arith.constant 0 : i32
        %select_n3A_33 = arith.constant -1 : i32
        %select_n3A_34 = arith.select %select_n3A_31, %select_n3A_33, %select_n3A_32 : i32
        %eq3A_35 = arith.constant -1 : i32
        %eq3A_36 = arith.cmpi eq, %select_n3A_34, %eq3A_35 : i32
        %sub3A_37 = arith.constant 1 : i32
        %sub3A_38 = arith.subi %select_n3A, %sub3A_37 : i32
        %select_n3A_39 = arith.select %eq3A_36, %sub3A_38, %select_n3A_34 : i32
        %add3A_40 = arith.addi %select_n3A_39, %select_n3A_16 : i32
        %select_n3A_41 = arith.constant true
        %select_n3A_42 = arith.constant 0 : i32
        %select_n3A_43 = arith.constant 1 : i32
        %select_n3A_44 = arith.select %select_n3A_41, %select_n3A_43, %select_n3A_42 : i32
        %eq3A_45 = arith.cmpi eq, %select_n3A_44, %select_n3A : i32
        %select_n3A_46 = arith.constant 0 : i32
        %select_n3A_47 = arith.select %eq3A_45, %select_n3A_46, %select_n3A_44 : i32
        %add3A_48 = arith.addi %select_n3A_47, %select_n3A_16 : i32
        %add3A_49 = arith.constant 1 : i32
        %add3A_50 = arith.addi %select_n3A_47, %add3A_49 : i32
        %select_n3A_51 = arith.constant true
        %select_n3A_52 = arith.select %select_n3A_51, %add3A_50, %select_n3A_47 : i32
        %eq3A_53 = arith.cmpi eq, %select_n3A_52, %select_n3A : i32
        %select_n3A_54 = arith.constant 0 : i32
        %select_n3A_55 = arith.select %eq3A_53, %select_n3A_54, %select_n3A_52 : i32
        %add3A_56 = arith.addi %select_n3A_55, %select_n3A_16 : i32
        "tpu.trace_start"() <{level = 10 : i32, message = "ep_initialize_0"}> : () -> ()
        %rem3A = arith.constant 0 : i32
        %rem3A_57 = arith.constant 2 : i32
        %rem3A_58 = arith.remui %rem3A, %rem3A_57 : i32
        %mul3A_59 = arith.constant 128 : i32
        %mul3A_60 = arith.muli %mul3A_59, %add3A_30 : i32
        %dma_start3A = arith.constant 0 : i32
        %dma_start3A_61 = arith.constant 0 : i32
        %dma_start3A_62 = tpu.memref_slice %run_scoped3A[%rem3A_58, %dma_start3A, %dma_start3A_61] : memref<2x128x32xf32, #tpu.memory_space<vmem>> -> memref<1x128x32xf32, #tpu.memory_space<vmem>>
        %dma_start3A_63 = tpu.memref_squeeze %dma_start3A_62 : memref<1x128x32xf32, #tpu.memory_space<vmem>> -> memref<128x32xf32, #tpu.memory_space<vmem>>
        %dma_start3A_64 = arith.constant 0 : i32
        %dma_start3A_65 = tpu.memref_slice %arg2[%mul3A_60, %dma_start3A_64] : memref<320000x128xf32, #tpu.memory_space<hbm>> -> memref<128x32xf32, #tpu.memory_space<hbm>>
        %dma_start3A_66 = tpu.memref_slice %run_scoped3A_20[%rem3A_58] : memref<2x!tpu.dma_semaphore, #tpu.memory_space<semaphore_mem>> -> memref<1x!tpu.dma_semaphore, #tpu.memory_space<semaphore_mem>>
        %dma_start3A_67 = tpu.memref_squeeze %dma_start3A_66 : memref<1x!tpu.dma_semaphore, #tpu.memory_space<semaphore_mem>> -> memref<!tpu.dma_semaphore, #tpu.memory_space<semaphore_mem>>
        %dma_start3A_68 = arith.constant 0 : i32
        %dma_start3A_69 = arith.constant 0 : i32
        %dma_start3A_70 = tpu.memref_slice %run_scoped3A[%rem3A_58, %dma_start3A_68, %dma_start3A_69] : memref<2x128x32xf32, #tpu.memory_space<vmem>> -> memref<1x128x32xf32, #tpu.memory_space<vmem>>
        %dma_start3A_71 = tpu.memref_squeeze %dma_start3A_70 : memref<1x128x32xf32, #tpu.memory_space<vmem>> -> memref<128x32xf32, #tpu.memory_space<vmem>>
        %dma_start3A_72 = arith.constant 0 : i32
        %dma_start3A_73 = tpu.memref_slice %arg2[%mul3A_60, %dma_start3A_72] : memref<320000x128xf32, #tpu.memory_space<hbm>> -> memref<128x32xf32, #tpu.memory_space<hbm>>
        tpu.enqueue_dma source(%dma_start3A_73 : memref<128x32xf32, #tpu.memory_space<hbm>>) target(%dma_start3A_71 : memref<128x32xf32, #tpu.memory_space<vmem>>) target_semaphore(%dma_start3A_67 : memref<!tpu.dma_semaphore, #tpu.memory_space<semaphore_mem>>)
        %add3A_74 = arith.constant 0 : i32
        %add3A_75 = arith.constant 1 : i32
        %add3A_76 = arith.addi %add3A_74, %add3A_75 : i32
        %select_n3A_77 = arith.constant true
        %select_n3A_78 = arith.constant 0 : i32
        %select_n3A_79 = arith.select %select_n3A_77, %add3A_76, %select_n3A_78 : i32
        %rem3A_80 = arith.constant 0 : i32
        %rem3A_81 = arith.constant 2 : i32
        %rem3A_82 = arith.remui %rem3A_80, %rem3A_81 : i32
        %mul3A_83 = arith.constant 1 : i32
        %mul3A_84 = arith.muli %mul3A_83, %add3A_30 : i32
        %dma_start3A_85 = arith.constant 0 : i32
        %dma_start3A_86 = arith.constant 0 : i32
        %dma_start3A_87 = tpu.memref_slice %run_scoped3A_21[%rem3A_82, %dma_start3A_85, %dma_start3A_86] : memref<2x1x128xi32, #tpu.memory_space<vmem>> -> memref<1x1x128xi32, #tpu.memory_space<vmem>>
        %dma_start3A_88 = tpu.memref_squeeze %dma_start3A_87 : memref<1x1x128xi32, #tpu.memory_space<vmem>> -> memref<1x128xi32, #tpu.memory_space<vmem>>
        %dma_start3A_89 = arith.constant 0 : i32
        %dma_start3A_90 = tpu.memref_slice %arg3[%mul3A_84, %dma_start3A_89] : memref<2500x128xi32, #tpu.memory_space<hbm>> -> memref<1x128xi32, #tpu.memory_space<hbm>>
        %dma_start3A_91 = tpu.memref_slice %run_scoped3A_22[%rem3A_82] : memref<2x!tpu.dma_semaphore, #tpu.memory_space<semaphore_mem>> -> memref<1x!tpu.dma_semaphore, #tpu.memory_space<semaphore_mem>>
        %dma_start3A_92 = tpu.memref_squeeze %dma_start3A_91 : memref<1x!tpu.dma_semaphore, #tpu.memory_space<semaphore_mem>> -> memref<!tpu.dma_semaphore, #tpu.memory_space<semaphore_mem>>
        %dma_start3A_93 = arith.constant 0 : i32
        %dma_start3A_94 = arith.constant 0 : i32
        %dma_start3A_95 = tpu.memref_slice %run_scoped3A_21[%rem3A_82, %dma_start3A_93, %dma_start3A_94] : memref<2x1x128xi32, #tpu.memory_space<vmem>> -> memref<1x1x128xi32, #tpu.memory_space<vmem>>
        %dma_start3A_96 = tpu.memref_squeeze %dma_start3A_95 : memref<1x1x128xi32, #tpu.memory_space<vmem>> -> memref<1x128xi32, #tpu.memory_space<vmem>>
        %dma_start3A_97 = arith.constant 0 : i32
        %dma_start3A_98 = tpu.memref_slice %arg3[%mul3A_84, %dma_start3A_97] : memref<2500x128xi32, #tpu.memory_space<hbm>> -> memref<1x128xi32, #tpu.memory_space<hbm>>
        tpu.enqueue_dma source(%dma_start3A_98 : memref<1x128xi32, #tpu.memory_space<hbm>>) target(%dma_start3A_96 : memref<1x128xi32, #tpu.memory_space<vmem>>) target_semaphore(%dma_start3A_92 : memref<!tpu.dma_semaphore, #tpu.memory_space<semaphore_mem>>)
        %add3A_99 = arith.constant 0 : i32
        %add3A_100 = arith.constant 1 : i32
        %add3A_101 = arith.addi %add3A_99, %add3A_100 : i32
        %select_n3A_102 = arith.constant true
        %select_n3A_103 = arith.constant 0 : i32
        %select_n3A_104 = arith.select %select_n3A_102, %add3A_101, %select_n3A_103 : i32
        %while3A = arith.constant 0 : i32
        %while3A_105 = arith.constant 0 : i32
        %while3A_106 = arith.constant 0 : i32
        %while3A_107 = arith.constant 0 : i32
        "tpu.trace_stop"() : () -> ()
        %while3A_108 = arith.subi %mul3A_18, %while3A : i32
        %while3A_109 = arith.addi %while3A, %while3A_108 : i32
        %while3A_110 = arith.constant 1 : i32
        %while3A_111 = arith.divsi %while3A_108, %while3A_110 : i32
        %while3A_112 = arith.muli %while3A_111, %while3A_110 : i32
        %while3A_113 = arith.addi %while3A, %while3A_112 : i32
        %while3A_114 = arith.constant 1 : i32
        %while3A_115:5 = scf.for %while3A_169 = %while3A to %while3A_113 step %while3A_114 iter_args(%while3A_170 = %select_n3A_79, %while3A_171 = %while3A_105, %while3A_172 = %select_n3A_104, %while3A_173 = %while3A_106, %while3A_174 = %while3A_107) -> (i32, i32, i32, i32, i32)  : i32 {
          %mul3A_175 = arith.constant 1 : i32
          %mul3A_176 = arith.muli %mul3A_175, %select_n3A : i32
          %eq3A_177 = arith.constant 0 : i32
          %eq3A_178 = arith.cmpi eq, %while3A_169, %eq3A_177 : i32
          %sub3A_179 = arith.constant 1 : i32
          %sub3A_180 = arith.subi %mul3A_176, %sub3A_179 : i32
          %eq3A_181 = arith.cmpi eq, %while3A_169, %sub3A_180 : i32
          %add3A_182 = arith.addi %while3A_174, %select_n3A_16 : i32
          %sub3A_183 = arith.constant 1 : i32
          %sub3A_184 = arith.subi %while3A_174, %sub3A_183 : i32
          %select_n3A_185 = arith.constant true
          %select_n3A_186 = arith.select %select_n3A_185, %sub3A_184, %while3A_174 : i32
          %eq3A_187 = arith.constant -1 : i32
          %eq3A_188 = arith.cmpi eq, %select_n3A_186, %eq3A_187 : i32
          %sub3A_189 = arith.constant 1 : i32
          %sub3A_190 = arith.subi %select_n3A, %sub3A_189 : i32
          %select_n3A_191 = arith.select %eq3A_188, %sub3A_190, %select_n3A_186 : i32
          %add3A_192 = arith.addi %select_n3A_191, %select_n3A_16 : i32
          %add3A_193 = arith.constant 1 : i32
          %add3A_194 = arith.addi %while3A_174, %add3A_193 : i32
          %select_n3A_195 = arith.constant true
          %select_n3A_196 = arith.select %select_n3A_195, %add3A_194, %while3A_174 : i32
          %eq3A_197 = arith.cmpi eq, %select_n3A_196, %select_n3A : i32
          %select_n3A_198 = arith.constant 0 : i32
          %select_n3A_199 = arith.select %eq3A_197, %select_n3A_198, %select_n3A_196 : i32
          %add3A_200 = arith.addi %select_n3A_199, %select_n3A_16 : i32
          %add3A_201 = arith.constant 1 : i32
          %add3A_202 = arith.addi %select_n3A_199, %add3A_201 : i32
          %select_n3A_203 = arith.constant true
          %select_n3A_204 = arith.select %select_n3A_203, %add3A_202, %select_n3A_199 : i32
          %eq3A_205 = arith.cmpi eq, %select_n3A_204, %select_n3A : i32
          %select_n3A_206 = arith.constant 0 : i32
          %select_n3A_207 = arith.select %eq3A_205, %select_n3A_206, %select_n3A_204 : i32
          %add3A_208 = arith.addi %select_n3A_207, %select_n3A_16 : i32
          %ne3A = arith.cmpi ne, %add3A_182, %add3A_200 : i32
          %or3A = arith.constant false
          %or3A_209 = arith.ori %or3A, %ne3A : i1
          %or3A_210 = arith.constant false
          %or3A_211 = arith.ori %or3A_209, %or3A_210 : i1
          %sub3A_212 = arith.constant 2 : i32
          %sub3A_213 = arith.subi %mul3A_176, %sub3A_212 : i32
          %add3A_214 = arith.constant 1 : i32
          %add3A_215 = arith.addi %sub3A_213, %add3A_214 : i32
          %ge3A = arith.cmpi sge, %while3A_169, %add3A_215 : i32
          %not3A = arith.constant true
          %not3A_216 = arith.xori %ge3A, %not3A : i1
          %and3A = arith.andi %or3A_211, %not3A_216 : i1
          %convert_element_type3A_217 = arith.extui %and3A : i1 to i32
          %cond3A_218 = arith.constant 0 : i32
          %cond3A_219 = arith.cmpi ne, %convert_element_type3A_217, %cond3A_218 : i32
          scf.if %cond3A_219 {
            "tpu.trace_start"() <{level = 10 : i32, message = "ep_copy_in"}> : () -> ()
            %rem3A_342 = arith.constant 2 : i32
            %rem3A_343 = arith.remui %while3A_170, %rem3A_342 : i32
            %mul3A_344 = arith.constant 128 : i32
            %mul3A_345 = arith.muli %mul3A_344, %add3A_200 : i32
            %dma_start3A_346 = arith.constant 0 : i32
            %dma_start3A_347 = arith.constant 0 : i32
            %dma_start3A_348 = tpu.memref_slice %run_scoped3A[%rem3A_343, %dma_start3A_346, %dma_start3A_347] : memref<2x128x32xf32, #tpu.memory_space<vmem>> -> memref<1x128x32xf32, #tpu.memory_space<vmem>>
            %dma_start3A_349 = tpu.memref_squeeze %dma_start3A_348 : memref<1x128x32xf32, #tpu.memory_space<vmem>> -> memref<128x32xf32, #tpu.memory_space<vmem>>
            %dma_start3A_350 = arith.constant 0 : i32
            %dma_start3A_351 = tpu.memref_slice %arg2[%mul3A_345, %dma_start3A_350] : memref<320000x128xf32, #tpu.memory_space<hbm>> -> memref<128x32xf32, #tpu.memory_space<hbm>>
            %dma_start3A_352 = tpu.memref_slice %run_scoped3A_20[%rem3A_343] : memref<2x!tpu.dma_semaphore, #tpu.memory_space<semaphore_mem>> -> memref<1x!tpu.dma_semaphore, #tpu.memory_space<semaphore_mem>>
            %dma_start3A_353 = tpu.memref_squeeze %dma_start3A_352 : memref<1x!tpu.dma_semaphore, #tpu.memory_space<semaphore_mem>> -> memref<!tpu.dma_semaphore, #tpu.memory_space<semaphore_mem>>
            %dma_start3A_354 = arith.constant 0 : i32
            %dma_start3A_355 = arith.constant 0 : i32
            %dma_start3A_356 = tpu.memref_slice %run_scoped3A[%rem3A_343, %dma_start3A_354, %dma_start3A_355] : memref<2x128x32xf32, #tpu.memory_space<vmem>> -> memref<1x128x32xf32, #tpu.memory_space<vmem>>
            %dma_start3A_357 = tpu.memref_squeeze %dma_start3A_356 : memref<1x128x32xf32, #tpu.memory_space<vmem>> -> memref<128x32xf32, #tpu.memory_space<vmem>>
            %dma_start3A_358 = arith.constant 0 : i32
            %dma_start3A_359 = tpu.memref_slice %arg2[%mul3A_345, %dma_start3A_358] : memref<320000x128xf32, #tpu.memory_space<hbm>> -> memref<128x32xf32, #tpu.memory_space<hbm>>
            tpu.enqueue_dma source(%dma_start3A_359 : memref<128x32xf32, #tpu.memory_space<hbm>>) target(%dma_start3A_357 : memref<128x32xf32, #tpu.memory_space<vmem>>) target_semaphore(%dma_start3A_353 : memref<!tpu.dma_semaphore, #tpu.memory_space<semaphore_mem>>)
            "tpu.trace_stop"() : () -> ()
          } else {
          }
          %and3A_220 = arith.constant true
          %and3A_221 = arith.andi %and3A, %and3A_220 : i1
          %add3A_222 = arith.constant 1 : i32
          %add3A_223 = arith.addi %while3A_170, %add3A_222 : i32
          %select_n3A_224 = arith.select %and3A_221, %add3A_223, %while3A_170 : i32
          %ne3A_225 = arith.cmpi ne, %add3A_182, %add3A_200 : i32
          %or3A_226 = arith.constant false
          %or3A_227 = arith.ori %or3A_226, %ne3A_225 : i1
          %or3A_228 = arith.constant false
          %or3A_229 = arith.ori %or3A_227, %or3A_228 : i1
          %sub3A_230 = arith.constant 2 : i32
          %sub3A_231 = arith.subi %mul3A_176, %sub3A_230 : i32
          %add3A_232 = arith.constant 1 : i32
          %add3A_233 = arith.addi %sub3A_231, %add3A_232 : i32
          %ge3A_234 = arith.cmpi sge, %while3A_169, %add3A_233 : i32
          %not3A_235 = arith.constant true
          %not3A_236 = arith.xori %ge3A_234, %not3A_235 : i1
          %and3A_237 = arith.andi %or3A_229, %not3A_236 : i1
          %convert_element_type3A_238 = arith.extui %and3A_237 : i1 to i32
          %cond3A_239 = arith.constant 0 : i32
          %cond3A_240 = arith.cmpi ne, %convert_element_type3A_238, %cond3A_239 : i32
          scf.if %cond3A_240 {
            "tpu.trace_start"() <{level = 10 : i32, message = "ep_copy_in"}> : () -> ()
            %rem3A_342 = arith.constant 2 : i32
            %rem3A_343 = arith.remui %while3A_172, %rem3A_342 : i32
            %mul3A_344 = arith.constant 1 : i32
            %mul3A_345 = arith.muli %mul3A_344, %add3A_200 : i32
            %dma_start3A_346 = arith.constant 0 : i32
            %dma_start3A_347 = arith.constant 0 : i32
            %dma_start3A_348 = tpu.memref_slice %run_scoped3A_21[%rem3A_343, %dma_start3A_346, %dma_start3A_347] : memref<2x1x128xi32, #tpu.memory_space<vmem>> -> memref<1x1x128xi32, #tpu.memory_space<vmem>>
            %dma_start3A_349 = tpu.memref_squeeze %dma_start3A_348 : memref<1x1x128xi32, #tpu.memory_space<vmem>> -> memref<1x128xi32, #tpu.memory_space<vmem>>
            %dma_start3A_350 = arith.constant 0 : i32
            %dma_start3A_351 = tpu.memref_slice %arg3[%mul3A_345, %dma_start3A_350] : memref<2500x128xi32, #tpu.memory_space<hbm>> -> memref<1x128xi32, #tpu.memory_space<hbm>>
            %dma_start3A_352 = tpu.memref_slice %run_scoped3A_22[%rem3A_343] : memref<2x!tpu.dma_semaphore, #tpu.memory_space<semaphore_mem>> -> memref<1x!tpu.dma_semaphore, #tpu.memory_space<semaphore_mem>>
            %dma_start3A_353 = tpu.memref_squeeze %dma_start3A_352 : memref<1x!tpu.dma_semaphore, #tpu.memory_space<semaphore_mem>> -> memref<!tpu.dma_semaphore, #tpu.memory_space<semaphore_mem>>
            %dma_start3A_354 = arith.constant 0 : i32
            %dma_start3A_355 = arith.constant 0 : i32
            %dma_start3A_356 = tpu.memref_slice %run_scoped3A_21[%rem3A_343, %dma_start3A_354, %dma_start3A_355] : memref<2x1x128xi32, #tpu.memory_space<vmem>> -> memref<1x1x128xi32, #tpu.memory_space<vmem>>
            %dma_start3A_357 = tpu.memref_squeeze %dma_start3A_356 : memref<1x1x128xi32, #tpu.memory_space<vmem>> -> memref<1x128xi32, #tpu.memory_space<vmem>>
            %dma_start3A_358 = arith.constant 0 : i32
            %dma_start3A_359 = tpu.memref_slice %arg3[%mul3A_345, %dma_start3A_358] : memref<2500x128xi32, #tpu.memory_space<hbm>> -> memref<1x128xi32, #tpu.memory_space<hbm>>
            tpu.enqueue_dma source(%dma_start3A_359 : memref<1x128xi32, #tpu.memory_space<hbm>>) target(%dma_start3A_357 : memref<1x128xi32, #tpu.memory_space<vmem>>) target_semaphore(%dma_start3A_353 : memref<!tpu.dma_semaphore, #tpu.memory_space<semaphore_mem>>)
            "tpu.trace_stop"() : () -> ()
          } else {
          }
          %and3A_241 = arith.constant true
          %and3A_242 = arith.andi %and3A_237, %and3A_241 : i1
          %add3A_243 = arith.constant 1 : i32
          %add3A_244 = arith.addi %while3A_172, %add3A_243 : i32
          %select_n3A_245 = arith.select %and3A_242, %add3A_244, %while3A_172 : i32
          %ne3A_246 = arith.cmpi ne, %add3A_182, %add3A_192 : i32
          %or3A_247 = arith.constant false
          %or3A_248 = arith.ori %or3A_247, %ne3A_246 : i1
          %or3A_249 = arith.constant false
          %or3A_250 = arith.ori %or3A_248, %or3A_249 : i1
          %or3A_251 = arith.ori %or3A_250, %eq3A_178 : i1
          %convert_element_type3A_252 = arith.extui %or3A_251 : i1 to i32
          %cond3A_253 = arith.constant 0 : i32
          %cond3A_254 = arith.cmpi ne, %convert_element_type3A_252, %cond3A_253 : i32
          scf.if %cond3A_254 {
            "tpu.trace_start"() <{level = 10 : i32, message = "ep_wait_in"}> : () -> ()
            %mul3A_342 = arith.constant 128 : i32
            %mul3A_343 = arith.muli %mul3A_342, %add3A_182 : i32
            %rem3A_344 = arith.constant 2 : i32
            %rem3A_345 = arith.remui %while3A_171, %rem3A_344 : i32
            %dma_wait3A = arith.constant 0 : i32
            %dma_wait3A_346 = arith.constant 0 : i32
            %dma_wait3A_347 = tpu.memref_slice %run_scoped3A[%rem3A_345, %dma_wait3A, %dma_wait3A_346] : memref<2x128x32xf32, #tpu.memory_space<vmem>> -> memref<1x128x32xf32, #tpu.memory_space<vmem>>
            %dma_wait3A_348 = tpu.memref_squeeze %dma_wait3A_347 : memref<1x128x32xf32, #tpu.memory_space<vmem>> -> memref<128x32xf32, #tpu.memory_space<vmem>>
            %dma_wait3A_349 = arith.constant 0 : i32
            %dma_wait3A_350 = tpu.memref_slice %arg2[%mul3A_343, %dma_wait3A_349] : memref<320000x128xf32, #tpu.memory_space<hbm>> -> memref<128x32xf32, #tpu.memory_space<hbm>>
            %dma_wait3A_351 = tpu.memref_slice %run_scoped3A_20[%rem3A_345] : memref<2x!tpu.dma_semaphore, #tpu.memory_space<semaphore_mem>> -> memref<1x!tpu.dma_semaphore, #tpu.memory_space<semaphore_mem>>
            %dma_wait3A_352 = tpu.memref_squeeze %dma_wait3A_351 : memref<1x!tpu.dma_semaphore, #tpu.memory_space<semaphore_mem>> -> memref<!tpu.dma_semaphore, #tpu.memory_space<semaphore_mem>>
            %dma_wait3A_353 = arith.constant 0 : i32
            %dma_wait3A_354 = arith.constant 0 : i32
            %dma_wait3A_355 = tpu.memref_slice %run_scoped3A[%rem3A_345, %dma_wait3A_353, %dma_wait3A_354] : memref<2x128x32xf32, #tpu.memory_space<vmem>> -> memref<1x128x32xf32, #tpu.memory_space<vmem>>
            %dma_wait3A_356 = tpu.memref_squeeze %dma_wait3A_355 : memref<1x128x32xf32, #tpu.memory_space<vmem>> -> memref<128x32xf32, #tpu.memory_space<vmem>>
            %dma_wait3A_357 = arith.constant 0 : i32
            %dma_wait3A_358 = tpu.memref_slice %arg2[%mul3A_343, %dma_wait3A_357] : memref<320000x128xf32, #tpu.memory_space<hbm>> -> memref<128x32xf32, #tpu.memory_space<hbm>>
            tpu.wait_dma2 semaphore(%dma_wait3A_352 : memref<!tpu.dma_semaphore, #tpu.memory_space<semaphore_mem>>) src(%dma_wait3A_358 : memref<128x32xf32, #tpu.memory_space<hbm>>) dst(%dma_wait3A_356 : memref<128x32xf32, #tpu.memory_space<vmem>>)
            "tpu.trace_stop"() : () -> ()
          } else {
          }
          %ne3A_255 = arith.cmpi ne, %add3A_182, %add3A_192 : i32
          %or3A_256 = arith.constant false
          %or3A_257 = arith.ori %or3A_256, %ne3A_255 : i1
          %or3A_258 = arith.constant false
          %or3A_259 = arith.ori %or3A_257, %or3A_258 : i1
          %or3A_260 = arith.ori %or3A_259, %eq3A_178 : i1
          %convert_element_type3A_261 = arith.extui %or3A_260 : i1 to i32
          %cond3A_262 = arith.constant 0 : i32
          %cond3A_263 = arith.cmpi ne, %convert_element_type3A_261, %cond3A_262 : i32
          scf.if %cond3A_263 {
            "tpu.trace_start"() <{level = 10 : i32, message = "ep_wait_in"}> : () -> ()
            %mul3A_342 = arith.constant 1 : i32
            %mul3A_343 = arith.muli %mul3A_342, %add3A_182 : i32
            %rem3A_344 = arith.constant 2 : i32
            %rem3A_345 = arith.remui %while3A_173, %rem3A_344 : i32
            %dma_wait3A = arith.constant 0 : i32
            %dma_wait3A_346 = arith.constant 0 : i32
            %dma_wait3A_347 = tpu.memref_slice %run_scoped3A_21[%rem3A_345, %dma_wait3A, %dma_wait3A_346] : memref<2x1x128xi32, #tpu.memory_space<vmem>> -> memref<1x1x128xi32, #tpu.memory_space<vmem>>
            %dma_wait3A_348 = tpu.memref_squeeze %dma_wait3A_347 : memref<1x1x128xi32, #tpu.memory_space<vmem>> -> memref<1x128xi32, #tpu.memory_space<vmem>>
            %dma_wait3A_349 = arith.constant 0 : i32
            %dma_wait3A_350 = tpu.memref_slice %arg3[%mul3A_343, %dma_wait3A_349] : memref<2500x128xi32, #tpu.memory_space<hbm>> -> memref<1x128xi32, #tpu.memory_space<hbm>>
            %dma_wait3A_351 = tpu.memref_slice %run_scoped3A_22[%rem3A_345] : memref<2x!tpu.dma_semaphore, #tpu.memory_space<semaphore_mem>> -> memref<1x!tpu.dma_semaphore, #tpu.memory_space<semaphore_mem>>
            %dma_wait3A_352 = tpu.memref_squeeze %dma_wait3A_351 : memref<1x!tpu.dma_semaphore, #tpu.memory_space<semaphore_mem>> -> memref<!tpu.dma_semaphore, #tpu.memory_space<semaphore_mem>>
            %dma_wait3A_353 = arith.constant 0 : i32
            %dma_wait3A_354 = arith.constant 0 : i32
            %dma_wait3A_355 = tpu.memref_slice %run_scoped3A_21[%rem3A_345, %dma_wait3A_353, %dma_wait3A_354] : memref<2x1x128xi32, #tpu.memory_space<vmem>> -> memref<1x1x128xi32, #tpu.memory_space<vmem>>
            %dma_wait3A_356 = tpu.memref_squeeze %dma_wait3A_355 : memref<1x1x128xi32, #tpu.memory_space<vmem>> -> memref<1x128xi32, #tpu.memory_space<vmem>>
            %dma_wait3A_357 = arith.constant 0 : i32
            %dma_wait3A_358 = tpu.memref_slice %arg3[%mul3A_343, %dma_wait3A_357] : memref<2500x128xi32, #tpu.memory_space<hbm>> -> memref<1x128xi32, #tpu.memory_space<hbm>>
            tpu.wait_dma2 semaphore(%dma_wait3A_352 : memref<!tpu.dma_semaphore, #tpu.memory_space<semaphore_mem>>) src(%dma_wait3A_358 : memref<1x128xi32, #tpu.memory_space<hbm>>) dst(%dma_wait3A_356 : memref<1x128xi32, #tpu.memory_space<vmem>>)
            "tpu.trace_stop"() : () -> ()
          } else {
          }
          %rem3A_264 = arith.constant 2 : i32
          %rem3A_265 = arith.remui %while3A_171, %rem3A_264 : i32
          %rem3A_266 = arith.constant 2 : i32
          %rem3A_267 = arith.remui %while3A_173, %rem3A_266 : i32
          %run_scoped3A_268 = arith.constant 0 : i32
          "tpu.trace_start"() <{level = 10 : i32, message = "ep_run_kernel"}> : () -> ()
          "tpu.region"() ({
            %run_scoped3A_342 = tpu.sem_alloc : memref<!tpu.dma_semaphore, #tpu.memory_space<semaphore_mem>>
            %dma_start3A_343 = arith.constant 0 : i32
            %dma_start3A_344 = arith.constant 0 : i32
            %dma_start3A_345 = tpu.memref_slice %run_scoped3A[%rem3A_265, %dma_start3A_343, %dma_start3A_344] : memref<2x128x32xf32, #tpu.memory_space<vmem>> -> memref<1x128x32xf32, #tpu.memory_space<vmem>>
            %dma_start3A_346 = tpu.memref_squeeze %dma_start3A_345 : memref<1x128x32xf32, #tpu.memory_space<vmem>> -> memref<128x32xf32, #tpu.memory_space<vmem>>
            %dma_start3A_347 = arith.constant 0 : i32
            %dma_start3A_348 = arith.constant 0 : i32
            %dma_start3A_349 = tpu.memref_slice %run_scoped3A_21[%rem3A_267, %dma_start3A_347, %dma_start3A_348] : memref<2x1x128xi32, #tpu.memory_space<vmem>> -> memref<1x1x128xi32, #tpu.memory_space<vmem>>
            %dma_start3A_350 = tpu.memref_squeeze %dma_start3A_349 : memref<1x1x128xi32, #tpu.memory_space<vmem>> -> memref<1x128xi32, #tpu.memory_space<vmem>>
            %dma_start3A_351 = arith.constant 0 : i32
            %dma_start3A_352 = tpu.memref_slice %dma_start3A_350[%run_scoped3A_268, %dma_start3A_351] : memref<1x128xi32, #tpu.memory_space<vmem>> -> memref<1x128xi32, #tpu.memory_space<vmem>>
            %dma_start3A_353 = tpu.memref_squeeze %dma_start3A_352 : memref<1x128xi32, #tpu.memory_space<vmem>> -> memref<128xi32, #tpu.memory_space<vmem>>
            %dma_start3A_354 = arith.constant 0 : i32
            %dma_start3A_355 = arith.constant 0 : i32
            %dma_start3A_356 = tpu.memref_slice %arg6[%dma_start3A_354, %dma_start3A_355] : memref<10000x32xf32, #tpu.memory_space<vmem_shared>> -> memref<10000x32xf32, #tpu.memory_space<vmem_shared>>
            tpu.enqueue_indirect_dma source(%dma_start3A_346 : memref<128x32xf32, #tpu.memory_space<vmem>>) target(%dma_start3A_356 : memref<10000x32xf32, #tpu.memory_space<vmem_shared>>) offsets(%dma_start3A_353 : memref<128xi32, #tpu.memory_space<vmem>>) semaphore(%run_scoped3A_342 : memref<!tpu.dma_semaphore, #tpu.memory_space<semaphore_mem>>) {add = true}
            %dma_wait3A = arith.constant 0 : i32
            %dma_wait3A_357 = arith.constant 0 : i32
            %dma_wait3A_358 = tpu.memref_slice %run_scoped3A[%rem3A_265, %dma_wait3A, %dma_wait3A_357] : memref<2x128x32xf32, #tpu.memory_space<vmem>> -> memref<1x128x32xf32, #tpu.memory_space<vmem>>
            %dma_wait3A_359 = tpu.memref_squeeze %dma_wait3A_358 : memref<1x128x32xf32, #tpu.memory_space<vmem>> -> memref<128x32xf32, #tpu.memory_space<vmem>>
            %dma_wait3A_360 = arith.constant 0 : i32
            %dma_wait3A_361 = arith.constant 0 : i32
            %dma_wait3A_362 = tpu.memref_slice %run_scoped3A_21[%rem3A_267, %dma_wait3A_360, %dma_wait3A_361] : memref<2x1x128xi32, #tpu.memory_space<vmem>> -> memref<1x1x128xi32, #tpu.memory_space<vmem>>
            %dma_wait3A_363 = tpu.memref_squeeze %dma_wait3A_362 : memref<1x1x128xi32, #tpu.memory_space<vmem>> -> memref<1x128xi32, #tpu.memory_space<vmem>>
            %dma_wait3A_364 = arith.constant 0 : i32
            %dma_wait3A_365 = tpu.memref_slice %dma_wait3A_363[%run_scoped3A_268, %dma_wait3A_364] : memref<1x128xi32, #tpu.memory_space<vmem>> -> memref<1x128xi32, #tpu.memory_space<vmem>>
            %dma_wait3A_366 = tpu.memref_squeeze %dma_wait3A_365 : memref<1x128xi32, #tpu.memory_space<vmem>> -> memref<128xi32, #tpu.memory_space<vmem>>
            %dma_wait3A_367 = arith.constant 0 : i32
            %dma_wait3A_368 = arith.constant 0 : i32
            %dma_wait3A_369 = tpu.memref_slice %arg6[%dma_wait3A_367, %dma_wait3A_368] : memref<10000x32xf32, #tpu.memory_space<vmem_shared>> -> memref<10000x32xf32, #tpu.memory_space<vmem_shared>>
            tpu.wait_indirect_dma semaphore(%run_scoped3A_342 : memref<!tpu.dma_semaphore, #tpu.memory_space<semaphore_mem>>) src(%dma_wait3A_359 : memref<128x32xf32, #tpu.memory_space<vmem>>) dst(%dma_wait3A_369 : memref<10000x32xf32, #tpu.memory_space<vmem_shared>>)
            tpu.yield
          }) : () -> ()
          "tpu.trace_stop"() : () -> ()
          %ne3A_269 = arith.cmpi ne, %add3A_182, %add3A_200 : i32
          %or3A_270 = arith.constant false
          %or3A_271 = arith.ori %or3A_270, %ne3A_269 : i1
          %or3A_272 = arith.constant false
          %or3A_273 = arith.ori %or3A_271, %or3A_272 : i1
          %or3A_274 = arith.ori %or3A_273, %eq3A_181 : i1
          %convert_element_type3A_275 = arith.extui %or3A_274 : i1 to i32
          %cond3A_276 = arith.constant 0 : i32
          %cond3A_277 = arith.cmpi ne, %convert_element_type3A_275, %cond3A_276 : i32
          scf.if %cond3A_277 {
          } else {
          }
          %and3A_278 = arith.constant false
          %and3A_279 = arith.andi %or3A_274, %and3A_278 : i1
          %ne3A_280 = arith.cmpi ne, %add3A_182, %add3A_200 : i32
          %or3A_281 = arith.constant false
          %or3A_282 = arith.ori %or3A_281, %ne3A_280 : i1
          %or3A_283 = arith.constant false
          %or3A_284 = arith.ori %or3A_282, %or3A_283 : i1
          %or3A_285 = arith.ori %or3A_284, %eq3A_181 : i1
          %convert_element_type3A_286 = arith.extui %or3A_285 : i1 to i32
          %cond3A_287 = arith.constant 0 : i32
          %cond3A_288 = arith.cmpi ne, %convert_element_type3A_286, %cond3A_287 : i32
          scf.if %cond3A_288 {
          } else {
          }
          %and3A_289 = arith.constant false
          %and3A_290 = arith.andi %or3A_285, %and3A_289 : i1
          %ne3A_291 = arith.cmpi ne, %add3A_182, %add3A_192 : i32
          %or3A_292 = arith.constant false
          %or3A_293 = arith.ori %or3A_292, %ne3A_291 : i1
          %or3A_294 = arith.constant false
          %or3A_295 = arith.ori %or3A_293, %or3A_294 : i1
          %not3A_296 = arith.constant true
          %not3A_297 = arith.xori %eq3A_178, %not3A_296 : i1
          %and3A_298 = arith.andi %or3A_295, %not3A_297 : i1
          %convert_element_type3A_299 = arith.extui %and3A_298 : i1 to i32
          %cond3A_300 = arith.constant 0 : i32
          %cond3A_301 = arith.cmpi ne, %convert_element_type3A_299, %cond3A_300 : i32
          scf.if %cond3A_301 {
          } else {
          }
          %and3A_302 = arith.constant false
          %and3A_303 = arith.andi %and3A_298, %and3A_302 : i1
          %ne3A_304 = arith.cmpi ne, %add3A_182, %add3A_192 : i32
          %or3A_305 = arith.constant false
          %or3A_306 = arith.ori %or3A_305, %ne3A_304 : i1
          %or3A_307 = arith.constant false
          %or3A_308 = arith.ori %or3A_306, %or3A_307 : i1
          %not3A_309 = arith.constant true
          %not3A_310 = arith.xori %eq3A_178, %not3A_309 : i1
          %and3A_311 = arith.andi %or3A_308, %not3A_310 : i1
          %convert_element_type3A_312 = arith.extui %and3A_311 : i1 to i32
          %cond3A_313 = arith.constant 0 : i32
          %cond3A_314 = arith.cmpi ne, %convert_element_type3A_312, %cond3A_313 : i32
          scf.if %cond3A_314 {
          } else {
          }
          %and3A_315 = arith.constant false
          %and3A_316 = arith.andi %and3A_311, %and3A_315 : i1
          %ne3A_317 = arith.cmpi ne, %add3A_182, %add3A_200 : i32
          %or3A_318 = arith.constant false
          %or3A_319 = arith.ori %or3A_318, %ne3A_317 : i1
          %or3A_320 = arith.constant false
          %or3A_321 = arith.ori %or3A_319, %or3A_320 : i1
          %or3A_322 = arith.ori %or3A_321, %eq3A_181 : i1
          %add3A_323 = arith.constant 1 : i32
          %add3A_324 = arith.addi %while3A_171, %add3A_323 : i32
          %select_n3A_325 = arith.select %or3A_322, %add3A_324, %while3A_171 : i32
          %ne3A_326 = arith.cmpi ne, %add3A_182, %add3A_200 : i32
          %or3A_327 = arith.constant false
          %or3A_328 = arith.ori %or3A_327, %ne3A_326 : i1
          %or3A_329 = arith.constant false
          %or3A_330 = arith.ori %or3A_328, %or3A_329 : i1
          %or3A_331 = arith.ori %or3A_330, %eq3A_181 : i1
          %add3A_332 = arith.constant 1 : i32
          %add3A_333 = arith.addi %while3A_173, %add3A_332 : i32
          %select_n3A_334 = arith.select %or3A_331, %add3A_333, %while3A_173 : i32
          %add3A_335 = arith.constant 1 : i32
          %add3A_336 = arith.addi %while3A_174, %add3A_335 : i32
          %select_n3A_337 = arith.constant true
          %select_n3A_338 = arith.select %select_n3A_337, %add3A_336, %while3A_174 : i32
          %eq3A_339 = arith.cmpi eq, %select_n3A_338, %select_n3A : i32
          %select_n3A_340 = arith.constant 0 : i32
          %select_n3A_341 = arith.select %eq3A_339, %select_n3A_340, %select_n3A_338 : i32
          scf.yield %select_n3A_224, %select_n3A_325, %select_n3A_245, %select_n3A_334, %select_n3A_341 : i32, i32, i32, i32, i32
        }
        %while3A_116 = arith.constant 1 : i32
        %while3A_117:5 = scf.for %while3A_169 = %while3A_113 to %while3A_109 step %while3A_116 iter_args(%while3A_170 = %while3A_115#0, %while3A_171 = %while3A_115#1, %while3A_172 = %while3A_115#2, %while3A_173 = %while3A_115#3, %while3A_174 = %while3A_115#4) -> (i32, i32, i32, i32, i32)  : i32 {
          %mul3A_175 = arith.constant 1 : i32
          %mul3A_176 = arith.muli %mul3A_175, %select_n3A : i32
          %eq3A_177 = arith.constant 0 : i32
          %eq3A_178 = arith.cmpi eq, %while3A_169, %eq3A_177 : i32
          %sub3A_179 = arith.constant 1 : i32
          %sub3A_180 = arith.subi %mul3A_176, %sub3A_179 : i32
          %eq3A_181 = arith.cmpi eq, %while3A_169, %sub3A_180 : i32
          %add3A_182 = arith.addi %while3A_174, %select_n3A_16 : i32
          %sub3A_183 = arith.constant 1 : i32
          %sub3A_184 = arith.subi %while3A_174, %sub3A_183 : i32
          %select_n3A_185 = arith.constant true
          %select_n3A_186 = arith.select %select_n3A_185, %sub3A_184, %while3A_174 : i32
          %eq3A_187 = arith.constant -1 : i32
          %eq3A_188 = arith.cmpi eq, %select_n3A_186, %eq3A_187 : i32
          %sub3A_189 = arith.constant 1 : i32
          %sub3A_190 = arith.subi %select_n3A, %sub3A_189 : i32
          %select_n3A_191 = arith.select %eq3A_188, %sub3A_190, %select_n3A_186 : i32
          %add3A_192 = arith.addi %select_n3A_191, %select_n3A_16 : i32
          %add3A_193 = arith.constant 1 : i32
          %add3A_194 = arith.addi %while3A_174, %add3A_193 : i32
          %select_n3A_195 = arith.constant true
          %select_n3A_196 = arith.select %select_n3A_195, %add3A_194, %while3A_174 : i32
          %eq3A_197 = arith.cmpi eq, %select_n3A_196, %select_n3A : i32
          %select_n3A_198 = arith.constant 0 : i32
          %select_n3A_199 = arith.select %eq3A_197, %select_n3A_198, %select_n3A_196 : i32
          %add3A_200 = arith.addi %select_n3A_199, %select_n3A_16 : i32
          %add3A_201 = arith.constant 1 : i32
          %add3A_202 = arith.addi %select_n3A_199, %add3A_201 : i32
          %select_n3A_203 = arith.constant true
          %select_n3A_204 = arith.select %select_n3A_203, %add3A_202, %select_n3A_199 : i32
          %eq3A_205 = arith.cmpi eq, %select_n3A_204, %select_n3A : i32
          %select_n3A_206 = arith.constant 0 : i32
          %select_n3A_207 = arith.select %eq3A_205, %select_n3A_206, %select_n3A_204 : i32
          %add3A_208 = arith.addi %select_n3A_207, %select_n3A_16 : i32
          %ne3A = arith.cmpi ne, %add3A_182, %add3A_200 : i32
          %or3A = arith.constant false
          %or3A_209 = arith.ori %or3A, %ne3A : i1
          %or3A_210 = arith.constant false
          %or3A_211 = arith.ori %or3A_209, %or3A_210 : i1
          %sub3A_212 = arith.constant 2 : i32
          %sub3A_213 = arith.subi %mul3A_176, %sub3A_212 : i32
          %add3A_214 = arith.constant 1 : i32
          %add3A_215 = arith.addi %sub3A_213, %add3A_214 : i32
          %ge3A = arith.cmpi sge, %while3A_169, %add3A_215 : i32
          %not3A = arith.constant true
          %not3A_216 = arith.xori %ge3A, %not3A : i1
          %and3A = arith.andi %or3A_211, %not3A_216 : i1
          %convert_element_type3A_217 = arith.extui %and3A : i1 to i32
          %cond3A_218 = arith.constant 0 : i32
          %cond3A_219 = arith.cmpi ne, %convert_element_type3A_217, %cond3A_218 : i32
          scf.if %cond3A_219 {
            "tpu.trace_start"() <{level = 10 : i32, message = "ep_copy_in"}> : () -> ()
            %rem3A_342 = arith.constant 2 : i32
            %rem3A_343 = arith.remui %while3A_170, %rem3A_342 : i32
            %mul3A_344 = arith.constant 128 : i32
            %mul3A_345 = arith.muli %mul3A_344, %add3A_200 : i32
            %dma_start3A_346 = arith.constant 0 : i32
            %dma_start3A_347 = arith.constant 0 : i32
            %dma_start3A_348 = tpu.memref_slice %run_scoped3A[%rem3A_343, %dma_start3A_346, %dma_start3A_347] : memref<2x128x32xf32, #tpu.memory_space<vmem>> -> memref<1x128x32xf32, #tpu.memory_space<vmem>>
            %dma_start3A_349 = tpu.memref_squeeze %dma_start3A_348 : memref<1x128x32xf32, #tpu.memory_space<vmem>> -> memref<128x32xf32, #tpu.memory_space<vmem>>
            %dma_start3A_350 = arith.constant 0 : i32
            %dma_start3A_351 = tpu.memref_slice %arg2[%mul3A_345, %dma_start3A_350] : memref<320000x128xf32, #tpu.memory_space<hbm>> -> memref<128x32xf32, #tpu.memory_space<hbm>>
            %dma_start3A_352 = tpu.memref_slice %run_scoped3A_20[%rem3A_343] : memref<2x!tpu.dma_semaphore, #tpu.memory_space<semaphore_mem>> -> memref<1x!tpu.dma_semaphore, #tpu.memory_space<semaphore_mem>>
            %dma_start3A_353 = tpu.memref_squeeze %dma_start3A_352 : memref<1x!tpu.dma_semaphore, #tpu.memory_space<semaphore_mem>> -> memref<!tpu.dma_semaphore, #tpu.memory_space<semaphore_mem>>
            %dma_start3A_354 = arith.constant 0 : i32
            %dma_start3A_355 = arith.constant 0 : i32
            %dma_start3A_356 = tpu.memref_slice %run_scoped3A[%rem3A_343, %dma_start3A_354, %dma_start3A_355] : memref<2x128x32xf32, #tpu.memory_space<vmem>> -> memref<1x128x32xf32, #tpu.memory_space<vmem>>
            %dma_start3A_357 = tpu.memref_squeeze %dma_start3A_356 : memref<1x128x32xf32, #tpu.memory_space<vmem>> -> memref<128x32xf32, #tpu.memory_space<vmem>>
            %dma_start3A_358 = arith.constant 0 : i32
            %dma_start3A_359 = tpu.memref_slice %arg2[%mul3A_345, %dma_start3A_358] : memref<320000x128xf32, #tpu.memory_space<hbm>> -> memref<128x32xf32, #tpu.memory_space<hbm>>
            tpu.enqueue_dma source(%dma_start3A_359 : memref<128x32xf32, #tpu.memory_space<hbm>>) target(%dma_start3A_357 : memref<128x32xf32, #tpu.memory_space<vmem>>) target_semaphore(%dma_start3A_353 : memref<!tpu.dma_semaphore, #tpu.memory_space<semaphore_mem>>)
            "tpu.trace_stop"() : () -> ()
          } else {
          }
          %and3A_220 = arith.constant true
          %and3A_221 = arith.andi %and3A, %and3A_220 : i1
          %add3A_222 = arith.constant 1 : i32
          %add3A_223 = arith.addi %while3A_170, %add3A_222 : i32
          %select_n3A_224 = arith.select %and3A_221, %add3A_223, %while3A_170 : i32
          %ne3A_225 = arith.cmpi ne, %add3A_182, %add3A_200 : i32
          %or3A_226 = arith.constant false
          %or3A_227 = arith.ori %or3A_226, %ne3A_225 : i1
          %or3A_228 = arith.constant false
          %or3A_229 = arith.ori %or3A_227, %or3A_228 : i1
          %sub3A_230 = arith.constant 2 : i32
          %sub3A_231 = arith.subi %mul3A_176, %sub3A_230 : i32
          %add3A_232 = arith.constant 1 : i32
          %add3A_233 = arith.addi %sub3A_231, %add3A_232 : i32
          %ge3A_234 = arith.cmpi sge, %while3A_169, %add3A_233 : i32
          %not3A_235 = arith.constant true
          %not3A_236 = arith.xori %ge3A_234, %not3A_235 : i1
          %and3A_237 = arith.andi %or3A_229, %not3A_236 : i1
          %convert_element_type3A_238 = arith.extui %and3A_237 : i1 to i32
          %cond3A_239 = arith.constant 0 : i32
          %cond3A_240 = arith.cmpi ne, %convert_element_type3A_238, %cond3A_239 : i32
          scf.if %cond3A_240 {
            "tpu.trace_start"() <{level = 10 : i32, message = "ep_copy_in"}> : () -> ()
            %rem3A_342 = arith.constant 2 : i32
            %rem3A_343 = arith.remui %while3A_172, %rem3A_342 : i32
            %mul3A_344 = arith.constant 1 : i32
            %mul3A_345 = arith.muli %mul3A_344, %add3A_200 : i32
            %dma_start3A_346 = arith.constant 0 : i32
            %dma_start3A_347 = arith.constant 0 : i32
            %dma_start3A_348 = tpu.memref_slice %run_scoped3A_21[%rem3A_343, %dma_start3A_346, %dma_start3A_347] : memref<2x1x128xi32, #tpu.memory_space<vmem>> -> memref<1x1x128xi32, #tpu.memory_space<vmem>>
            %dma_start3A_349 = tpu.memref_squeeze %dma_start3A_348 : memref<1x1x128xi32, #tpu.memory_space<vmem>> -> memref<1x128xi32, #tpu.memory_space<vmem>>
            %dma_start3A_350 = arith.constant 0 : i32
            %dma_start3A_351 = tpu.memref_slice %arg3[%mul3A_345, %dma_start3A_350] : memref<2500x128xi32, #tpu.memory_space<hbm>> -> memref<1x128xi32, #tpu.memory_space<hbm>>
            %dma_start3A_352 = tpu.memref_slice %run_scoped3A_22[%rem3A_343] : memref<2x!tpu.dma_semaphore, #tpu.memory_space<semaphore_mem>> -> memref<1x!tpu.dma_semaphore, #tpu.memory_space<semaphore_mem>>
            %dma_start3A_353 = tpu.memref_squeeze %dma_start3A_352 : memref<1x!tpu.dma_semaphore, #tpu.memory_space<semaphore_mem>> -> memref<!tpu.dma_semaphore, #tpu.memory_space<semaphore_mem>>
            %dma_start3A_354 = arith.constant 0 : i32
            %dma_start3A_355 = arith.constant 0 : i32
            %dma_start3A_356 = tpu.memref_slice %run_scoped3A_21[%rem3A_343, %dma_start3A_354, %dma_start3A_355] : memref<2x1x128xi32, #tpu.memory_space<vmem>> -> memref<1x1x128xi32, #tpu.memory_space<vmem>>
            %dma_start3A_357 = tpu.memref_squeeze %dma_start3A_356 : memref<1x1x128xi32, #tpu.memory_space<vmem>> -> memref<1x128xi32, #tpu.memory_space<vmem>>
            %dma_start3A_358 = arith.constant 0 : i32
            %dma_start3A_359 = tpu.memref_slice %arg3[%mul3A_345, %dma_start3A_358] : memref<2500x128xi32, #tpu.memory_space<hbm>> -> memref<1x128xi32, #tpu.memory_space<hbm>>
            tpu.enqueue_dma source(%dma_start3A_359 : memref<1x128xi32, #tpu.memory_space<hbm>>) target(%dma_start3A_357 : memref<1x128xi32, #tpu.memory_space<vmem>>) target_semaphore(%dma_start3A_353 : memref<!tpu.dma_semaphore, #tpu.memory_space<semaphore_mem>>)
            "tpu.trace_stop"() : () -> ()
          } else {
          }
          %and3A_241 = arith.constant true
          %and3A_242 = arith.andi %and3A_237, %and3A_241 : i1
          %add3A_243 = arith.constant 1 : i32
          %add3A_244 = arith.addi %while3A_172, %add3A_243 : i32
          %select_n3A_245 = arith.select %and3A_242, %add3A_244, %while3A_172 : i32
          %ne3A_246 = arith.cmpi ne, %add3A_182, %add3A_192 : i32
          %or3A_247 = arith.constant false
          %or3A_248 = arith.ori %or3A_247, %ne3A_246 : i1
          %or3A_249 = arith.constant false
          %or3A_250 = arith.ori %or3A_248, %or3A_249 : i1
          %or3A_251 = arith.ori %or3A_250, %eq3A_178 : i1
          %convert_element_type3A_252 = arith.extui %or3A_251 : i1 to i32
          %cond3A_253 = arith.constant 0 : i32
          %cond3A_254 = arith.cmpi ne, %convert_element_type3A_252, %cond3A_253 : i32
          scf.if %cond3A_254 {
            "tpu.trace_start"() <{level = 10 : i32, message = "ep_wait_in"}> : () -> ()
            %mul3A_342 = arith.constant 128 : i32
            %mul3A_343 = arith.muli %mul3A_342, %add3A_182 : i32
            %rem3A_344 = arith.constant 2 : i32
            %rem3A_345 = arith.remui %while3A_171, %rem3A_344 : i32
            %dma_wait3A = arith.constant 0 : i32
            %dma_wait3A_346 = arith.constant 0 : i32
            %dma_wait3A_347 = tpu.memref_slice %run_scoped3A[%rem3A_345, %dma_wait3A, %dma_wait3A_346] : memref<2x128x32xf32, #tpu.memory_space<vmem>> -> memref<1x128x32xf32, #tpu.memory_space<vmem>>
            %dma_wait3A_348 = tpu.memref_squeeze %dma_wait3A_347 : memref<1x128x32xf32, #tpu.memory_space<vmem>> -> memref<128x32xf32, #tpu.memory_space<vmem>>
            %dma_wait3A_349 = arith.constant 0 : i32
            %dma_wait3A_350 = tpu.memref_slice %arg2[%mul3A_343, %dma_wait3A_349] : memref<320000x128xf32, #tpu.memory_space<hbm>> -> memref<128x32xf32, #tpu.memory_space<hbm>>
            %dma_wait3A_351 = tpu.memref_slice %run_scoped3A_20[%rem3A_345] : memref<2x!tpu.dma_semaphore, #tpu.memory_space<semaphore_mem>> -> memref<1x!tpu.dma_semaphore, #tpu.memory_space<semaphore_mem>>
            %dma_wait3A_352 = tpu.memref_squeeze %dma_wait3A_351 : memref<1x!tpu.dma_semaphore, #tpu.memory_space<semaphore_mem>> -> memref<!tpu.dma_semaphore, #tpu.memory_space<semaphore_mem>>
            %dma_wait3A_353 = arith.constant 0 : i32
            %dma_wait3A_354 = arith.constant 0 : i32
            %dma_wait3A_355 = tpu.memref_slice %run_scoped3A[%rem3A_345, %dma_wait3A_353, %dma_wait3A_354] : memref<2x128x32xf32, #tpu.memory_space<vmem>> -> memref<1x128x32xf32, #tpu.memory_space<vmem>>
            %dma_wait3A_356 = tpu.memref_squeeze %dma_wait3A_355 : memref<1x128x32xf32, #tpu.memory_space<vmem>> -> memref<128x32xf32, #tpu.memory_space<vmem>>
            %dma_wait3A_357 = arith.constant 0 : i32
            %dma_wait3A_358 = tpu.memref_slice %arg2[%mul3A_343, %dma_wait3A_357] : memref<320000x128xf32, #tpu.memory_space<hbm>> -> memref<128x32xf32, #tpu.memory_space<hbm>>
            tpu.wait_dma2 semaphore(%dma_wait3A_352 : memref<!tpu.dma_semaphore, #tpu.memory_space<semaphore_mem>>) src(%dma_wait3A_358 : memref<128x32xf32, #tpu.memory_space<hbm>>) dst(%dma_wait3A_356 : memref<128x32xf32, #tpu.memory_space<vmem>>)
            "tpu.trace_stop"() : () -> ()
          } else {
          }
          %ne3A_255 = arith.cmpi ne, %add3A_182, %add3A_192 : i32
          %or3A_256 = arith.constant false
          %or3A_257 = arith.ori %or3A_256, %ne3A_255 : i1
          %or3A_258 = arith.constant false
          %or3A_259 = arith.ori %or3A_257, %or3A_258 : i1
          %or3A_260 = arith.ori %or3A_259, %eq3A_178 : i1
          %convert_element_type3A_261 = arith.extui %or3A_260 : i1 to i32
          %cond3A_262 = arith.constant 0 : i32
          %cond3A_263 = arith.cmpi ne, %convert_element_type3A_261, %cond3A_262 : i32
          scf.if %cond3A_263 {
            "tpu.trace_start"() <{level = 10 : i32, message = "ep_wait_in"}> : () -> ()
            %mul3A_342 = arith.constant 1 : i32
            %mul3A_343 = arith.muli %mul3A_342, %add3A_182 : i32
            %rem3A_344 = arith.constant 2 : i32
            %rem3A_345 = arith.remui %while3A_173, %rem3A_344 : i32
            %dma_wait3A = arith.constant 0 : i32
            %dma_wait3A_346 = arith.constant 0 : i32
            %dma_wait3A_347 = tpu.memref_slice %run_scoped3A_21[%rem3A_345, %dma_wait3A, %dma_wait3A_346] : memref<2x1x128xi32, #tpu.memory_space<vmem>> -> memref<1x1x128xi32, #tpu.memory_space<vmem>>
            %dma_wait3A_348 = tpu.memref_squeeze %dma_wait3A_347 : memref<1x1x128xi32, #tpu.memory_space<vmem>> -> memref<1x128xi32, #tpu.memory_space<vmem>>
            %dma_wait3A_349 = arith.constant 0 : i32
            %dma_wait3A_350 = tpu.memref_slice %arg3[%mul3A_343, %dma_wait3A_349] : memref<2500x128xi32, #tpu.memory_space<hbm>> -> memref<1x128xi32, #tpu.memory_space<hbm>>
            %dma_wait3A_351 = tpu.memref_slice %run_scoped3A_22[%rem3A_345] : memref<2x!tpu.dma_semaphore, #tpu.memory_space<semaphore_mem>> -> memref<1x!tpu.dma_semaphore, #tpu.memory_space<semaphore_mem>>
            %dma_wait3A_352 = tpu.memref_squeeze %dma_wait3A_351 : memref<1x!tpu.dma_semaphore, #tpu.memory_space<semaphore_mem>> -> memref<!tpu.dma_semaphore, #tpu.memory_space<semaphore_mem>>
            %dma_wait3A_353 = arith.constant 0 : i32
            %dma_wait3A_354 = arith.constant 0 : i32
            %dma_wait3A_355 = tpu.memref_slice %run_scoped3A_21[%rem3A_345, %dma_wait3A_353, %dma_wait3A_354] : memref<2x1x128xi32, #tpu.memory_space<vmem>> -> memref<1x1x128xi32, #tpu.memory_space<vmem>>
            %dma_wait3A_356 = tpu.memref_squeeze %dma_wait3A_355 : memref<1x1x128xi32, #tpu.memory_space<vmem>> -> memref<1x128xi32, #tpu.memory_space<vmem>>
            %dma_wait3A_357 = arith.constant 0 : i32
            %dma_wait3A_358 = tpu.memref_slice %arg3[%mul3A_343, %dma_wait3A_357] : memref<2500x128xi32, #tpu.memory_space<hbm>> -> memref<1x128xi32, #tpu.memory_space<hbm>>
            tpu.wait_dma2 semaphore(%dma_wait3A_352 : memref<!tpu.dma_semaphore, #tpu.memory_space<semaphore_mem>>) src(%dma_wait3A_358 : memref<1x128xi32, #tpu.memory_space<hbm>>) dst(%dma_wait3A_356 : memref<1x128xi32, #tpu.memory_space<vmem>>)
            "tpu.trace_stop"() : () -> ()
          } else {
          }
          %rem3A_264 = arith.constant 2 : i32
          %rem3A_265 = arith.remui %while3A_171, %rem3A_264 : i32
          %rem3A_266 = arith.constant 2 : i32
          %rem3A_267 = arith.remui %while3A_173, %rem3A_266 : i32
          %run_scoped3A_268 = arith.constant 0 : i32
          "tpu.trace_start"() <{level = 10 : i32, message = "ep_run_kernel"}> : () -> ()
          "tpu.region"() ({
            %run_scoped3A_342 = tpu.sem_alloc : memref<!tpu.dma_semaphore, #tpu.memory_space<semaphore_mem>>
            %dma_start3A_343 = arith.constant 0 : i32
            %dma_start3A_344 = arith.constant 0 : i32
            %dma_start3A_345 = tpu.memref_slice %run_scoped3A[%rem3A_265, %dma_start3A_343, %dma_start3A_344] : memref<2x128x32xf32, #tpu.memory_space<vmem>> -> memref<1x128x32xf32, #tpu.memory_space<vmem>>
            %dma_start3A_346 = tpu.memref_squeeze %dma_start3A_345 : memref<1x128x32xf32, #tpu.memory_space<vmem>> -> memref<128x32xf32, #tpu.memory_space<vmem>>
            %dma_start3A_347 = arith.constant 0 : i32
            %dma_start3A_348 = arith.constant 0 : i32
            %dma_start3A_349 = tpu.memref_slice %run_scoped3A_21[%rem3A_267, %dma_start3A_347, %dma_start3A_348] : memref<2x1x128xi32, #tpu.memory_space<vmem>> -> memref<1x1x128xi32, #tpu.memory_space<vmem>>
            %dma_start3A_350 = tpu.memref_squeeze %dma_start3A_349 : memref<1x1x128xi32, #tpu.memory_space<vmem>> -> memref<1x128xi32, #tpu.memory_space<vmem>>
            %dma_start3A_351 = arith.constant 0 : i32
            %dma_start3A_352 = tpu.memref_slice %dma_start3A_350[%run_scoped3A_268, %dma_start3A_351] : memref<1x128xi32, #tpu.memory_space<vmem>> -> memref<1x128xi32, #tpu.memory_space<vmem>>
            %dma_start3A_353 = tpu.memref_squeeze %dma_start3A_352 : memref<1x128xi32, #tpu.memory_space<vmem>> -> memref<128xi32, #tpu.memory_space<vmem>>
            %dma_start3A_354 = arith.constant 0 : i32
            %dma_start3A_355 = arith.constant 0 : i32
            %dma_start3A_356 = tpu.memref_slice %arg6[%dma_start3A_354, %dma_start3A_355] : memref<10000x32xf32, #tpu.memory_space<vmem_shared>> -> memref<10000x32xf32, #tpu.memory_space<vmem_shared>>
            tpu.enqueue_indirect_dma source(%dma_start3A_346 : memref<128x32xf32, #tpu.memory_space<vmem>>) target(%dma_start3A_356 : memref<10000x32xf32, #tpu.memory_space<vmem_shared>>) offsets(%dma_start3A_353 : memref<128xi32, #tpu.memory_space<vmem>>) semaphore(%run_scoped3A_342 : memref<!tpu.dma_semaphore, #tpu.memory_space<semaphore_mem>>) {add = true}
            %dma_wait3A = arith.constant 0 : i32
            %dma_wait3A_357 = arith.constant 0 : i32
            %dma_wait3A_358 = tpu.memref_slice %run_scoped3A[%rem3A_265, %dma_wait3A, %dma_wait3A_357] : memref<2x128x32xf32, #tpu.memory_space<vmem>> -> memref<1x128x32xf32, #tpu.memory_space<vmem>>
            %dma_wait3A_359 = tpu.memref_squeeze %dma_wait3A_358 : memref<1x128x32xf32, #tpu.memory_space<vmem>> -> memref<128x32xf32, #tpu.memory_space<vmem>>
            %dma_wait3A_360 = arith.constant 0 : i32
            %dma_wait3A_361 = arith.constant 0 : i32
            %dma_wait3A_362 = tpu.memref_slice %run_scoped3A_21[%rem3A_267, %dma_wait3A_360, %dma_wait3A_361] : memref<2x1x128xi32, #tpu.memory_space<vmem>> -> memref<1x1x128xi32, #tpu.memory_space<vmem>>
            %dma_wait3A_363 = tpu.memref_squeeze %dma_wait3A_362 : memref<1x1x128xi32, #tpu.memory_space<vmem>> -> memref<1x128xi32, #tpu.memory_space<vmem>>
            %dma_wait3A_364 = arith.constant 0 : i32
            %dma_wait3A_365 = tpu.memref_slice %dma_wait3A_363[%run_scoped3A_268, %dma_wait3A_364] : memref<1x128xi32, #tpu.memory_space<vmem>> -> memref<1x128xi32, #tpu.memory_space<vmem>>
            %dma_wait3A_366 = tpu.memref_squeeze %dma_wait3A_365 : memref<1x128xi32, #tpu.memory_space<vmem>> -> memref<128xi32, #tpu.memory_space<vmem>>
            %dma_wait3A_367 = arith.constant 0 : i32
            %dma_wait3A_368 = arith.constant 0 : i32
            %dma_wait3A_369 = tpu.memref_slice %arg6[%dma_wait3A_367, %dma_wait3A_368] : memref<10000x32xf32, #tpu.memory_space<vmem_shared>> -> memref<10000x32xf32, #tpu.memory_space<vmem_shared>>
            tpu.wait_indirect_dma semaphore(%run_scoped3A_342 : memref<!tpu.dma_semaphore, #tpu.memory_space<semaphore_mem>>) src(%dma_wait3A_359 : memref<128x32xf32, #tpu.memory_space<vmem>>) dst(%dma_wait3A_369 : memref<10000x32xf32, #tpu.memory_space<vmem_shared>>)
            tpu.yield
          }) : () -> ()
          "tpu.trace_stop"() : () -> ()
          %ne3A_269 = arith.cmpi ne, %add3A_182, %add3A_200 : i32
          %or3A_270 = arith.constant false
          %or3A_271 = arith.ori %or3A_270, %ne3A_269 : i1
          %or3A_272 = arith.constant false
          %or3A_273 = arith.ori %or3A_271, %or3A_272 : i1
          %or3A_274 = arith.ori %or3A_273, %eq3A_181 : i1
          %convert_element_type3A_275 = arith.extui %or3A_274 : i1 to i32
          %cond3A_276 = arith.constant 0 : i32
          %cond3A_277 = arith.cmpi ne, %convert_element_type3A_275, %cond3A_276 : i32
          scf.if %cond3A_277 {
          } else {
          }
          %and3A_278 = arith.constant false
          %and3A_279 = arith.andi %or3A_274, %and3A_278 : i1
          %ne3A_280 = arith.cmpi ne, %add3A_182, %add3A_200 : i32
          %or3A_281 = arith.constant false
          %or3A_282 = arith.ori %or3A_281, %ne3A_280 : i1
          %or3A_283 = arith.constant false
          %or3A_284 = arith.ori %or3A_282, %or3A_283 : i1
          %or3A_285 = arith.ori %or3A_284, %eq3A_181 : i1
          %convert_element_type3A_286 = arith.extui %or3A_285 : i1 to i32
          %cond3A_287 = arith.constant 0 : i32
          %cond3A_288 = arith.cmpi ne, %convert_element_type3A_286, %cond3A_287 : i32
          scf.if %cond3A_288 {
          } else {
          }
          %and3A_289 = arith.constant false
          %and3A_290 = arith.andi %or3A_285, %and3A_289 : i1
          %ne3A_291 = arith.cmpi ne, %add3A_182, %add3A_192 : i32
          %or3A_292 = arith.constant false
          %or3A_293 = arith.ori %or3A_292, %ne3A_291 : i1
          %or3A_294 = arith.constant false
          %or3A_295 = arith.ori %or3A_293, %or3A_294 : i1
          %not3A_296 = arith.constant true
          %not3A_297 = arith.xori %eq3A_178, %not3A_296 : i1
          %and3A_298 = arith.andi %or3A_295, %not3A_297 : i1
          %convert_element_type3A_299 = arith.extui %and3A_298 : i1 to i32
          %cond3A_300 = arith.constant 0 : i32
          %cond3A_301 = arith.cmpi ne, %convert_element_type3A_299, %cond3A_300 : i32
          scf.if %cond3A_301 {
          } else {
          }
          %and3A_302 = arith.constant false
          %and3A_303 = arith.andi %and3A_298, %and3A_302 : i1
          %ne3A_304 = arith.cmpi ne, %add3A_182, %add3A_192 : i32
          %or3A_305 = arith.constant false
          %or3A_306 = arith.ori %or3A_305, %ne3A_304 : i1
          %or3A_307 = arith.constant false
          %or3A_308 = arith.ori %or3A_306, %or3A_307 : i1
          %not3A_309 = arith.constant true
          %not3A_310 = arith.xori %eq3A_178, %not3A_309 : i1
          %and3A_311 = arith.andi %or3A_308, %not3A_310 : i1
          %convert_element_type3A_312 = arith.extui %and3A_311 : i1 to i32
          %cond3A_313 = arith.constant 0 : i32
          %cond3A_314 = arith.cmpi ne, %convert_element_type3A_312, %cond3A_313 : i32
          scf.if %cond3A_314 {
          } else {
          }
          %and3A_315 = arith.constant false
          %and3A_316 = arith.andi %and3A_311, %and3A_315 : i1
          %ne3A_317 = arith.cmpi ne, %add3A_182, %add3A_200 : i32
          %or3A_318 = arith.constant false
          %or3A_319 = arith.ori %or3A_318, %ne3A_317 : i1
          %or3A_320 = arith.constant false
          %or3A_321 = arith.ori %or3A_319, %or3A_320 : i1
          %or3A_322 = arith.ori %or3A_321, %eq3A_181 : i1
          %add3A_323 = arith.constant 1 : i32
          %add3A_324 = arith.addi %while3A_171, %add3A_323 : i32
          %select_n3A_325 = arith.select %or3A_322, %add3A_324, %while3A_171 : i32
          %ne3A_326 = arith.cmpi ne, %add3A_182, %add3A_200 : i32
          %or3A_327 = arith.constant false
          %or3A_328 = arith.ori %or3A_327, %ne3A_326 : i1
          %or3A_329 = arith.constant false
          %or3A_330 = arith.ori %or3A_328, %or3A_329 : i1
          %or3A_331 = arith.ori %or3A_330, %eq3A_181 : i1
          %add3A_332 = arith.constant 1 : i32
          %add3A_333 = arith.addi %while3A_173, %add3A_332 : i32
          %select_n3A_334 = arith.select %or3A_331, %add3A_333, %while3A_173 : i32
          %add3A_335 = arith.constant 1 : i32
          %add3A_336 = arith.addi %while3A_174, %add3A_335 : i32
          %select_n3A_337 = arith.constant true
          %select_n3A_338 = arith.select %select_n3A_337, %add3A_336, %while3A_174 : i32
          %eq3A_339 = arith.cmpi eq, %select_n3A_338, %select_n3A : i32
          %select_n3A_340 = arith.constant 0 : i32
          %select_n3A_341 = arith.select %eq3A_339, %select_n3A_340, %select_n3A_338 : i32
          scf.yield %select_n3A_224, %select_n3A_325, %select_n3A_245, %select_n3A_334, %select_n3A_341 : i32, i32, i32, i32, i32
        }
        %sub3A_118 = arith.constant 1 : i32
        %sub3A_119 = arith.subi %while3A_117#4, %sub3A_118 : i32
        %select_n3A_120 = arith.constant true
        %select_n3A_121 = arith.select %select_n3A_120, %sub3A_119, %while3A_117#4 : i32
        %eq3A_122 = arith.constant -1 : i32
        %eq3A_123 = arith.cmpi eq, %select_n3A_121, %eq3A_122 : i32
        %sub3A_124 = arith.constant 1 : i32
        %sub3A_125 = arith.subi %select_n3A, %sub3A_124 : i32
        %select_n3A_126 = arith.select %eq3A_123, %sub3A_125, %select_n3A_121 : i32
        %sub3A_127 = arith.constant 1 : i32
        %sub3A_128 = arith.subi %mul3A_18, %sub3A_127 : i32
        %mul3A_129 = arith.constant 1 : i32
        %mul3A_130 = arith.muli %mul3A_129, %select_n3A : i32
        %eq3A_131 = arith.constant 0 : i32
        %eq3A_132 = arith.cmpi eq, %sub3A_128, %eq3A_131 : i32
        %sub3A_133 = arith.constant 1 : i32
        %sub3A_134 = arith.subi %mul3A_130, %sub3A_133 : i32
        %eq3A_135 = arith.cmpi eq, %sub3A_128, %sub3A_134 : i32
        %add3A_136 = arith.addi %select_n3A_126, %select_n3A_16 : i32
        %sub3A_137 = arith.constant 1 : i32
        %sub3A_138 = arith.subi %select_n3A_126, %sub3A_137 : i32
        %select_n3A_139 = arith.constant true
        %select_n3A_140 = arith.select %select_n3A_139, %sub3A_138, %select_n3A_126 : i32
        %eq3A_141 = arith.constant -1 : i32
        %eq3A_142 = arith.cmpi eq, %select_n3A_140, %eq3A_141 : i32
        %sub3A_143 = arith.constant 1 : i32
        %sub3A_144 = arith.subi %select_n3A, %sub3A_143 : i32
        %select_n3A_145 = arith.select %eq3A_142, %sub3A_144, %select_n3A_140 : i32
        %add3A_146 = arith.addi %select_n3A_145, %select_n3A_16 : i32
        %add3A_147 = arith.constant 1 : i32
        %add3A_148 = arith.addi %select_n3A_126, %add3A_147 : i32
        %select_n3A_149 = arith.constant true
        %select_n3A_150 = arith.select %select_n3A_149, %add3A_148, %select_n3A_126 : i32
        %eq3A_151 = arith.cmpi eq, %select_n3A_150, %select_n3A : i32
        %select_n3A_152 = arith.constant 0 : i32
        %select_n3A_153 = arith.select %eq3A_151, %select_n3A_152, %select_n3A_150 : i32
        %add3A_154 = arith.addi %select_n3A_153, %select_n3A_16 : i32
        %add3A_155 = arith.constant 1 : i32
        %add3A_156 = arith.addi %select_n3A_153, %add3A_155 : i32
        %select_n3A_157 = arith.constant true
        %select_n3A_158 = arith.select %select_n3A_157, %add3A_156, %select_n3A_153 : i32
        %eq3A_159 = arith.cmpi eq, %select_n3A_158, %select_n3A : i32
        %select_n3A_160 = arith.constant 0 : i32
        %select_n3A_161 = arith.select %eq3A_159, %select_n3A_160, %select_n3A_158 : i32
        %add3A_162 = arith.addi %select_n3A_161, %select_n3A_16 : i32
        %convert_element_type3A_163 = arith.extui %eq3A_135 : i1 to i32
        %cond3A_164 = arith.constant 0 : i32
        %cond3A_165 = arith.cmpi ne, %convert_element_type3A_163, %cond3A_164 : i32
        scf.if %cond3A_165 {
        } else {
        }
        %convert_element_type3A_166 = arith.extui %eq3A_135 : i1 to i32
        %cond3A_167 = arith.constant 0 : i32
        %cond3A_168 = arith.cmpi ne, %convert_element_type3A_166, %cond3A_167 : i32
        scf.if %cond3A_168 {
        } else {
        }
      } else {
      }
      tpu.yield
    }) : () -> ()
    %barrier3A_19 = arith.constant 0 : index
    tpu.barrier barrier_id(%barrier3A_19)
    "tpu.region"() ({
      %run_scoped3A = tpu.sem_alloc : memref<!tpu.dma_semaphore, #tpu.memory_space<semaphore_mem>>
      %dma_start3A = arith.constant 0 : i32
      %dma_start3A_20 = arith.constant 0 : i32
      %dma_start3A_21 = tpu.memref_slice %arg5[%arg0, %dma_start3A, %dma_start3A_20] : memref<2x10000x32xf32, #tpu.memory_space<hbm>> -> memref<1x10000x32xf32, #tpu.memory_space<hbm>>
      %dma_start3A_22 = tpu.memref_squeeze %dma_start3A_21 : memref<1x10000x32xf32, #tpu.memory_space<hbm>> -> memref<10000x32xf32, #tpu.memory_space<hbm>>
      %dma_start3A_23 = arith.constant 0 : i32
      %dma_start3A_24 = tpu.memref_slice %dma_start3A_22[%mul3A_0, %dma_start3A_23] : memref<10000x32xf32, #tpu.memory_space<hbm>> -> memref<625x32xf32, #tpu.memory_space<hbm>>
      %dma_start3A_25 = arith.constant 0 : i32
      %dma_start3A_26 = tpu.memref_slice %arg6[%mul3A_0, %dma_start3A_25] : memref<10000x32xf32, #tpu.memory_space<vmem_shared>> -> memref<625x32xf32, #tpu.memory_space<vmem_shared>>
      tpu.enqueue_dma source(%dma_start3A_26 : memref<625x32xf32, #tpu.memory_space<vmem_shared>>) target(%dma_start3A_24 : memref<625x32xf32, #tpu.memory_space<hbm>>) target_semaphore(%run_scoped3A : memref<!tpu.dma_semaphore, #tpu.memory_space<semaphore_mem>>)
      %dma_wait3A = arith.constant 0 : i32
      %dma_wait3A_27 = arith.constant 0 : i32
      %dma_wait3A_28 = tpu.memref_slice %arg5[%arg0, %dma_wait3A, %dma_wait3A_27] : memref<2x10000x32xf32, #tpu.memory_space<hbm>> -> memref<1x10000x32xf32, #tpu.memory_space<hbm>>
      %dma_wait3A_29 = tpu.memref_squeeze %dma_wait3A_28 : memref<1x10000x32xf32, #tpu.memory_space<hbm>> -> memref<10000x32xf32, #tpu.memory_space<hbm>>
      %dma_wait3A_30 = arith.constant 0 : i32
      %dma_wait3A_31 = tpu.memref_slice %dma_wait3A_29[%mul3A_0, %dma_wait3A_30] : memref<10000x32xf32, #tpu.memory_space<hbm>> -> memref<625x32xf32, #tpu.memory_space<hbm>>
      %dma_wait3A_32 = arith.constant 0 : i32
      %dma_wait3A_33 = tpu.memref_slice %arg6[%mul3A_0, %dma_wait3A_32] : memref<10000x32xf32, #tpu.memory_space<vmem_shared>> -> memref<625x32xf32, #tpu.memory_space<vmem_shared>>
      tpu.wait_dma2 semaphore(%run_scoped3A : memref<!tpu.dma_semaphore, #tpu.memory_space<semaphore_mem>>) src(%dma_wait3A_33 : memref<625x32xf32, #tpu.memory_space<vmem_shared>>) dst(%dma_wait3A_31 : memref<625x32xf32, #tpu.memory_space<hbm>>)
      tpu.yield
    }) : () -> ()
    return
  }
}

module attributes {stable_mosaic.version = 14 : i64} {
  func.func @k(%arg0: i32, %arg1: memref<320000x3xf32, #tpu.memory_space<any>>, %arg2: memref<320000x128xf32, #tpu.memory_space<any>>, %arg3: memref<1x10xf32, #tpu.memory_space<any>>, %arg4: memref<2x10xf32, #tpu.memory_space<any>>, %arg5: memref<10x64xf32, #tpu.memory_space<any>>, %arg6: memref<64x256xf32, #tpu.memory_space<any>>, %arg7: memref<16x128xf32, #tpu.memory_space<any>>, %arg8: memref<128x8xf32, #tpu.memory_space<any>>, %arg9: memref<3x24xf32, #tpu.memory_space<any>>, %arg10: memref<24x8xf32, #tpu.memory_space<any>>, %arg11: memref<24x192xf32, #tpu.memory_space<any>>, %arg12: memref<192x24xf32, #tpu.memory_space<any>>, %arg13: memref<64x24xf32, #tpu.memory_space<any>>, %arg14: memref<320000x128xf32, #tpu.memory_space<any>>) attributes {dimension_semantics = [#tpu.dimension_semantics<parallel>], iteration_bounds = array<i64: 2>, scalar_prefetch = 0 : i64, scratch_operands = 0 : i64, tpu.core_type = #tpu.core_type<tc>, window_params = [{}, {}, {}, {}, {}, {}, {}, {}, {}, {}, {}, {}, {}, {}]} {
    %lt3A = arith.constant 1 : i32
    %lt3A_0 = arith.cmpi slt, %arg0, %lt3A : i32
    %jit3A = arith.constant 63 : i32
    %jit3A_1 = arith.constant 62 : i32
    %select_n3A = arith.select %lt3A_0, %jit3A, %jit3A_1 : i32
    %lt3A_2 = arith.constant 1 : i32
    %lt3A_3 = arith.cmpi slt, %arg0, %lt3A_2 : i32
    %mul3A = arith.muli %arg0, %select_n3A : i32
    %mul3A_4 = arith.constant 62 : i32
    %mul3A_5 = arith.muli %arg0, %mul3A_4 : i32
    %add3A = arith.constant 1 : i32
    %add3A_6 = arith.addi %mul3A_5, %add3A : i32
    %select_n3A_7 = arith.select %lt3A_3, %mul3A, %add3A_6 : i32
    %mul3A_8 = arith.constant 1 : i32
    %mul3A_9 = arith.muli %mul3A_8, %select_n3A : i32
    "tpu.region"() ({
      %run_scoped3A = memref.alloca() : memref<2x2560x3xf32, #tpu.memory_space<vmem>>
      %run_scoped3A_10 = tpu.sem_alloc : memref<2x!tpu.dma_semaphore, #tpu.memory_space<semaphore_mem>>
      %run_scoped3A_11 = memref.alloca() : memref<2x2560x128xf32, #tpu.memory_space<vmem>>
      %run_scoped3A_12 = tpu.sem_alloc : memref<2x!tpu.dma_semaphore, #tpu.memory_space<semaphore_mem>>
      %run_scoped3A_13 = memref.alloca() : memref<1x10xf32, #tpu.memory_space<vmem>>
      %run_scoped3A_14 = memref.alloca() : memref<2x10xf32, #tpu.memory_space<vmem>>
      %run_scoped3A_15 = memref.alloca() : memref<10x64xf32, #tpu.memory_space<vmem>>
      %run_scoped3A_16 = memref.alloca() : memref<64x256xf32, #tpu.memory_space<vmem>>
      %run_scoped3A_17 = memref.alloca() : memref<16x128xf32, #tpu.memory_space<vmem>>
      %run_scoped3A_18 = memref.alloca() : memref<128x8xf32, #tpu.memory_space<vmem>>
      %run_scoped3A_19 = memref.alloca() : memref<3x24xf32, #tpu.memory_space<vmem>>
      %run_scoped3A_20 = memref.alloca() : memref<24x8xf32, #tpu.memory_space<vmem>>
      %run_scoped3A_21 = memref.alloca() : memref<24x192xf32, #tpu.memory_space<vmem>>
      %run_scoped3A_22 = memref.alloca() : memref<192x24xf32, #tpu.memory_space<vmem>>
      %run_scoped3A_23 = memref.alloca() : memref<64x24xf32, #tpu.memory_space<vmem>>
      %run_scoped3A_24 = memref.alloca() : memref<2x2560x128xf32, #tpu.memory_space<vmem>>
      %run_scoped3A_25 = tpu.sem_alloc : memref<2x!tpu.dma_semaphore, #tpu.memory_space<semaphore_mem>>
      %gt3A = arith.constant 0 : i32
      %gt3A_26 = arith.cmpi sgt, %mul3A_9, %gt3A : i32
      %convert_element_type3A = arith.extui %gt3A_26 : i1 to i32
      %cond3A = arith.constant 0 : i32
      %cond3A_27 = arith.cmpi ne, %convert_element_type3A, %cond3A : i32
      scf.if %cond3A_27 {
        %mul3A_28 = arith.constant 1 : i32
        %mul3A_29 = arith.muli %mul3A_28, %select_n3A : i32
        %sub3A = arith.constant 1 : i32
        %sub3A_30 = arith.subi %mul3A_29, %sub3A : i32
        %eq3A = arith.constant 0 : i32
        %eq3A_31 = arith.cmpi eq, %sub3A_30, %eq3A : i32
        %add3A_32 = arith.constant 0 : i32
        %add3A_33 = arith.addi %add3A_32, %select_n3A_7 : i32
        %select_n3A_34 = arith.constant true
        %select_n3A_35 = arith.constant 0 : i32
        %select_n3A_36 = arith.constant -1 : i32
        %select_n3A_37 = arith.select %select_n3A_34, %select_n3A_36, %select_n3A_35 : i32
        %eq3A_38 = arith.constant -1 : i32
        %eq3A_39 = arith.cmpi eq, %select_n3A_37, %eq3A_38 : i32
        %sub3A_40 = arith.constant 1 : i32
        %sub3A_41 = arith.subi %select_n3A, %sub3A_40 : i32
        %select_n3A_42 = arith.select %eq3A_39, %sub3A_41, %select_n3A_37 : i32
        %add3A_43 = arith.addi %select_n3A_42, %select_n3A_7 : i32
        %select_n3A_44 = arith.constant true
        %select_n3A_45 = arith.constant 0 : i32
        %select_n3A_46 = arith.constant 1 : i32
        %select_n3A_47 = arith.select %select_n3A_44, %select_n3A_46, %select_n3A_45 : i32
        %eq3A_48 = arith.cmpi eq, %select_n3A_47, %select_n3A : i32
        %select_n3A_49 = arith.constant 0 : i32
        %select_n3A_50 = arith.select %eq3A_48, %select_n3A_49, %select_n3A_47 : i32
        %add3A_51 = arith.addi %select_n3A_50, %select_n3A_7 : i32
        %add3A_52 = arith.constant 1 : i32
        %add3A_53 = arith.addi %select_n3A_50, %add3A_52 : i32
        %select_n3A_54 = arith.constant true
        %select_n3A_55 = arith.select %select_n3A_54, %add3A_53, %select_n3A_50 : i32
        %eq3A_56 = arith.cmpi eq, %select_n3A_55, %select_n3A : i32
        %select_n3A_57 = arith.constant 0 : i32
        %select_n3A_58 = arith.select %eq3A_56, %select_n3A_57, %select_n3A_55 : i32
        %add3A_59 = arith.addi %select_n3A_58, %select_n3A_7 : i32
        "tpu.region"() ({
          %run_scoped3A_187 = tpu.sem_alloc : memref<!tpu.dma_semaphore, #tpu.memory_space<semaphore_mem>>
          tpu.enqueue_dma source(%arg3 : memref<1x10xf32, #tpu.memory_space<any>>) target(%run_scoped3A_13 : memref<1x10xf32, #tpu.memory_space<vmem>>) target_semaphore(%run_scoped3A_187 : memref<!tpu.dma_semaphore, #tpu.memory_space<semaphore_mem>>)
          tpu.wait_dma2 semaphore(%run_scoped3A_187 : memref<!tpu.dma_semaphore, #tpu.memory_space<semaphore_mem>>) src(%arg3 : memref<1x10xf32, #tpu.memory_space<any>>) dst(%run_scoped3A_13 : memref<1x10xf32, #tpu.memory_space<vmem>>)
          tpu.yield
        }) : () -> ()
        "tpu.region"() ({
          %run_scoped3A_187 = tpu.sem_alloc : memref<!tpu.dma_semaphore, #tpu.memory_space<semaphore_mem>>
          tpu.enqueue_dma source(%arg4 : memref<2x10xf32, #tpu.memory_space<any>>) target(%run_scoped3A_14 : memref<2x10xf32, #tpu.memory_space<vmem>>) target_semaphore(%run_scoped3A_187 : memref<!tpu.dma_semaphore, #tpu.memory_space<semaphore_mem>>)
          tpu.wait_dma2 semaphore(%run_scoped3A_187 : memref<!tpu.dma_semaphore, #tpu.memory_space<semaphore_mem>>) src(%arg4 : memref<2x10xf32, #tpu.memory_space<any>>) dst(%run_scoped3A_14 : memref<2x10xf32, #tpu.memory_space<vmem>>)
          tpu.yield
        }) : () -> ()
        "tpu.region"() ({
          %run_scoped3A_187 = tpu.sem_alloc : memref<!tpu.dma_semaphore, #tpu.memory_space<semaphore_mem>>
          tpu.enqueue_dma source(%arg5 : memref<10x64xf32, #tpu.memory_space<any>>) target(%run_scoped3A_15 : memref<10x64xf32, #tpu.memory_space<vmem>>) target_semaphore(%run_scoped3A_187 : memref<!tpu.dma_semaphore, #tpu.memory_space<semaphore_mem>>)
          tpu.wait_dma2 semaphore(%run_scoped3A_187 : memref<!tpu.dma_semaphore, #tpu.memory_space<semaphore_mem>>) src(%arg5 : memref<10x64xf32, #tpu.memory_space<any>>) dst(%run_scoped3A_15 : memref<10x64xf32, #tpu.memory_space<vmem>>)
          tpu.yield
        }) : () -> ()
        "tpu.region"() ({
          %run_scoped3A_187 = tpu.sem_alloc : memref<!tpu.dma_semaphore, #tpu.memory_space<semaphore_mem>>
          tpu.enqueue_dma source(%arg6 : memref<64x256xf32, #tpu.memory_space<any>>) target(%run_scoped3A_16 : memref<64x256xf32, #tpu.memory_space<vmem>>) target_semaphore(%run_scoped3A_187 : memref<!tpu.dma_semaphore, #tpu.memory_space<semaphore_mem>>)
          tpu.wait_dma2 semaphore(%run_scoped3A_187 : memref<!tpu.dma_semaphore, #tpu.memory_space<semaphore_mem>>) src(%arg6 : memref<64x256xf32, #tpu.memory_space<any>>) dst(%run_scoped3A_16 : memref<64x256xf32, #tpu.memory_space<vmem>>)
          tpu.yield
        }) : () -> ()
        "tpu.region"() ({
          %run_scoped3A_187 = tpu.sem_alloc : memref<!tpu.dma_semaphore, #tpu.memory_space<semaphore_mem>>
          tpu.enqueue_dma source(%arg7 : memref<16x128xf32, #tpu.memory_space<any>>) target(%run_scoped3A_17 : memref<16x128xf32, #tpu.memory_space<vmem>>) target_semaphore(%run_scoped3A_187 : memref<!tpu.dma_semaphore, #tpu.memory_space<semaphore_mem>>)
          tpu.wait_dma2 semaphore(%run_scoped3A_187 : memref<!tpu.dma_semaphore, #tpu.memory_space<semaphore_mem>>) src(%arg7 : memref<16x128xf32, #tpu.memory_space<any>>) dst(%run_scoped3A_17 : memref<16x128xf32, #tpu.memory_space<vmem>>)
          tpu.yield
        }) : () -> ()
        "tpu.region"() ({
          %run_scoped3A_187 = tpu.sem_alloc : memref<!tpu.dma_semaphore, #tpu.memory_space<semaphore_mem>>
          tpu.enqueue_dma source(%arg8 : memref<128x8xf32, #tpu.memory_space<any>>) target(%run_scoped3A_18 : memref<128x8xf32, #tpu.memory_space<vmem>>) target_semaphore(%run_scoped3A_187 : memref<!tpu.dma_semaphore, #tpu.memory_space<semaphore_mem>>)
          tpu.wait_dma2 semaphore(%run_scoped3A_187 : memref<!tpu.dma_semaphore, #tpu.memory_space<semaphore_mem>>) src(%arg8 : memref<128x8xf32, #tpu.memory_space<any>>) dst(%run_scoped3A_18 : memref<128x8xf32, #tpu.memory_space<vmem>>)
          tpu.yield
        }) : () -> ()
        "tpu.region"() ({
          %run_scoped3A_187 = tpu.sem_alloc : memref<!tpu.dma_semaphore, #tpu.memory_space<semaphore_mem>>
          tpu.enqueue_dma source(%arg9 : memref<3x24xf32, #tpu.memory_space<any>>) target(%run_scoped3A_19 : memref<3x24xf32, #tpu.memory_space<vmem>>) target_semaphore(%run_scoped3A_187 : memref<!tpu.dma_semaphore, #tpu.memory_space<semaphore_mem>>)
          tpu.wait_dma2 semaphore(%run_scoped3A_187 : memref<!tpu.dma_semaphore, #tpu.memory_space<semaphore_mem>>) src(%arg9 : memref<3x24xf32, #tpu.memory_space<any>>) dst(%run_scoped3A_19 : memref<3x24xf32, #tpu.memory_space<vmem>>)
          tpu.yield
        }) : () -> ()
        "tpu.region"() ({
          %run_scoped3A_187 = tpu.sem_alloc : memref<!tpu.dma_semaphore, #tpu.memory_space<semaphore_mem>>
          tpu.enqueue_dma source(%arg10 : memref<24x8xf32, #tpu.memory_space<any>>) target(%run_scoped3A_20 : memref<24x8xf32, #tpu.memory_space<vmem>>) target_semaphore(%run_scoped3A_187 : memref<!tpu.dma_semaphore, #tpu.memory_space<semaphore_mem>>)
          tpu.wait_dma2 semaphore(%run_scoped3A_187 : memref<!tpu.dma_semaphore, #tpu.memory_space<semaphore_mem>>) src(%arg10 : memref<24x8xf32, #tpu.memory_space<any>>) dst(%run_scoped3A_20 : memref<24x8xf32, #tpu.memory_space<vmem>>)
          tpu.yield
        }) : () -> ()
        "tpu.region"() ({
          %run_scoped3A_187 = tpu.sem_alloc : memref<!tpu.dma_semaphore, #tpu.memory_space<semaphore_mem>>
          tpu.enqueue_dma source(%arg11 : memref<24x192xf32, #tpu.memory_space<any>>) target(%run_scoped3A_21 : memref<24x192xf32, #tpu.memory_space<vmem>>) target_semaphore(%run_scoped3A_187 : memref<!tpu.dma_semaphore, #tpu.memory_space<semaphore_mem>>)
          tpu.wait_dma2 semaphore(%run_scoped3A_187 : memref<!tpu.dma_semaphore, #tpu.memory_space<semaphore_mem>>) src(%arg11 : memref<24x192xf32, #tpu.memory_space<any>>) dst(%run_scoped3A_21 : memref<24x192xf32, #tpu.memory_space<vmem>>)
          tpu.yield
        }) : () -> ()
        "tpu.region"() ({
          %run_scoped3A_187 = tpu.sem_alloc : memref<!tpu.dma_semaphore, #tpu.memory_space<semaphore_mem>>
          tpu.enqueue_dma source(%arg12 : memref<192x24xf32, #tpu.memory_space<any>>) target(%run_scoped3A_22 : memref<192x24xf32, #tpu.memory_space<vmem>>) target_semaphore(%run_scoped3A_187 : memref<!tpu.dma_semaphore, #tpu.memory_space<semaphore_mem>>)
          tpu.wait_dma2 semaphore(%run_scoped3A_187 : memref<!tpu.dma_semaphore, #tpu.memory_space<semaphore_mem>>) src(%arg12 : memref<192x24xf32, #tpu.memory_space<any>>) dst(%run_scoped3A_22 : memref<192x24xf32, #tpu.memory_space<vmem>>)
          tpu.yield
        }) : () -> ()
        "tpu.region"() ({
          %run_scoped3A_187 = tpu.sem_alloc : memref<!tpu.dma_semaphore, #tpu.memory_space<semaphore_mem>>
          tpu.enqueue_dma source(%arg13 : memref<64x24xf32, #tpu.memory_space<any>>) target(%run_scoped3A_23 : memref<64x24xf32, #tpu.memory_space<vmem>>) target_semaphore(%run_scoped3A_187 : memref<!tpu.dma_semaphore, #tpu.memory_space<semaphore_mem>>)
          tpu.wait_dma2 semaphore(%run_scoped3A_187 : memref<!tpu.dma_semaphore, #tpu.memory_space<semaphore_mem>>) src(%arg13 : memref<64x24xf32, #tpu.memory_space<any>>) dst(%run_scoped3A_23 : memref<64x24xf32, #tpu.memory_space<vmem>>)
          tpu.yield
        }) : () -> ()
        "tpu.trace_start"() <{level = 10 : i32, message = "ep_initialize_0"}> : () -> ()
        %rem3A = arith.constant 0 : i32
        %rem3A_60 = arith.constant 2 : i32
        %rem3A_61 = arith.remui %rem3A, %rem3A_60 : i32
        %mul3A_62 = arith.constant 2560 : i32
        %mul3A_63 = arith.muli %mul3A_62, %add3A_33 : i32
        %dma_start3A = tpu.memref_slice %run_scoped3A_10[%rem3A_61] : memref<2x!tpu.dma_semaphore, #tpu.memory_space<semaphore_mem>> -> memref<1x!tpu.dma_semaphore, #tpu.memory_space<semaphore_mem>>
        %dma_start3A_64 = tpu.memref_squeeze %dma_start3A : memref<1x!tpu.dma_semaphore, #tpu.memory_space<semaphore_mem>> -> memref<!tpu.dma_semaphore, #tpu.memory_space<semaphore_mem>>
        %dma_start3A_65 = arith.constant 0 : i32
        %dma_start3A_66 = arith.constant 0 : i32
        %dma_start3A_67 = tpu.memref_slice %run_scoped3A[%rem3A_61, %dma_start3A_65, %dma_start3A_66] : memref<2x2560x3xf32, #tpu.memory_space<vmem>> -> memref<1x2560x3xf32, #tpu.memory_space<vmem>>
        %dma_start3A_68 = tpu.memref_squeeze %dma_start3A_67 : memref<1x2560x3xf32, #tpu.memory_space<vmem>> -> memref<2560x3xf32, #tpu.memory_space<vmem>>
        %dma_start3A_69 = arith.constant 0 : i32
        %dma_start3A_70 = tpu.memref_slice %arg1[%mul3A_63, %dma_start3A_69] : memref<320000x3xf32, #tpu.memory_space<any>> -> memref<2560x3xf32, #tpu.memory_space<any>>
        tpu.enqueue_dma source(%dma_start3A_70 : memref<2560x3xf32, #tpu.memory_space<any>>) target(%dma_start3A_68 : memref<2560x3xf32, #tpu.memory_space<vmem>>) target_semaphore(%dma_start3A_64 : memref<!tpu.dma_semaphore, #tpu.memory_space<semaphore_mem>>)
        %add3A_71 = arith.constant 0 : i32
        %add3A_72 = arith.constant 1 : i32
        %add3A_73 = arith.addi %add3A_71, %add3A_72 : i32
        %select_n3A_74 = arith.constant true
        %select_n3A_75 = arith.constant 0 : i32
        %select_n3A_76 = arith.select %select_n3A_74, %add3A_73, %select_n3A_75 : i32
        %rem3A_77 = arith.constant 0 : i32
        %rem3A_78 = arith.constant 2 : i32
        %rem3A_79 = arith.remui %rem3A_77, %rem3A_78 : i32
        %mul3A_80 = arith.constant 2560 : i32
        %mul3A_81 = arith.muli %mul3A_80, %add3A_33 : i32
        %dma_start3A_82 = tpu.memref_slice %run_scoped3A_12[%rem3A_79] : memref<2x!tpu.dma_semaphore, #tpu.memory_space<semaphore_mem>> -> memref<1x!tpu.dma_semaphore, #tpu.memory_space<semaphore_mem>>
        %dma_start3A_83 = tpu.memref_squeeze %dma_start3A_82 : memref<1x!tpu.dma_semaphore, #tpu.memory_space<semaphore_mem>> -> memref<!tpu.dma_semaphore, #tpu.memory_space<semaphore_mem>>
        %dma_start3A_84 = arith.constant 0 : i32
        %dma_start3A_85 = arith.constant 0 : i32
        %dma_start3A_86 = tpu.memref_slice %run_scoped3A_11[%rem3A_79, %dma_start3A_84, %dma_start3A_85] : memref<2x2560x128xf32, #tpu.memory_space<vmem>> -> memref<1x2560x128xf32, #tpu.memory_space<vmem>>
        %dma_start3A_87 = tpu.memref_squeeze %dma_start3A_86 : memref<1x2560x128xf32, #tpu.memory_space<vmem>> -> memref<2560x128xf32, #tpu.memory_space<vmem>>
        %dma_start3A_88 = arith.constant 0 : i32
        %dma_start3A_89 = tpu.memref_slice %arg2[%mul3A_81, %dma_start3A_88] : memref<320000x128xf32, #tpu.memory_space<any>> -> memref<2560x128xf32, #tpu.memory_space<any>>
        tpu.enqueue_dma source(%dma_start3A_89 : memref<2560x128xf32, #tpu.memory_space<any>>) target(%dma_start3A_87 : memref<2560x128xf32, #tpu.memory_space<vmem>>) target_semaphore(%dma_start3A_83 : memref<!tpu.dma_semaphore, #tpu.memory_space<semaphore_mem>>)
        %add3A_90 = arith.constant 0 : i32
        %add3A_91 = arith.constant 1 : i32
        %add3A_92 = arith.addi %add3A_90, %add3A_91 : i32
        %select_n3A_93 = arith.constant true
        %select_n3A_94 = arith.constant 0 : i32
        %select_n3A_95 = arith.select %select_n3A_93, %add3A_92, %select_n3A_94 : i32
        %while3A = arith.constant 0 : i32
        %while3A_96 = arith.constant 0 : i32
        %while3A_97 = arith.constant 0 : i32
        %while3A_98 = arith.constant 0 : i32
        %while3A_99 = arith.constant 0 : i32
        %while3A_100 = arith.constant 0 : i32
        %while3A_101 = arith.constant 0 : i32
        %while3A_102 = arith.constant 0 : i32
        %while3A_103 = arith.constant 0 : i32
        %while3A_104 = arith.constant 0 : i32
        %while3A_105 = arith.constant 0 : i32
        %while3A_106 = arith.constant 0 : i32
        %while3A_107 = arith.constant 0 : i32
        %while3A_108 = arith.constant 0 : i32
        %while3A_109 = arith.constant 0 : i32
        %while3A_110 = arith.constant 0 : i32
        %while3A_111 = arith.constant 0 : i32
        %while3A_112 = arith.constant 0 : i32
        %while3A_113 = arith.constant 0 : i32
        %while3A_114 = arith.constant 0 : i32
        %while3A_115 = arith.constant 0 : i32
        %while3A_116 = arith.constant 0 : i32
        %while3A_117 = arith.constant 0 : i32
        %while3A_118 = arith.constant 0 : i32
        %while3A_119 = arith.constant 0 : i32
        %while3A_120 = arith.constant 0 : i32
        %while3A_121 = arith.constant 0 : i32
        %while3A_122 = arith.constant 0 : i32
        "tpu.trace_stop"() : () -> ()
        %while3A_123 = arith.subi %mul3A_9, %while3A_106 : i32
        %while3A_124 = arith.addi %while3A_106, %while3A_123 : i32
        %while3A_125 = arith.constant 1 : i32
        %while3A_126 = arith.divsi %while3A_123, %while3A_125 : i32
        %while3A_127 = arith.muli %while3A_126, %while3A_125 : i32
        %while3A_128 = arith.addi %while3A_106, %while3A_127 : i32
        %while3A_129 = arith.constant 1 : i32
        %while3A_130:18 = scf.for %while3A_187 = %while3A_106 to %while3A_128 step %while3A_129 iter_args(%while3A_188 = %select_n3A_76, %while3A_189 = %while3A_107, %while3A_190 = %select_n3A_95, %while3A_191 = %while3A_108, %while3A_192 = %while3A_109, %while3A_193 = %while3A_110, %while3A_194 = %while3A_111, %while3A_195 = %while3A_112, %while3A_196 = %while3A_113, %while3A_197 = %while3A_114, %while3A_198 = %while3A_115, %while3A_199 = %while3A_116, %while3A_200 = %while3A_117, %while3A_201 = %while3A_118, %while3A_202 = %while3A_119, %while3A_203 = %while3A_120, %while3A_204 = %while3A_121, %while3A_205 = %while3A_122) -> (i32, i32, i32, i32, i32, i32, i32, i32, i32, i32, i32, i32, i32, i32, i32, i32, i32, i32)  : i32 {
          %mul3A_206 = arith.constant 1 : i32
          %mul3A_207 = arith.muli %mul3A_206, %select_n3A : i32
          %eq3A_208 = arith.constant 0 : i32
          %eq3A_209 = arith.cmpi eq, %while3A_187, %eq3A_208 : i32
          %sub3A_210 = arith.constant 1 : i32
          %sub3A_211 = arith.subi %mul3A_207, %sub3A_210 : i32
          %eq3A_212 = arith.cmpi eq, %while3A_187, %sub3A_211 : i32
          %add3A_213 = arith.addi %while3A_205, %select_n3A_7 : i32
          %sub3A_214 = arith.constant 1 : i32
          %sub3A_215 = arith.subi %while3A_205, %sub3A_214 : i32
          %select_n3A_216 = arith.constant true
          %select_n3A_217 = arith.select %select_n3A_216, %sub3A_215, %while3A_205 : i32
          %eq3A_218 = arith.constant -1 : i32
          %eq3A_219 = arith.cmpi eq, %select_n3A_217, %eq3A_218 : i32
          %sub3A_220 = arith.constant 1 : i32
          %sub3A_221 = arith.subi %select_n3A, %sub3A_220 : i32
          %select_n3A_222 = arith.select %eq3A_219, %sub3A_221, %select_n3A_217 : i32
          %add3A_223 = arith.addi %select_n3A_222, %select_n3A_7 : i32
          %add3A_224 = arith.constant 1 : i32
          %add3A_225 = arith.addi %while3A_205, %add3A_224 : i32
          %select_n3A_226 = arith.constant true
          %select_n3A_227 = arith.select %select_n3A_226, %add3A_225, %while3A_205 : i32
          %eq3A_228 = arith.cmpi eq, %select_n3A_227, %select_n3A : i32
          %select_n3A_229 = arith.constant 0 : i32
          %select_n3A_230 = arith.select %eq3A_228, %select_n3A_229, %select_n3A_227 : i32
          %add3A_231 = arith.addi %select_n3A_230, %select_n3A_7 : i32
          %add3A_232 = arith.constant 1 : i32
          %add3A_233 = arith.addi %select_n3A_230, %add3A_232 : i32
          %select_n3A_234 = arith.constant true
          %select_n3A_235 = arith.select %select_n3A_234, %add3A_233, %select_n3A_230 : i32
          %eq3A_236 = arith.cmpi eq, %select_n3A_235, %select_n3A : i32
          %select_n3A_237 = arith.constant 0 : i32
          %select_n3A_238 = arith.select %eq3A_236, %select_n3A_237, %select_n3A_235 : i32
          %add3A_239 = arith.addi %select_n3A_238, %select_n3A_7 : i32
          %ne3A = arith.cmpi ne, %add3A_213, %add3A_231 : i32
          %or3A = arith.constant false
          %or3A_240 = arith.ori %or3A, %ne3A : i1
          %or3A_241 = arith.constant false
          %or3A_242 = arith.ori %or3A_240, %or3A_241 : i1
          %sub3A_243 = arith.constant 2 : i32
          %sub3A_244 = arith.subi %mul3A_207, %sub3A_243 : i32
          %add3A_245 = arith.constant 1 : i32
          %add3A_246 = arith.addi %sub3A_244, %add3A_245 : i32
          %ge3A = arith.cmpi sge, %while3A_187, %add3A_246 : i32
          %not3A = arith.constant true
          %not3A_247 = arith.xori %ge3A, %not3A : i1
          %and3A = arith.andi %or3A_242, %not3A_247 : i1
          %convert_element_type3A_248 = arith.extui %and3A : i1 to i32
          %cond3A_249 = arith.constant 0 : i32
          %cond3A_250 = arith.cmpi ne, %convert_element_type3A_248, %cond3A_249 : i32
          scf.if %cond3A_250 {
            "tpu.trace_start"() <{level = 10 : i32, message = "ep_copy_in"}> : () -> ()
            %rem3A_611 = arith.constant 2 : i32
            %rem3A_612 = arith.remui %while3A_188, %rem3A_611 : i32
            %mul3A_613 = arith.constant 2560 : i32
            %mul3A_614 = arith.muli %mul3A_613, %add3A_231 : i32
            %dma_start3A_615 = tpu.memref_slice %run_scoped3A_10[%rem3A_612] : memref<2x!tpu.dma_semaphore, #tpu.memory_space<semaphore_mem>> -> memref<1x!tpu.dma_semaphore, #tpu.memory_space<semaphore_mem>>
            %dma_start3A_616 = tpu.memref_squeeze %dma_start3A_615 : memref<1x!tpu.dma_semaphore, #tpu.memory_space<semaphore_mem>> -> memref<!tpu.dma_semaphore, #tpu.memory_space<semaphore_mem>>
            %dma_start3A_617 = arith.constant 0 : i32
            %dma_start3A_618 = arith.constant 0 : i32
            %dma_start3A_619 = tpu.memref_slice %run_scoped3A[%rem3A_612, %dma_start3A_617, %dma_start3A_618] : memref<2x2560x3xf32, #tpu.memory_space<vmem>> -> memref<1x2560x3xf32, #tpu.memory_space<vmem>>
            %dma_start3A_620 = tpu.memref_squeeze %dma_start3A_619 : memref<1x2560x3xf32, #tpu.memory_space<vmem>> -> memref<2560x3xf32, #tpu.memory_space<vmem>>
            %dma_start3A_621 = arith.constant 0 : i32
            %dma_start3A_622 = tpu.memref_slice %arg1[%mul3A_614, %dma_start3A_621] : memref<320000x3xf32, #tpu.memory_space<any>> -> memref<2560x3xf32, #tpu.memory_space<any>>
            tpu.enqueue_dma source(%dma_start3A_622 : memref<2560x3xf32, #tpu.memory_space<any>>) target(%dma_start3A_620 : memref<2560x3xf32, #tpu.memory_space<vmem>>) target_semaphore(%dma_start3A_616 : memref<!tpu.dma_semaphore, #tpu.memory_space<semaphore_mem>>)
            "tpu.trace_stop"() : () -> ()
          } else {
          }
          %and3A_251 = arith.constant true
          %and3A_252 = arith.andi %and3A, %and3A_251 : i1
          %add3A_253 = arith.constant 1 : i32
          %add3A_254 = arith.addi %while3A_188, %add3A_253 : i32
          %select_n3A_255 = arith.select %and3A_252, %add3A_254, %while3A_188 : i32
          %ne3A_256 = arith.cmpi ne, %add3A_213, %add3A_231 : i32
          %or3A_257 = arith.constant false
          %or3A_258 = arith.ori %or3A_257, %ne3A_256 : i1
          %or3A_259 = arith.constant false
          %or3A_260 = arith.ori %or3A_258, %or3A_259 : i1
          %sub3A_261 = arith.constant 2 : i32
          %sub3A_262 = arith.subi %mul3A_207, %sub3A_261 : i32
          %add3A_263 = arith.constant 1 : i32
          %add3A_264 = arith.addi %sub3A_262, %add3A_263 : i32
          %ge3A_265 = arith.cmpi sge, %while3A_187, %add3A_264 : i32
          %not3A_266 = arith.constant true
          %not3A_267 = arith.xori %ge3A_265, %not3A_266 : i1
          %and3A_268 = arith.andi %or3A_260, %not3A_267 : i1
          %convert_element_type3A_269 = arith.extui %and3A_268 : i1 to i32
          %cond3A_270 = arith.constant 0 : i32
          %cond3A_271 = arith.cmpi ne, %convert_element_type3A_269, %cond3A_270 : i32
          scf.if %cond3A_271 {
            "tpu.trace_start"() <{level = 10 : i32, message = "ep_copy_in"}> : () -> ()
            %rem3A_611 = arith.constant 2 : i32
            %rem3A_612 = arith.remui %while3A_190, %rem3A_611 : i32
            %mul3A_613 = arith.constant 2560 : i32
            %mul3A_614 = arith.muli %mul3A_613, %add3A_231 : i32
            %dma_start3A_615 = tpu.memref_slice %run_scoped3A_12[%rem3A_612] : memref<2x!tpu.dma_semaphore, #tpu.memory_space<semaphore_mem>> -> memref<1x!tpu.dma_semaphore, #tpu.memory_space<semaphore_mem>>
            %dma_start3A_616 = tpu.memref_squeeze %dma_start3A_615 : memref<1x!tpu.dma_semaphore, #tpu.memory_space<semaphore_mem>> -> memref<!tpu.dma_semaphore, #tpu.memory_space<semaphore_mem>>
            %dma_start3A_617 = arith.constant 0 : i32
            %dma_start3A_618 = arith.constant 0 : i32
            %dma_start3A_619 = tpu.memref_slice %run_scoped3A_11[%rem3A_612, %dma_start3A_617, %dma_start3A_618] : memref<2x2560x128xf32, #tpu.memory_space<vmem>> -> memref<1x2560x128xf32, #tpu.memory_space<vmem>>
            %dma_start3A_620 = tpu.memref_squeeze %dma_start3A_619 : memref<1x2560x128xf32, #tpu.memory_space<vmem>> -> memref<2560x128xf32, #tpu.memory_space<vmem>>
            %dma_start3A_621 = arith.constant 0 : i32
            %dma_start3A_622 = tpu.memref_slice %arg2[%mul3A_614, %dma_start3A_621] : memref<320000x128xf32, #tpu.memory_space<any>> -> memref<2560x128xf32, #tpu.memory_space<any>>
            tpu.enqueue_dma source(%dma_start3A_622 : memref<2560x128xf32, #tpu.memory_space<any>>) target(%dma_start3A_620 : memref<2560x128xf32, #tpu.memory_space<vmem>>) target_semaphore(%dma_start3A_616 : memref<!tpu.dma_semaphore, #tpu.memory_space<semaphore_mem>>)
            "tpu.trace_stop"() : () -> ()
          } else {
          }
          %and3A_272 = arith.constant true
          %and3A_273 = arith.andi %and3A_268, %and3A_272 : i1
          %add3A_274 = arith.constant 1 : i32
          %add3A_275 = arith.addi %while3A_190, %add3A_274 : i32
          %select_n3A_276 = arith.select %and3A_273, %add3A_275, %while3A_190 : i32
          %ne3A_277 = arith.cmpi ne, %add3A_213, %add3A_231 : i32
          %or3A_278 = arith.constant false
          %or3A_279 = arith.ori %or3A_278, %ne3A_277 : i1
          %or3A_280 = arith.constant false
          %or3A_281 = arith.ori %or3A_279, %or3A_280 : i1
          %sub3A_282 = arith.constant 2 : i32
          %sub3A_283 = arith.subi %mul3A_207, %sub3A_282 : i32
          %add3A_284 = arith.constant 1 : i32
          %add3A_285 = arith.addi %sub3A_283, %add3A_284 : i32
          %ge3A_286 = arith.cmpi sge, %while3A_187, %add3A_285 : i32
          %not3A_287 = arith.constant true
          %not3A_288 = arith.xori %ge3A_286, %not3A_287 : i1
          %and3A_289 = arith.andi %or3A_281, %not3A_288 : i1
          %ne3A_290 = arith.cmpi ne, %add3A_213, %add3A_223 : i32
          %or3A_291 = arith.constant false
          %or3A_292 = arith.ori %or3A_291, %ne3A_290 : i1
          %or3A_293 = arith.constant false
          %or3A_294 = arith.ori %or3A_292, %or3A_293 : i1
          %or3A_295 = arith.ori %or3A_294, %eq3A_209 : i1
          %convert_element_type3A_296 = arith.extui %or3A_295 : i1 to i32
          %cond3A_297 = arith.constant 0 : i32
          %cond3A_298 = arith.cmpi ne, %convert_element_type3A_296, %cond3A_297 : i32
          scf.if %cond3A_298 {
            "tpu.trace_start"() <{level = 10 : i32, message = "ep_wait_in"}> : () -> ()
            %mul3A_611 = arith.constant 2560 : i32
            %mul3A_612 = arith.muli %mul3A_611, %add3A_213 : i32
            %rem3A_613 = arith.constant 2 : i32
            %rem3A_614 = arith.remui %while3A_189, %rem3A_613 : i32
            %dma_wait3A = tpu.memref_slice %run_scoped3A_10[%rem3A_614] : memref<2x!tpu.dma_semaphore, #tpu.memory_space<semaphore_mem>> -> memref<1x!tpu.dma_semaphore, #tpu.memory_space<semaphore_mem>>
            %dma_wait3A_615 = tpu.memref_squeeze %dma_wait3A : memref<1x!tpu.dma_semaphore, #tpu.memory_space<semaphore_mem>> -> memref<!tpu.dma_semaphore, #tpu.memory_space<semaphore_mem>>
            %dma_wait3A_616 = arith.constant 0 : i32
            %dma_wait3A_617 = arith.constant 0 : i32
            %dma_wait3A_618 = tpu.memref_slice %run_scoped3A[%rem3A_614, %dma_wait3A_616, %dma_wait3A_617] : memref<2x2560x3xf32, #tpu.memory_space<vmem>> -> memref<1x2560x3xf32, #tpu.memory_space<vmem>>
            %dma_wait3A_619 = tpu.memref_squeeze %dma_wait3A_618 : memref<1x2560x3xf32, #tpu.memory_space<vmem>> -> memref<2560x3xf32, #tpu.memory_space<vmem>>
            %dma_wait3A_620 = arith.constant 0 : i32
            %dma_wait3A_621 = tpu.memref_slice %arg1[%mul3A_612, %dma_wait3A_620] : memref<320000x3xf32, #tpu.memory_space<any>> -> memref<2560x3xf32, #tpu.memory_space<any>>
            tpu.wait_dma2 semaphore(%dma_wait3A_615 : memref<!tpu.dma_semaphore, #tpu.memory_space<semaphore_mem>>) src(%dma_wait3A_621 : memref<2560x3xf32, #tpu.memory_space<any>>) dst(%dma_wait3A_619 : memref<2560x3xf32, #tpu.memory_space<vmem>>)
            "tpu.trace_stop"() : () -> ()
          } else {
          }
          %ne3A_299 = arith.cmpi ne, %add3A_213, %add3A_223 : i32
          %or3A_300 = arith.constant false
          %or3A_301 = arith.ori %or3A_300, %ne3A_299 : i1
          %or3A_302 = arith.constant false
          %or3A_303 = arith.ori %or3A_301, %or3A_302 : i1
          %or3A_304 = arith.ori %or3A_303, %eq3A_209 : i1
          %convert_element_type3A_305 = arith.extui %or3A_304 : i1 to i32
          %cond3A_306 = arith.constant 0 : i32
          %cond3A_307 = arith.cmpi ne, %convert_element_type3A_305, %cond3A_306 : i32
          scf.if %cond3A_307 {
            "tpu.trace_start"() <{level = 10 : i32, message = "ep_wait_in"}> : () -> ()
            %mul3A_611 = arith.constant 2560 : i32
            %mul3A_612 = arith.muli %mul3A_611, %add3A_213 : i32
            %rem3A_613 = arith.constant 2 : i32
            %rem3A_614 = arith.remui %while3A_191, %rem3A_613 : i32
            %dma_wait3A = tpu.memref_slice %run_scoped3A_12[%rem3A_614] : memref<2x!tpu.dma_semaphore, #tpu.memory_space<semaphore_mem>> -> memref<1x!tpu.dma_semaphore, #tpu.memory_space<semaphore_mem>>
            %dma_wait3A_615 = tpu.memref_squeeze %dma_wait3A : memref<1x!tpu.dma_semaphore, #tpu.memory_space<semaphore_mem>> -> memref<!tpu.dma_semaphore, #tpu.memory_space<semaphore_mem>>
            %dma_wait3A_616 = arith.constant 0 : i32
            %dma_wait3A_617 = arith.constant 0 : i32
            %dma_wait3A_618 = tpu.memref_slice %run_scoped3A_11[%rem3A_614, %dma_wait3A_616, %dma_wait3A_617] : memref<2x2560x128xf32, #tpu.memory_space<vmem>> -> memref<1x2560x128xf32, #tpu.memory_space<vmem>>
            %dma_wait3A_619 = tpu.memref_squeeze %dma_wait3A_618 : memref<1x2560x128xf32, #tpu.memory_space<vmem>> -> memref<2560x128xf32, #tpu.memory_space<vmem>>
            %dma_wait3A_620 = arith.constant 0 : i32
            %dma_wait3A_621 = tpu.memref_slice %arg2[%mul3A_612, %dma_wait3A_620] : memref<320000x128xf32, #tpu.memory_space<any>> -> memref<2560x128xf32, #tpu.memory_space<any>>
            tpu.wait_dma2 semaphore(%dma_wait3A_615 : memref<!tpu.dma_semaphore, #tpu.memory_space<semaphore_mem>>) src(%dma_wait3A_621 : memref<2560x128xf32, #tpu.memory_space<any>>) dst(%dma_wait3A_619 : memref<2560x128xf32, #tpu.memory_space<vmem>>)
            "tpu.trace_stop"() : () -> ()
          } else {
          }
          %ne3A_308 = arith.cmpi ne, %add3A_213, %add3A_223 : i32
          %or3A_309 = arith.constant false
          %or3A_310 = arith.ori %or3A_309, %ne3A_308 : i1
          %or3A_311 = arith.constant false
          %or3A_312 = arith.ori %or3A_310, %or3A_311 : i1
          %or3A_313 = arith.ori %or3A_312, %eq3A_209 : i1
          %convert_element_type3A_314 = arith.extui %or3A_313 : i1 to i32
          %cond3A_315 = arith.constant 0 : i32
          %cond3A_316 = arith.cmpi ne, %convert_element_type3A_314, %cond3A_315 : i32
          scf.if %cond3A_316 {
          } else {
          }
          %rem3A_317 = arith.constant 2 : i32
          %rem3A_318 = arith.remui %while3A_189, %rem3A_317 : i32
          %rem3A_319 = arith.constant 2 : i32
          %rem3A_320 = arith.remui %while3A_191, %rem3A_319 : i32
          %rem3A_321 = arith.constant 2 : i32
          %rem3A_322 = arith.remui %while3A_203, %rem3A_321 : i32
          "tpu.trace_start"() <{level = 10 : i32, message = "ep_run_kernel"}> : () -> ()
          %get3A = arith.index_cast %rem3A_318 : i32 to index
          %get3A_323 = arith.constant 0 : index
          %get3A_324 = arith.constant 0 : index
          %get3A_325 = vector.load %run_scoped3A[%get3A, %get3A_323, %get3A_324] : memref<2x2560x3xf32, #tpu.memory_space<vmem>>, vector<1x2560x3xf32>
          %get3A_326 = vector.shape_cast %get3A_325 : vector<1x2560x3xf32> to vector<2560x3xf32>
          %get3A_327 = arith.constant 0 : i32
          %get3A_328 = arith.constant 0 : i32
          %get3A_329 = tpu.memref_slice %run_scoped3A_11[%rem3A_320, %get3A_327, %get3A_328] : memref<2x2560x128xf32, #tpu.memory_space<vmem>> -> memref<1x2560x128xf32, #tpu.memory_space<vmem>>
          %get3A_330 = tpu.memref_squeeze %get3A_329 : memref<1x2560x128xf32, #tpu.memory_space<vmem>> -> memref<2560x128xf32, #tpu.memory_space<vmem>>
          %get3A_331 = arith.constant 0 : index
          %get3A_332 = arith.constant 0 : index
          %get3A_333 = vector.load %get3A_330[%get3A_331, %get3A_332] : memref<2560x128xf32, #tpu.memory_space<vmem>>, vector<2560x32xf32>
          %mul3A_334 = arith.mulf %get3A_326, %get3A_326 : vector<2560x3xf32>
          %reduce_sum3A = arith.constant dense<0.000000e+00> : vector<2560xf32>
          %reduce_sum3A_335 = vector.multi_reduction <add>, %mul3A_334, %reduce_sum3A [1] : vector<2560x3xf32> to vector<2560xf32>
          %broadcast_in_dim3A = vector.shape_cast %reduce_sum3A_335 : vector<2560xf32> to vector<2560x1xf32>
          %max3A = arith.constant 1.000000e-24 : f32
          %max3A_336 = vector.broadcast %max3A : f32 to vector<2560x1xf32>
          %max3A_337 = arith.maximumf %broadcast_in_dim3A, %max3A_336 : vector<2560x1xf32>
          %rsqrt3A = math.rsqrt %max3A_337 : vector<2560x1xf32>
          %mul3A_338 = arith.mulf %broadcast_in_dim3A, %rsqrt3A : vector<2560x1xf32>
          %convert_element_type3A_339 = arith.truncf %mul3A_338 : vector<2560x1xf32> to vector<2560x1xbf16>
          %convert_element_type3A_340 = arith.extf %convert_element_type3A_339 : vector<2560x1xbf16> to vector<2560x1xf32>
          %sub3A_341 = arith.subf %mul3A_338, %convert_element_type3A_340 : vector<2560x1xf32>
          %concatenate3A = tpu.concatenate %convert_element_type3A_340, %sub3A_341 in 1 : vector<2560x1xf32>, vector<2560x1xf32> -> vector<2560x2xf32>
          %get3A_342 = arith.constant 0 : index
          %get3A_343 = arith.constant 0 : index
          %get3A_344 = vector.load %run_scoped3A_14[%get3A_342, %get3A_343] : memref<2x10xf32, #tpu.memory_space<vmem>>, vector<2x10xf32>
          %dot_general3A = arith.constant dense<0.000000e+00> : vector<2560x10xf32>
          %dot_general3A_345 = tpu.matmul %concatenate3A, %get3A_344, %dot_general3A {dimension_numbers = #tpu.dot_dimension_numbers<[1], [0], [0], [1], [0, 0, 1, 1], [], []>, transpose_lhs_hint = false} : vector<2560x2xf32>, vector<2x10xf32>, vector<2560x10xf32> -> vector<2560x10xf32>
          %mul3A_346 = arith.constant 3.14285707 : f32
          %mul3A_347 = vector.broadcast %mul3A_346 : f32 to vector<2560x10xf32>
          %mul3A_348 = arith.mulf %dot_general3A_345, %mul3A_347 : vector<2560x10xf32>
          %get3A_349 = arith.constant 0 : index
          %get3A_350 = arith.constant 0 : index
          %get3A_351 = vector.load %run_scoped3A_13[%get3A_349, %get3A_350] : memref<1x10xf32, #tpu.memory_space<vmem>>, vector<1x10xf32>
          %sub3A_352 = vector.broadcast %get3A_351 : vector<1x10xf32> to vector<2560x10xf32>
          %sub3A_353 = arith.subf %mul3A_348, %sub3A_352 : vector<2560x10xf32>
          %mul3A_354 = arith.mulf %sub3A_353, %sub3A_353 : vector<2560x10xf32>
          %lt3A_355 = arith.constant 1.000000e+00 : f32
          %lt3A_356 = vector.broadcast %lt3A_355 : f32 to vector<2560x10xf32>
          %lt3A_357 = arith.cmpf olt, %mul3A_354, %lt3A_356 : vector<2560x10xf32>
          %sub3A_358 = arith.constant 1.000000e+00 : f32
          %sub3A_359 = vector.broadcast %sub3A_358 : f32 to vector<2560x10xf32>
          %sub3A_360 = arith.subf %sub3A_359, %mul3A_354 : vector<2560x10xf32>
          %jit3A_361 = arith.constant 1.000000e+00 : f32
          %broadcast_in_dim3A_362 = vector.broadcast %jit3A_361 : f32 to vector<2560x10xf32>
          %select_n3A_363 = arith.select %lt3A_357, %sub3A_360, %broadcast_in_dim3A_362 : vector<2560x10xi1>, vector<2560x10xf32>
          %div3A = arith.constant -2.000000e+00 : f32
          %div3A_364 = vector.broadcast %div3A : f32 to vector<2560x10xf32>
          %div3A_365 = arith.divf %div3A_364, %select_n3A_363 : vector<2560x10xf32>
          %exp3A = math.exp %div3A_365 : vector<2560x10xf32>
          %mul3A_366 = arith.constant 2.666930e+01 : f32
          %mul3A_367 = vector.broadcast %mul3A_366 : f32 to vector<2560x10xf32>
          %mul3A_368 = arith.mulf %mul3A_367, %exp3A : vector<2560x10xf32>
          %jit3A_369 = arith.constant 0.000000e+00 : f32
          %broadcast_in_dim3A_370 = vector.broadcast %jit3A_369 : f32 to vector<2560x10xf32>
          %select_n3A_371 = arith.select %lt3A_357, %mul3A_368, %broadcast_in_dim3A_370 : vector<2560x10xi1>, vector<2560x10xf32>
          %get3A_372 = arith.constant 0 : index
          %get3A_373 = arith.constant 0 : index
          %get3A_374 = vector.load %run_scoped3A_15[%get3A_372, %get3A_373] : memref<10x64xf32, #tpu.memory_space<vmem>>, vector<10x64xf32>
          %dot_general3A_375 = arith.constant dense<0.000000e+00> : vector<2560x64xf32>
          %dot_general3A_376 = tpu.matmul %select_n3A_371, %get3A_374, %dot_general3A_375 {dimension_numbers = #tpu.dot_dimension_numbers<[1], [0], [0], [1], [0, 0, 1, 1], [], []>, transpose_lhs_hint = false} : vector<2560x10xf32>, vector<10x64xf32>, vector<2560x64xf32> -> vector<2560x64xf32>
          %max3A_377 = arith.constant 0.000000e+00 : f32
          %max3A_378 = vector.broadcast %max3A_377 : f32 to vector<2560x64xf32>
          %max3A_379 = arith.maximumf %dot_general3A_376, %max3A_378 : vector<2560x64xf32>
          %get3A_380 = arith.constant 0 : index
          %get3A_381 = arith.constant 0 : index
          %get3A_382 = vector.load %run_scoped3A_16[%get3A_380, %get3A_381] : memref<64x256xf32, #tpu.memory_space<vmem>>, vector<64x256xf32>
          %dot_general3A_383 = arith.constant dense<0.000000e+00> : vector<2560x256xf32>
          %dot_general3A_384 = tpu.matmul %max3A_379, %get3A_382, %dot_general3A_383 {dimension_numbers = #tpu.dot_dimension_numbers<[1], [0], [0], [1], [0, 0, 1, 1], [], []>, transpose_lhs_hint = false} : vector<2560x64xf32>, vector<64x256xf32>, vector<2560x256xf32> -> vector<2560x256xf32>
          %slice3A = vector.extract_strided_slice %dot_general3A_384 {offsets = [0, 0], sizes = [2560, 64], strides = [1, 1]} : vector<2560x256xf32> to vector<2560x64xf32>
          %slice3A_385 = vector.extract_strided_slice %dot_general3A_384 {offsets = [0, 64], sizes = [2560, 64], strides = [1, 1]} : vector<2560x256xf32> to vector<2560x64xf32>
          %slice3A_386 = vector.extract_strided_slice %dot_general3A_384 {offsets = [0, 128], sizes = [2560, 64], strides = [1, 1]} : vector<2560x256xf32> to vector<2560x64xf32>
          %slice3A_387 = vector.extract_strided_slice %dot_general3A_384 {offsets = [0, 192], sizes = [2560, 64], strides = [1, 1]} : vector<2560x256xf32> to vector<2560x64xf32>
          %slice3A_388 = vector.extract_strided_slice %get3A_333 {offsets = [0, 0], sizes = [2560, 8], strides = [1, 1]} : vector<2560x32xf32> to vector<2560x8xf32>
          %slice3A_389 = vector.extract_strided_slice %get3A_333 {offsets = [0, 8], sizes = [2560, 24], strides = [1, 1]} : vector<2560x32xf32> to vector<2560x24xf32>
          %mul3A_390 = vector.broadcast %rsqrt3A : vector<2560x1xf32> to vector<2560x3xf32>
          %mul3A_391 = arith.mulf %get3A_326, %mul3A_390 : vector<2560x3xf32>
          %get3A_392 = arith.constant 0 : index
          %get3A_393 = arith.constant 0 : index
          %get3A_394 = vector.load %run_scoped3A_19[%get3A_392, %get3A_393] : memref<3x24xf32, #tpu.memory_space<vmem>>, vector<3x24xf32>
          %dot_general3A_395 = arith.constant dense<0.000000e+00> : vector<2560x24xf32>
          %dot_general3A_396 = tpu.matmul %mul3A_391, %get3A_394, %dot_general3A_395 {dimension_numbers = #tpu.dot_dimension_numbers<[1], [0], [0], [1], [0, 0, 1, 1], [], []>, transpose_lhs_hint = false} : vector<2560x3xf32>, vector<3x24xf32>, vector<2560x24xf32> -> vector<2560x24xf32>
          %mul3A_397 = arith.constant 1.73205078 : f32
          %mul3A_398 = vector.broadcast %mul3A_397 : f32 to vector<2560x24xf32>
          %mul3A_399 = arith.mulf %mul3A_398, %dot_general3A_396 : vector<2560x24xf32>
          %mul3A_400 = arith.constant 0.577350259 : f32
          %mul3A_401 = vector.broadcast %mul3A_400 : f32 to vector<2560x24xf32>
          %mul3A_402 = arith.mulf %mul3A_401, %mul3A_399 : vector<2560x24xf32>
          %mul3A_403 = arith.mulf %slice3A_389, %mul3A_402 : vector<2560x24xf32>
          %get3A_404 = arith.constant 0 : index
          %get3A_405 = arith.constant 0 : index
          %get3A_406 = vector.load %run_scoped3A_20[%get3A_404, %get3A_405] : memref<24x8xf32, #tpu.memory_space<vmem>>, vector<24x8xf32>
          %dot_general3A_407 = arith.constant dense<0.000000e+00> : vector<2560x8xf32>
          %dot_general3A_408 = tpu.matmul %mul3A_403, %get3A_406, %dot_general3A_407 {dimension_numbers = #tpu.dot_dimension_numbers<[1], [0], [0], [1], [0, 0, 1, 1], [], []>, transpose_lhs_hint = false} : vector<2560x24xf32>, vector<24x8xf32>, vector<2560x8xf32> -> vector<2560x8xf32>
          %concatenate3A_409 = tpu.concatenate %slice3A_388, %dot_general3A_408 in 1 : vector<2560x8xf32>, vector<2560x8xf32> -> vector<2560x16xf32>
          %get3A_410 = arith.constant 0 : index
          %get3A_411 = arith.constant 0 : index
          %get3A_412 = vector.load %run_scoped3A_17[%get3A_410, %get3A_411] : memref<16x128xf32, #tpu.memory_space<vmem>>, vector<16x128xf32>
          %dot_general3A_413 = arith.constant dense<0.000000e+00> : vector<2560x128xf32>
          %dot_general3A_414 = tpu.matmul %concatenate3A_409, %get3A_412, %dot_general3A_413 {dimension_numbers = #tpu.dot_dimension_numbers<[1], [0], [0], [1], [0, 0, 1, 1], [], []>, transpose_lhs_hint = false} : vector<2560x16xf32>, vector<16x128xf32>, vector<2560x128xf32> -> vector<2560x128xf32>
          %concatenate3A_415 = tpu.concatenate %slice3A, %slice3A_387 in 1 : vector<2560x64xf32>, vector<2560x64xf32> -> vector<2560x128xf32>
          %mul3A_416 = arith.mulf %dot_general3A_414, %concatenate3A_415 : vector<2560x128xf32>
          %get3A_417 = arith.constant 0 : index
          %get3A_418 = arith.constant 0 : index
          %get3A_419 = vector.load %run_scoped3A_18[%get3A_417, %get3A_418] : memref<128x8xf32, #tpu.memory_space<vmem>>, vector<128x8xf32>
          %dot_general3A_420 = arith.constant dense<0.000000e+00> : vector<2560x8xf32>
          %dot_general3A_421 = tpu.matmul %mul3A_416, %get3A_419, %dot_general3A_420 {dimension_numbers = #tpu.dot_dimension_numbers<[1], [0], [0], [1], [0, 0, 1, 1], [], []>, transpose_lhs_hint = false} : vector<2560x128xf32>, vector<128x8xf32>, vector<2560x8xf32> -> vector<2560x8xf32>
          %slice3A_422 = vector.extract_strided_slice %dot_general3A_414 {offsets = [0, 0], sizes = [2560, 64], strides = [1, 1]} : vector<2560x128xf32> to vector<2560x64xf32>
          %mul3A_423 = arith.mulf %slice3A_422, %slice3A_385 : vector<2560x64xf32>
          %get3A_424 = arith.constant 0 : index
          %get3A_425 = arith.constant 0 : index
          %get3A_426 = vector.load %run_scoped3A_23[%get3A_424, %get3A_425] : memref<64x24xf32, #tpu.memory_space<vmem>>, vector<64x24xf32>
          %dot_general3A_427 = arith.constant dense<0.000000e+00> : vector<2560x24xf32>
          %dot_general3A_428 = tpu.matmul %mul3A_423, %get3A_426, %dot_general3A_427 {dimension_numbers = #tpu.dot_dimension_numbers<[1], [0], [0], [1], [0, 0, 1, 1], [], []>, transpose_lhs_hint = false} : vector<2560x64xf32>, vector<64x24xf32>, vector<2560x24xf32> -> vector<2560x24xf32>
          %get3A_429 = arith.constant 0 : index
          %get3A_430 = arith.constant 0 : index
          %get3A_431 = vector.load %run_scoped3A_21[%get3A_429, %get3A_430] : memref<24x192xf32, #tpu.memory_space<vmem>>, vector<24x192xf32>
          %dot_general3A_432 = arith.constant dense<0.000000e+00> : vector<2560x192xf32>
          %dot_general3A_433 = tpu.matmul %slice3A_389, %get3A_431, %dot_general3A_432 {dimension_numbers = #tpu.dot_dimension_numbers<[1], [0], [0], [1], [0, 0, 1, 1], [], []>, transpose_lhs_hint = false} : vector<2560x24xf32>, vector<24x192xf32>, vector<2560x192xf32> -> vector<2560x192xf32>
          %concatenate3A_434 = tpu.concatenate %slice3A_386, %slice3A_386, %slice3A_386 in 1 : vector<2560x64xf32>, vector<2560x64xf32>, vector<2560x64xf32> -> vector<2560x192xf32>
          %mul3A_435 = arith.mulf %dot_general3A_433, %concatenate3A_434 : vector<2560x192xf32>
          %get3A_436 = arith.constant 0 : index
          %get3A_437 = arith.constant 0 : index
          %get3A_438 = vector.load %run_scoped3A_22[%get3A_436, %get3A_437] : memref<192x24xf32, #tpu.memory_space<vmem>>, vector<192x24xf32>
          %dot_general3A_439 = arith.constant dense<0.000000e+00> : vector<2560x24xf32>
          %dot_general3A_440 = tpu.matmul %mul3A_435, %get3A_438, %dot_general3A_439 {dimension_numbers = #tpu.dot_dimension_numbers<[1], [0], [0], [1], [0, 0, 1, 1], [], []>, transpose_lhs_hint = false} : vector<2560x192xf32>, vector<192x24xf32>, vector<2560x24xf32> -> vector<2560x24xf32>
          %mul3A_441 = arith.mulf %dot_general3A_428, %mul3A_399 : vector<2560x24xf32>
          %add3A_442 = arith.addf %mul3A_441, %dot_general3A_440 : vector<2560x24xf32>
          %concatenate3A_443 = tpu.concatenate %dot_general3A_421, %add3A_442 in 1 : vector<2560x8xf32>, vector<2560x24xf32> -> vector<2560x32xf32>
          %mul3A_444 = arith.constant 0.0441941731 : f32
          %mul3A_445 = vector.broadcast %mul3A_444 : f32 to vector<2560x32xf32>
          %mul3A_446 = arith.mulf %mul3A_445, %concatenate3A_443 : vector<2560x32xf32>
          %swap3A = arith.constant 0 : i32
          %swap3A_447 = arith.constant 0 : i32
          %swap3A_448 = tpu.memref_slice %run_scoped3A_24[%rem3A_322, %swap3A, %swap3A_447] : memref<2x2560x128xf32, #tpu.memory_space<vmem>> -> memref<1x2560x128xf32, #tpu.memory_space<vmem>>
          %swap3A_449 = tpu.memref_squeeze %swap3A_448 : memref<1x2560x128xf32, #tpu.memory_space<vmem>> -> memref<2560x128xf32, #tpu.memory_space<vmem>>
          %swap3A_450 = arith.constant 0 : index
          %swap3A_451 = arith.constant 0 : index
          %swap3A_452 = vector.load %swap3A_449[%swap3A_450, %swap3A_451] : memref<2560x128xf32, #tpu.memory_space<vmem>>, vector<2560x32xf32>
          tpu.vector_store %swap3A_449[%swap3A_450, %swap3A_451], %mul3A_446 {strides = array<i32>} : memref<2560x128xf32, #tpu.memory_space<vmem>>, vector<2560x32xf32>,
          "tpu.trace_stop"() : () -> ()
          %ne3A_453 = arith.cmpi ne, %add3A_213, %add3A_231 : i32
          %or3A_454 = arith.constant false
          %or3A_455 = arith.ori %or3A_454, %ne3A_453 : i1
          %or3A_456 = arith.constant false
          %or3A_457 = arith.ori %or3A_455, %or3A_456 : i1
          %or3A_458 = arith.ori %or3A_457, %eq3A_212 : i1
          %convert_element_type3A_459 = arith.extui %or3A_458 : i1 to i32
          %cond3A_460 = arith.constant 0 : i32
          %cond3A_461 = arith.cmpi ne, %convert_element_type3A_459, %cond3A_460 : i32
          scf.if %cond3A_461 {
          } else {
          }
          %and3A_462 = arith.constant false
          %and3A_463 = arith.andi %or3A_458, %and3A_462 : i1
          %ne3A_464 = arith.cmpi ne, %add3A_213, %add3A_231 : i32
          %or3A_465 = arith.constant false
          %or3A_466 = arith.ori %or3A_465, %ne3A_464 : i1
          %or3A_467 = arith.constant false
          %or3A_468 = arith.ori %or3A_466, %or3A_467 : i1
          %or3A_469 = arith.ori %or3A_468, %eq3A_212 : i1
          %convert_element_type3A_470 = arith.extui %or3A_469 : i1 to i32
          %cond3A_471 = arith.constant 0 : i32
          %cond3A_472 = arith.cmpi ne, %convert_element_type3A_470, %cond3A_471 : i32
          scf.if %cond3A_472 {
          } else {
          }
          %and3A_473 = arith.constant false
          %and3A_474 = arith.andi %or3A_469, %and3A_473 : i1
          %ne3A_475 = arith.cmpi ne, %add3A_213, %add3A_231 : i32
          %or3A_476 = arith.constant false
          %or3A_477 = arith.ori %or3A_476, %ne3A_475 : i1
          %or3A_478 = arith.constant false
          %or3A_479 = arith.ori %or3A_477, %or3A_478 : i1
          %or3A_480 = arith.ori %or3A_479, %eq3A_212 : i1
          %convert_element_type3A_481 = arith.extui %or3A_480 : i1 to i32
          %cond3A_482 = arith.constant 0 : i32
          %cond3A_483 = arith.cmpi ne, %convert_element_type3A_481, %cond3A_482 : i32
          scf.if %cond3A_483 {
            "tpu.trace_start"() <{level = 10 : i32, message = "ep_copy_out"}> : () -> ()
            %rem3A_611 = arith.constant 2 : i32
            %rem3A_612 = arith.remui %while3A_203, %rem3A_611 : i32
            %mul3A_613 = arith.constant 2560 : i32
            %mul3A_614 = arith.muli %mul3A_613, %add3A_213 : i32
            %dma_start3A_615 = tpu.memref_slice %run_scoped3A_25[%rem3A_612] : memref<2x!tpu.dma_semaphore, #tpu.memory_space<semaphore_mem>> -> memref<1x!tpu.dma_semaphore, #tpu.memory_space<semaphore_mem>>
            %dma_start3A_616 = tpu.memref_squeeze %dma_start3A_615 : memref<1x!tpu.dma_semaphore, #tpu.memory_space<semaphore_mem>> -> memref<!tpu.dma_semaphore, #tpu.memory_space<semaphore_mem>>
            %dma_start3A_617 = arith.constant 0 : i32
            %dma_start3A_618 = tpu.memref_slice %arg14[%mul3A_614, %dma_start3A_617] : memref<320000x128xf32, #tpu.memory_space<any>> -> memref<2560x128xf32, #tpu.memory_space<any>>
            %dma_start3A_619 = arith.constant 0 : i32
            %dma_start3A_620 = arith.constant 0 : i32
            %dma_start3A_621 = tpu.memref_slice %run_scoped3A_24[%rem3A_612, %dma_start3A_619, %dma_start3A_620] : memref<2x2560x128xf32, #tpu.memory_space<vmem>> -> memref<1x2560x128xf32, #tpu.memory_space<vmem>>
            %dma_start3A_622 = tpu.memref_squeeze %dma_start3A_621 : memref<1x2560x128xf32, #tpu.memory_space<vmem>> -> memref<2560x128xf32, #tpu.memory_space<vmem>>
            tpu.enqueue_dma source(%dma_start3A_622 : memref<2560x128xf32, #tpu.memory_space<vmem>>) target(%dma_start3A_618 : memref<2560x128xf32, #tpu.memory_space<any>>) target_semaphore(%dma_start3A_616 : memref<!tpu.dma_semaphore, #tpu.memory_space<semaphore_mem>>)
            "tpu.trace_stop"() : () -> ()
          } else {
          }
          %and3A_484 = arith.constant true
          %and3A_485 = arith.andi %or3A_480, %and3A_484 : i1
          %add3A_486 = arith.constant 1 : i32
          %add3A_487 = arith.addi %while3A_203, %add3A_486 : i32
          %select_n3A_488 = arith.select %and3A_485, %add3A_487, %while3A_203 : i32
          %ne3A_489 = arith.cmpi ne, %add3A_213, %add3A_223 : i32
          %or3A_490 = arith.constant false
          %or3A_491 = arith.ori %or3A_490, %ne3A_489 : i1
          %or3A_492 = arith.constant false
          %or3A_493 = arith.ori %or3A_491, %or3A_492 : i1
          %not3A_494 = arith.constant true
          %not3A_495 = arith.xori %eq3A_209, %not3A_494 : i1
          %and3A_496 = arith.andi %or3A_493, %not3A_495 : i1
          %convert_element_type3A_497 = arith.extui %and3A_496 : i1 to i32
          %cond3A_498 = arith.constant 0 : i32
          %cond3A_499 = arith.cmpi ne, %convert_element_type3A_497, %cond3A_498 : i32
          scf.if %cond3A_499 {
          } else {
          }
          %and3A_500 = arith.constant false
          %and3A_501 = arith.andi %and3A_496, %and3A_500 : i1
          %ne3A_502 = arith.cmpi ne, %add3A_213, %add3A_223 : i32
          %or3A_503 = arith.constant false
          %or3A_504 = arith.ori %or3A_503, %ne3A_502 : i1
          %or3A_505 = arith.constant false
          %or3A_506 = arith.ori %or3A_504, %or3A_505 : i1
          %not3A_507 = arith.constant true
          %not3A_508 = arith.xori %eq3A_209, %not3A_507 : i1
          %and3A_509 = arith.andi %or3A_506, %not3A_508 : i1
          %convert_element_type3A_510 = arith.extui %and3A_509 : i1 to i32
          %cond3A_511 = arith.constant 0 : i32
          %cond3A_512 = arith.cmpi ne, %convert_element_type3A_510, %cond3A_511 : i32
          scf.if %cond3A_512 {
          } else {
          }
          %and3A_513 = arith.constant false
          %and3A_514 = arith.andi %and3A_509, %and3A_513 : i1
          %ne3A_515 = arith.cmpi ne, %add3A_213, %add3A_223 : i32
          %or3A_516 = arith.constant false
          %or3A_517 = arith.ori %or3A_516, %ne3A_515 : i1
          %or3A_518 = arith.constant false
          %or3A_519 = arith.ori %or3A_517, %or3A_518 : i1
          %not3A_520 = arith.constant true
          %not3A_521 = arith.xori %eq3A_209, %not3A_520 : i1
          %and3A_522 = arith.andi %or3A_519, %not3A_521 : i1
          %convert_element_type3A_523 = arith.extui %and3A_522 : i1 to i32
          %cond3A_524 = arith.constant 0 : i32
          %cond3A_525 = arith.cmpi ne, %convert_element_type3A_523, %cond3A_524 : i32
          scf.if %cond3A_525 {
            "tpu.trace_start"() <{level = 10 : i32, message = "ep_wait_out"}> : () -> ()
            %rem3A_611 = arith.constant 2 : i32
            %rem3A_612 = arith.remui %while3A_204, %rem3A_611 : i32
            %mul3A_613 = arith.constant 2560 : i32
            %mul3A_614 = arith.muli %mul3A_613, %add3A_223 : i32
            %dma_wait3A = tpu.memref_slice %run_scoped3A_25[%rem3A_612] : memref<2x!tpu.dma_semaphore, #tpu.memory_space<semaphore_mem>> -> memref<1x!tpu.dma_semaphore, #tpu.memory_space<semaphore_mem>>
            %dma_wait3A_615 = tpu.memref_squeeze %dma_wait3A : memref<1x!tpu.dma_semaphore, #tpu.memory_space<semaphore_mem>> -> memref<!tpu.dma_semaphore, #tpu.memory_space<semaphore_mem>>
            %dma_wait3A_616 = arith.constant 0 : i32
            %dma_wait3A_617 = tpu.memref_slice %arg14[%mul3A_614, %dma_wait3A_616] : memref<320000x128xf32, #tpu.memory_space<any>> -> memref<2560x128xf32, #tpu.memory_space<any>>
            %dma_wait3A_618 = arith.constant 0 : i32
            %dma_wait3A_619 = arith.constant 0 : i32
            %dma_wait3A_620 = tpu.memref_slice %run_scoped3A_24[%rem3A_612, %dma_wait3A_618, %dma_wait3A_619] : memref<2x2560x128xf32, #tpu.memory_space<vmem>> -> memref<1x2560x128xf32, #tpu.memory_space<vmem>>
            %dma_wait3A_621 = tpu.memref_squeeze %dma_wait3A_620 : memref<1x2560x128xf32, #tpu.memory_space<vmem>> -> memref<2560x128xf32, #tpu.memory_space<vmem>>
            tpu.wait_dma2 semaphore(%dma_wait3A_615 : memref<!tpu.dma_semaphore, #tpu.memory_space<semaphore_mem>>) src(%dma_wait3A_621 : memref<2560x128xf32, #tpu.memory_space<vmem>>) dst(%dma_wait3A_617 : memref<2560x128xf32, #tpu.memory_space<any>>)
            "tpu.trace_stop"() : () -> ()
          } else {
          }
          %and3A_526 = arith.constant true
          %and3A_527 = arith.andi %and3A_522, %and3A_526 : i1
          %add3A_528 = arith.constant 1 : i32
          %add3A_529 = arith.addi %while3A_204, %add3A_528 : i32
          %select_n3A_530 = arith.select %and3A_527, %add3A_529, %while3A_204 : i32
          %ne3A_531 = arith.cmpi ne, %add3A_213, %add3A_231 : i32
          %or3A_532 = arith.constant false
          %or3A_533 = arith.ori %or3A_532, %ne3A_531 : i1
          %or3A_534 = arith.constant false
          %or3A_535 = arith.ori %or3A_533, %or3A_534 : i1
          %or3A_536 = arith.ori %or3A_535, %eq3A_212 : i1
          %add3A_537 = arith.constant 1 : i32
          %add3A_538 = arith.addi %while3A_189, %add3A_537 : i32
          %select_n3A_539 = arith.select %or3A_536, %add3A_538, %while3A_189 : i32
          %ne3A_540 = arith.cmpi ne, %add3A_213, %add3A_231 : i32
          %or3A_541 = arith.constant false
          %or3A_542 = arith.ori %or3A_541, %ne3A_540 : i1
          %or3A_543 = arith.constant false
          %or3A_544 = arith.ori %or3A_542, %or3A_543 : i1
          %or3A_545 = arith.ori %or3A_544, %eq3A_212 : i1
          %add3A_546 = arith.constant 1 : i32
          %add3A_547 = arith.addi %while3A_191, %add3A_546 : i32
          %select_n3A_548 = arith.select %or3A_545, %add3A_547, %while3A_191 : i32
          %or3A_549 = arith.constant false
          %or3A_550 = arith.ori %or3A_549, %eq3A_212 : i1
          %add3A_551 = arith.constant 1 : i32
          %add3A_552 = arith.addi %while3A_192, %add3A_551 : i32
          %select_n3A_553 = arith.select %or3A_550, %add3A_552, %while3A_192 : i32
          %or3A_554 = arith.constant false
          %or3A_555 = arith.ori %or3A_554, %eq3A_212 : i1
          %add3A_556 = arith.constant 1 : i32
          %add3A_557 = arith.addi %while3A_193, %add3A_556 : i32
          %select_n3A_558 = arith.select %or3A_555, %add3A_557, %while3A_193 : i32
          %or3A_559 = arith.constant false
          %or3A_560 = arith.ori %or3A_559, %eq3A_212 : i1
          %add3A_561 = arith.constant 1 : i32
          %add3A_562 = arith.addi %while3A_194, %add3A_561 : i32
          %select_n3A_563 = arith.select %or3A_560, %add3A_562, %while3A_194 : i32
          %or3A_564 = arith.constant false
          %or3A_565 = arith.ori %or3A_564, %eq3A_212 : i1
          %add3A_566 = arith.constant 1 : i32
          %add3A_567 = arith.addi %while3A_195, %add3A_566 : i32
          %select_n3A_568 = arith.select %or3A_565, %add3A_567, %while3A_195 : i32
          %or3A_569 = arith.constant false
          %or3A_570 = arith.ori %or3A_569, %eq3A_212 : i1
          %add3A_571 = arith.constant 1 : i32
          %add3A_572 = arith.addi %while3A_196, %add3A_571 : i32
          %select_n3A_573 = arith.select %or3A_570, %add3A_572, %while3A_196 : i32
          %or3A_574 = arith.constant false
          %or3A_575 = arith.ori %or3A_574, %eq3A_212 : i1
          %add3A_576 = arith.constant 1 : i32
          %add3A_577 = arith.addi %while3A_197, %add3A_576 : i32
          %select_n3A_578 = arith.select %or3A_575, %add3A_577, %while3A_197 : i32
          %or3A_579 = arith.constant false
          %or3A_580 = arith.ori %or3A_579, %eq3A_212 : i1
          %add3A_581 = arith.constant 1 : i32
          %add3A_582 = arith.addi %while3A_198, %add3A_581 : i32
          %select_n3A_583 = arith.select %or3A_580, %add3A_582, %while3A_198 : i32
          %or3A_584 = arith.constant false
          %or3A_585 = arith.ori %or3A_584, %eq3A_212 : i1
          %add3A_586 = arith.constant 1 : i32
          %add3A_587 = arith.addi %while3A_199, %add3A_586 : i32
          %select_n3A_588 = arith.select %or3A_585, %add3A_587, %while3A_199 : i32
          %or3A_589 = arith.constant false
          %or3A_590 = arith.ori %or3A_589, %eq3A_212 : i1
          %add3A_591 = arith.constant 1 : i32
          %add3A_592 = arith.addi %while3A_200, %add3A_591 : i32
          %select_n3A_593 = arith.select %or3A_590, %add3A_592, %while3A_200 : i32
          %or3A_594 = arith.constant false
          %or3A_595 = arith.ori %or3A_594, %eq3A_212 : i1
          %add3A_596 = arith.constant 1 : i32
          %add3A_597 = arith.addi %while3A_201, %add3A_596 : i32
          %select_n3A_598 = arith.select %or3A_595, %add3A_597, %while3A_201 : i32
          %or3A_599 = arith.constant false
          %or3A_600 = arith.ori %or3A_599, %eq3A_212 : i1
          %add3A_601 = arith.constant 1 : i32
          %add3A_602 = arith.addi %while3A_202, %add3A_601 : i32
          %select_n3A_603 = arith.select %or3A_600, %add3A_602, %while3A_202 : i32
          %add3A_604 = arith.constant 1 : i32
          %add3A_605 = arith.addi %while3A_205, %add3A_604 : i32
          %select_n3A_606 = arith.constant true
          %select_n3A_607 = arith.select %select_n3A_606, %add3A_605, %while3A_205 : i32
          %eq3A_608 = arith.cmpi eq, %select_n3A_607, %select_n3A : i32
          %select_n3A_609 = arith.constant 0 : i32
          %select_n3A_610 = arith.select %eq3A_608, %select_n3A_609, %select_n3A_607 : i32
          scf.yield %select_n3A_255, %select_n3A_539, %select_n3A_276, %select_n3A_548, %select_n3A_553, %select_n3A_558, %select_n3A_563, %select_n3A_568, %select_n3A_573, %select_n3A_578, %select_n3A_583, %select_n3A_588, %select_n3A_593, %select_n3A_598, %select_n3A_603, %select_n3A_488, %select_n3A_530, %select_n3A_610 : i32, i32, i32, i32, i32, i32, i32, i32, i32, i32, i32, i32, i32, i32, i32, i32, i32, i32
        }
        %while3A_131 = arith.constant 1 : i32
        %while3A_132:18 = scf.for %while3A_187 = %while3A_128 to %while3A_124 step %while3A_131 iter_args(%while3A_188 = %while3A_130#0, %while3A_189 = %while3A_130#1, %while3A_190 = %while3A_130#2, %while3A_191 = %while3A_130#3, %while3A_192 = %while3A_130#4, %while3A_193 = %while3A_130#5, %while3A_194 = %while3A_130#6, %while3A_195 = %while3A_130#7, %while3A_196 = %while3A_130#8, %while3A_197 = %while3A_130#9, %while3A_198 = %while3A_130#10, %while3A_199 = %while3A_130#11, %while3A_200 = %while3A_130#12, %while3A_201 = %while3A_130#13, %while3A_202 = %while3A_130#14, %while3A_203 = %while3A_130#15, %while3A_204 = %while3A_130#16, %while3A_205 = %while3A_130#17) -> (i32, i32, i32, i32, i32, i32, i32, i32, i32, i32, i32, i32, i32, i32, i32, i32, i32, i32)  : i32 {
          %mul3A_206 = arith.constant 1 : i32
          %mul3A_207 = arith.muli %mul3A_206, %select_n3A : i32
          %eq3A_208 = arith.constant 0 : i32
          %eq3A_209 = arith.cmpi eq, %while3A_187, %eq3A_208 : i32
          %sub3A_210 = arith.constant 1 : i32
          %sub3A_211 = arith.subi %mul3A_207, %sub3A_210 : i32
          %eq3A_212 = arith.cmpi eq, %while3A_187, %sub3A_211 : i32
          %add3A_213 = arith.addi %while3A_205, %select_n3A_7 : i32
          %sub3A_214 = arith.constant 1 : i32
          %sub3A_215 = arith.subi %while3A_205, %sub3A_214 : i32
          %select_n3A_216 = arith.constant true
          %select_n3A_217 = arith.select %select_n3A_216, %sub3A_215, %while3A_205 : i32
          %eq3A_218 = arith.constant -1 : i32
          %eq3A_219 = arith.cmpi eq, %select_n3A_217, %eq3A_218 : i32
          %sub3A_220 = arith.constant 1 : i32
          %sub3A_221 = arith.subi %select_n3A, %sub3A_220 : i32
          %select_n3A_222 = arith.select %eq3A_219, %sub3A_221, %select_n3A_217 : i32
          %add3A_223 = arith.addi %select_n3A_222, %select_n3A_7 : i32
          %add3A_224 = arith.constant 1 : i32
          %add3A_225 = arith.addi %while3A_205, %add3A_224 : i32
          %select_n3A_226 = arith.constant true
          %select_n3A_227 = arith.select %select_n3A_226, %add3A_225, %while3A_205 : i32
          %eq3A_228 = arith.cmpi eq, %select_n3A_227, %select_n3A : i32
          %select_n3A_229 = arith.constant 0 : i32
          %select_n3A_230 = arith.select %eq3A_228, %select_n3A_229, %select_n3A_227 : i32
          %add3A_231 = arith.addi %select_n3A_230, %select_n3A_7 : i32
          %add3A_232 = arith.constant 1 : i32
          %add3A_233 = arith.addi %select_n3A_230, %add3A_232 : i32
          %select_n3A_234 = arith.constant true
          %select_n3A_235 = arith.select %select_n3A_234, %add3A_233, %select_n3A_230 : i32
          %eq3A_236 = arith.cmpi eq, %select_n3A_235, %select_n3A : i32
          %select_n3A_237 = arith.constant 0 : i32
          %select_n3A_238 = arith.select %eq3A_236, %select_n3A_237, %select_n3A_235 : i32
          %add3A_239 = arith.addi %select_n3A_238, %select_n3A_7 : i32
          %ne3A = arith.cmpi ne, %add3A_213, %add3A_231 : i32
          %or3A = arith.constant false
          %or3A_240 = arith.ori %or3A, %ne3A : i1
          %or3A_241 = arith.constant false
          %or3A_242 = arith.ori %or3A_240, %or3A_241 : i1
          %sub3A_243 = arith.constant 2 : i32
          %sub3A_244 = arith.subi %mul3A_207, %sub3A_243 : i32
          %add3A_245 = arith.constant 1 : i32
          %add3A_246 = arith.addi %sub3A_244, %add3A_245 : i32
          %ge3A = arith.cmpi sge, %while3A_187, %add3A_246 : i32
          %not3A = arith.constant true
          %not3A_247 = arith.xori %ge3A, %not3A : i1
          %and3A = arith.andi %or3A_242, %not3A_247 : i1
          %convert_element_type3A_248 = arith.extui %and3A : i1 to i32
          %cond3A_249 = arith.constant 0 : i32
          %cond3A_250 = arith.cmpi ne, %convert_element_type3A_248, %cond3A_249 : i32
          scf.if %cond3A_250 {
            "tpu.trace_start"() <{level = 10 : i32, message = "ep_copy_in"}> : () -> ()
            %rem3A_611 = arith.constant 2 : i32
            %rem3A_612 = arith.remui %while3A_188, %rem3A_611 : i32
            %mul3A_613 = arith.constant 2560 : i32
            %mul3A_614 = arith.muli %mul3A_613, %add3A_231 : i32
            %dma_start3A_615 = tpu.memref_slice %run_scoped3A_10[%rem3A_612] : memref<2x!tpu.dma_semaphore, #tpu.memory_space<semaphore_mem>> -> memref<1x!tpu.dma_semaphore, #tpu.memory_space<semaphore_mem>>
            %dma_start3A_616 = tpu.memref_squeeze %dma_start3A_615 : memref<1x!tpu.dma_semaphore, #tpu.memory_space<semaphore_mem>> -> memref<!tpu.dma_semaphore, #tpu.memory_space<semaphore_mem>>
            %dma_start3A_617 = arith.constant 0 : i32
            %dma_start3A_618 = arith.constant 0 : i32
            %dma_start3A_619 = tpu.memref_slice %run_scoped3A[%rem3A_612, %dma_start3A_617, %dma_start3A_618] : memref<2x2560x3xf32, #tpu.memory_space<vmem>> -> memref<1x2560x3xf32, #tpu.memory_space<vmem>>
            %dma_start3A_620 = tpu.memref_squeeze %dma_start3A_619 : memref<1x2560x3xf32, #tpu.memory_space<vmem>> -> memref<2560x3xf32, #tpu.memory_space<vmem>>
            %dma_start3A_621 = arith.constant 0 : i32
            %dma_start3A_622 = tpu.memref_slice %arg1[%mul3A_614, %dma_start3A_621] : memref<320000x3xf32, #tpu.memory_space<any>> -> memref<2560x3xf32, #tpu.memory_space<any>>
            tpu.enqueue_dma source(%dma_start3A_622 : memref<2560x3xf32, #tpu.memory_space<any>>) target(%dma_start3A_620 : memref<2560x3xf32, #tpu.memory_space<vmem>>) target_semaphore(%dma_start3A_616 : memref<!tpu.dma_semaphore, #tpu.memory_space<semaphore_mem>>)
            "tpu.trace_stop"() : () -> ()
          } else {
          }
          %and3A_251 = arith.constant true
          %and3A_252 = arith.andi %and3A, %and3A_251 : i1
          %add3A_253 = arith.constant 1 : i32
          %add3A_254 = arith.addi %while3A_188, %add3A_253 : i32
          %select_n3A_255 = arith.select %and3A_252, %add3A_254, %while3A_188 : i32
          %ne3A_256 = arith.cmpi ne, %add3A_213, %add3A_231 : i32
          %or3A_257 = arith.constant false
          %or3A_258 = arith.ori %or3A_257, %ne3A_256 : i1
          %or3A_259 = arith.constant false
          %or3A_260 = arith.ori %or3A_258, %or3A_259 : i1
          %sub3A_261 = arith.constant 2 : i32
          %sub3A_262 = arith.subi %mul3A_207, %sub3A_261 : i32
          %add3A_263 = arith.constant 1 : i32
          %add3A_264 = arith.addi %sub3A_262, %add3A_263 : i32
          %ge3A_265 = arith.cmpi sge, %while3A_187, %add3A_264 : i32
          %not3A_266 = arith.constant true
          %not3A_267 = arith.xori %ge3A_265, %not3A_266 : i1
          %and3A_268 = arith.andi %or3A_260, %not3A_267 : i1
          %convert_element_type3A_269 = arith.extui %and3A_268 : i1 to i32
          %cond3A_270 = arith.constant 0 : i32
          %cond3A_271 = arith.cmpi ne, %convert_element_type3A_269, %cond3A_270 : i32
          scf.if %cond3A_271 {
            "tpu.trace_start"() <{level = 10 : i32, message = "ep_copy_in"}> : () -> ()
            %rem3A_611 = arith.constant 2 : i32
            %rem3A_612 = arith.remui %while3A_190, %rem3A_611 : i32
            %mul3A_613 = arith.constant 2560 : i32
            %mul3A_614 = arith.muli %mul3A_613, %add3A_231 : i32
            %dma_start3A_615 = tpu.memref_slice %run_scoped3A_12[%rem3A_612] : memref<2x!tpu.dma_semaphore, #tpu.memory_space<semaphore_mem>> -> memref<1x!tpu.dma_semaphore, #tpu.memory_space<semaphore_mem>>
            %dma_start3A_616 = tpu.memref_squeeze %dma_start3A_615 : memref<1x!tpu.dma_semaphore, #tpu.memory_space<semaphore_mem>> -> memref<!tpu.dma_semaphore, #tpu.memory_space<semaphore_mem>>
            %dma_start3A_617 = arith.constant 0 : i32
            %dma_start3A_618 = arith.constant 0 : i32
            %dma_start3A_619 = tpu.memref_slice %run_scoped3A_11[%rem3A_612, %dma_start3A_617, %dma_start3A_618] : memref<2x2560x128xf32, #tpu.memory_space<vmem>> -> memref<1x2560x128xf32, #tpu.memory_space<vmem>>
            %dma_start3A_620 = tpu.memref_squeeze %dma_start3A_619 : memref<1x2560x128xf32, #tpu.memory_space<vmem>> -> memref<2560x128xf32, #tpu.memory_space<vmem>>
            %dma_start3A_621 = arith.constant 0 : i32
            %dma_start3A_622 = tpu.memref_slice %arg2[%mul3A_614, %dma_start3A_621] : memref<320000x128xf32, #tpu.memory_space<any>> -> memref<2560x128xf32, #tpu.memory_space<any>>
            tpu.enqueue_dma source(%dma_start3A_622 : memref<2560x128xf32, #tpu.memory_space<any>>) target(%dma_start3A_620 : memref<2560x128xf32, #tpu.memory_space<vmem>>) target_semaphore(%dma_start3A_616 : memref<!tpu.dma_semaphore, #tpu.memory_space<semaphore_mem>>)
            "tpu.trace_stop"() : () -> ()
          } else {
          }
          %and3A_272 = arith.constant true
          %and3A_273 = arith.andi %and3A_268, %and3A_272 : i1
          %add3A_274 = arith.constant 1 : i32
          %add3A_275 = arith.addi %while3A_190, %add3A_274 : i32
          %select_n3A_276 = arith.select %and3A_273, %add3A_275, %while3A_190 : i32
          %ne3A_277 = arith.cmpi ne, %add3A_213, %add3A_231 : i32
          %or3A_278 = arith.constant false
          %or3A_279 = arith.ori %or3A_278, %ne3A_277 : i1
          %or3A_280 = arith.constant false
          %or3A_281 = arith.ori %or3A_279, %or3A_280 : i1
          %sub3A_282 = arith.constant 2 : i32
          %sub3A_283 = arith.subi %mul3A_207, %sub3A_282 : i32
          %add3A_284 = arith.constant 1 : i32
          %add3A_285 = arith.addi %sub3A_283, %add3A_284 : i32
          %ge3A_286 = arith.cmpi sge, %while3A_187, %add3A_285 : i32
          %not3A_287 = arith.constant true
          %not3A_288 = arith.xori %ge3A_286, %not3A_287 : i1
          %and3A_289 = arith.andi %or3A_281, %not3A_288 : i1
          %ne3A_290 = arith.cmpi ne, %add3A_213, %add3A_223 : i32
          %or3A_291 = arith.constant false
          %or3A_292 = arith.ori %or3A_291, %ne3A_290 : i1
          %or3A_293 = arith.constant false
          %or3A_294 = arith.ori %or3A_292, %or3A_293 : i1
          %or3A_295 = arith.ori %or3A_294, %eq3A_209 : i1
          %convert_element_type3A_296 = arith.extui %or3A_295 : i1 to i32
          %cond3A_297 = arith.constant 0 : i32
          %cond3A_298 = arith.cmpi ne, %convert_element_type3A_296, %cond3A_297 : i32
          scf.if %cond3A_298 {
            "tpu.trace_start"() <{level = 10 : i32, message = "ep_wait_in"}> : () -> ()
            %mul3A_611 = arith.constant 2560 : i32
            %mul3A_612 = arith.muli %mul3A_611, %add3A_213 : i32
            %rem3A_613 = arith.constant 2 : i32
            %rem3A_614 = arith.remui %while3A_189, %rem3A_613 : i32
            %dma_wait3A = tpu.memref_slice %run_scoped3A_10[%rem3A_614] : memref<2x!tpu.dma_semaphore, #tpu.memory_space<semaphore_mem>> -> memref<1x!tpu.dma_semaphore, #tpu.memory_space<semaphore_mem>>
            %dma_wait3A_615 = tpu.memref_squeeze %dma_wait3A : memref<1x!tpu.dma_semaphore, #tpu.memory_space<semaphore_mem>> -> memref<!tpu.dma_semaphore, #tpu.memory_space<semaphore_mem>>
            %dma_wait3A_616 = arith.constant 0 : i32
            %dma_wait3A_617 = arith.constant 0 : i32
            %dma_wait3A_618 = tpu.memref_slice %run_scoped3A[%rem3A_614, %dma_wait3A_616, %dma_wait3A_617] : memref<2x2560x3xf32, #tpu.memory_space<vmem>> -> memref<1x2560x3xf32, #tpu.memory_space<vmem>>
            %dma_wait3A_619 = tpu.memref_squeeze %dma_wait3A_618 : memref<1x2560x3xf32, #tpu.memory_space<vmem>> -> memref<2560x3xf32, #tpu.memory_space<vmem>>
            %dma_wait3A_620 = arith.constant 0 : i32
            %dma_wait3A_621 = tpu.memref_slice %arg1[%mul3A_612, %dma_wait3A_620] : memref<320000x3xf32, #tpu.memory_space<any>> -> memref<2560x3xf32, #tpu.memory_space<any>>
            tpu.wait_dma2 semaphore(%dma_wait3A_615 : memref<!tpu.dma_semaphore, #tpu.memory_space<semaphore_mem>>) src(%dma_wait3A_621 : memref<2560x3xf32, #tpu.memory_space<any>>) dst(%dma_wait3A_619 : memref<2560x3xf32, #tpu.memory_space<vmem>>)
            "tpu.trace_stop"() : () -> ()
          } else {
          }
          %ne3A_299 = arith.cmpi ne, %add3A_213, %add3A_223 : i32
          %or3A_300 = arith.constant false
          %or3A_301 = arith.ori %or3A_300, %ne3A_299 : i1
          %or3A_302 = arith.constant false
          %or3A_303 = arith.ori %or3A_301, %or3A_302 : i1
          %or3A_304 = arith.ori %or3A_303, %eq3A_209 : i1
          %convert_element_type3A_305 = arith.extui %or3A_304 : i1 to i32
          %cond3A_306 = arith.constant 0 : i32
          %cond3A_307 = arith.cmpi ne, %convert_element_type3A_305, %cond3A_306 : i32
          scf.if %cond3A_307 {
            "tpu.trace_start"() <{level = 10 : i32, message = "ep_wait_in"}> : () -> ()
            %mul3A_611 = arith.constant 2560 : i32
            %mul3A_612 = arith.muli %mul3A_611, %add3A_213 : i32
            %rem3A_613 = arith.constant 2 : i32
            %rem3A_614 = arith.remui %while3A_191, %rem3A_613 : i32
            %dma_wait3A = tpu.memref_slice %run_scoped3A_12[%rem3A_614] : memref<2x!tpu.dma_semaphore, #tpu.memory_space<semaphore_mem>> -> memref<1x!tpu.dma_semaphore, #tpu.memory_space<semaphore_mem>>
            %dma_wait3A_615 = tpu.memref_squeeze %dma_wait3A : memref<1x!tpu.dma_semaphore, #tpu.memory_space<semaphore_mem>> -> memref<!tpu.dma_semaphore, #tpu.memory_space<semaphore_mem>>
            %dma_wait3A_616 = arith.constant 0 : i32
            %dma_wait3A_617 = arith.constant 0 : i32
            %dma_wait3A_618 = tpu.memref_slice %run_scoped3A_11[%rem3A_614, %dma_wait3A_616, %dma_wait3A_617] : memref<2x2560x128xf32, #tpu.memory_space<vmem>> -> memref<1x2560x128xf32, #tpu.memory_space<vmem>>
            %dma_wait3A_619 = tpu.memref_squeeze %dma_wait3A_618 : memref<1x2560x128xf32, #tpu.memory_space<vmem>> -> memref<2560x128xf32, #tpu.memory_space<vmem>>
            %dma_wait3A_620 = arith.constant 0 : i32
            %dma_wait3A_621 = tpu.memref_slice %arg2[%mul3A_612, %dma_wait3A_620] : memref<320000x128xf32, #tpu.memory_space<any>> -> memref<2560x128xf32, #tpu.memory_space<any>>
            tpu.wait_dma2 semaphore(%dma_wait3A_615 : memref<!tpu.dma_semaphore, #tpu.memory_space<semaphore_mem>>) src(%dma_wait3A_621 : memref<2560x128xf32, #tpu.memory_space<any>>) dst(%dma_wait3A_619 : memref<2560x128xf32, #tpu.memory_space<vmem>>)
            "tpu.trace_stop"() : () -> ()
          } else {
          }
          %ne3A_308 = arith.cmpi ne, %add3A_213, %add3A_223 : i32
          %or3A_309 = arith.constant false
          %or3A_310 = arith.ori %or3A_309, %ne3A_308 : i1
          %or3A_311 = arith.constant false
          %or3A_312 = arith.ori %or3A_310, %or3A_311 : i1
          %or3A_313 = arith.ori %or3A_312, %eq3A_209 : i1
          %convert_element_type3A_314 = arith.extui %or3A_313 : i1 to i32
          %cond3A_315 = arith.constant 0 : i32
          %cond3A_316 = arith.cmpi ne, %convert_element_type3A_314, %cond3A_315 : i32
          scf.if %cond3A_316 {
          } else {
          }
          %rem3A_317 = arith.constant 2 : i32
          %rem3A_318 = arith.remui %while3A_189, %rem3A_317 : i32
          %rem3A_319 = arith.constant 2 : i32
          %rem3A_320 = arith.remui %while3A_191, %rem3A_319 : i32
          %rem3A_321 = arith.constant 2 : i32
          %rem3A_322 = arith.remui %while3A_203, %rem3A_321 : i32
          "tpu.trace_start"() <{level = 10 : i32, message = "ep_run_kernel"}> : () -> ()
          %get3A = arith.index_cast %rem3A_318 : i32 to index
          %get3A_323 = arith.constant 0 : index
          %get3A_324 = arith.constant 0 : index
          %get3A_325 = vector.load %run_scoped3A[%get3A, %get3A_323, %get3A_324] : memref<2x2560x3xf32, #tpu.memory_space<vmem>>, vector<1x2560x3xf32>
          %get3A_326 = vector.shape_cast %get3A_325 : vector<1x2560x3xf32> to vector<2560x3xf32>
          %get3A_327 = arith.constant 0 : i32
          %get3A_328 = arith.constant 0 : i32
          %get3A_329 = tpu.memref_slice %run_scoped3A_11[%rem3A_320, %get3A_327, %get3A_328] : memref<2x2560x128xf32, #tpu.memory_space<vmem>> -> memref<1x2560x128xf32, #tpu.memory_space<vmem>>
          %get3A_330 = tpu.memref_squeeze %get3A_329 : memref<1x2560x128xf32, #tpu.memory_space<vmem>> -> memref<2560x128xf32, #tpu.memory_space<vmem>>
          %get3A_331 = arith.constant 0 : index
          %get3A_332 = arith.constant 0 : index
          %get3A_333 = vector.load %get3A_330[%get3A_331, %get3A_332] : memref<2560x128xf32, #tpu.memory_space<vmem>>, vector<2560x32xf32>
          %mul3A_334 = arith.mulf %get3A_326, %get3A_326 : vector<2560x3xf32>
          %reduce_sum3A = arith.constant dense<0.000000e+00> : vector<2560xf32>
          %reduce_sum3A_335 = vector.multi_reduction <add>, %mul3A_334, %reduce_sum3A [1] : vector<2560x3xf32> to vector<2560xf32>
          %broadcast_in_dim3A = vector.shape_cast %reduce_sum3A_335 : vector<2560xf32> to vector<2560x1xf32>
          %max3A = arith.constant 1.000000e-24 : f32
          %max3A_336 = vector.broadcast %max3A : f32 to vector<2560x1xf32>
          %max3A_337 = arith.maximumf %broadcast_in_dim3A, %max3A_336 : vector<2560x1xf32>
          %rsqrt3A = math.rsqrt %max3A_337 : vector<2560x1xf32>
          %mul3A_338 = arith.mulf %broadcast_in_dim3A, %rsqrt3A : vector<2560x1xf32>
          %convert_element_type3A_339 = arith.truncf %mul3A_338 : vector<2560x1xf32> to vector<2560x1xbf16>
          %convert_element_type3A_340 = arith.extf %convert_element_type3A_339 : vector<2560x1xbf16> to vector<2560x1xf32>
          %sub3A_341 = arith.subf %mul3A_338, %convert_element_type3A_340 : vector<2560x1xf32>
          %concatenate3A = tpu.concatenate %convert_element_type3A_340, %sub3A_341 in 1 : vector<2560x1xf32>, vector<2560x1xf32> -> vector<2560x2xf32>
          %get3A_342 = arith.constant 0 : index
          %get3A_343 = arith.constant 0 : index
          %get3A_344 = vector.load %run_scoped3A_14[%get3A_342, %get3A_343] : memref<2x10xf32, #tpu.memory_space<vmem>>, vector<2x10xf32>
          %dot_general3A = arith.constant dense<0.000000e+00> : vector<2560x10xf32>
          %dot_general3A_345 = tpu.matmul %concatenate3A, %get3A_344, %dot_general3A {dimension_numbers = #tpu.dot_dimension_numbers<[1], [0], [0], [1], [0, 0, 1, 1], [], []>, transpose_lhs_hint = false} : vector<2560x2xf32>, vector<2x10xf32>, vector<2560x10xf32> -> vector<2560x10xf32>
          %mul3A_346 = arith.constant 3.14285707 : f32
          %mul3A_347 = vector.broadcast %mul3A_346 : f32 to vector<2560x10xf32>
          %mul3A_348 = arith.mulf %dot_general3A_345, %mul3A_347 : vector<2560x10xf32>
          %get3A_349 = arith.constant 0 : index
          %get3A_350 = arith.constant 0 : index
          %get3A_351 = vector.load %run_scoped3A_13[%get3A_349, %get3A_350] : memref<1x10xf32, #tpu.memory_space<vmem>>, vector<1x10xf32>
          %sub3A_352 = vector.broadcast %get3A_351 : vector<1x10xf32> to vector<2560x10xf32>
          %sub3A_353 = arith.subf %mul3A_348, %sub3A_352 : vector<2560x10xf32>
          %mul3A_354 = arith.mulf %sub3A_353, %sub3A_353 : vector<2560x10xf32>
          %lt3A_355 = arith.constant 1.000000e+00 : f32
          %lt3A_356 = vector.broadcast %lt3A_355 : f32 to vector<2560x10xf32>
          %lt3A_357 = arith.cmpf olt, %mul3A_354, %lt3A_356 : vector<2560x10xf32>
          %sub3A_358 = arith.constant 1.000000e+00 : f32
          %sub3A_359 = vector.broadcast %sub3A_358 : f32 to vector<2560x10xf32>
          %sub3A_360 = arith.subf %sub3A_359, %mul3A_354 : vector<2560x10xf32>
          %jit3A_361 = arith.constant 1.000000e+00 : f32
          %broadcast_in_dim3A_362 = vector.broadcast %jit3A_361 : f32 to vector<2560x10xf32>
          %select_n3A_363 = arith.select %lt3A_357, %sub3A_360, %broadcast_in_dim3A_362 : vector<2560x10xi1>, vector<2560x10xf32>
          %div3A = arith.constant -2.000000e+00 : f32
          %div3A_364 = vector.broadcast %div3A : f32 to vector<2560x10xf32>
          %div3A_365 = arith.divf %div3A_364, %select_n3A_363 : vector<2560x10xf32>
          %exp3A = math.exp %div3A_365 : vector<2560x10xf32>
          %mul3A_366 = arith.constant 2.666930e+01 : f32
          %mul3A_367 = vector.broadcast %mul3A_366 : f32 to vector<2560x10xf32>
          %mul3A_368 = arith.mulf %mul3A_367, %exp3A : vector<2560x10xf32>
          %jit3A_369 = arith.constant 0.000000e+00 : f32
          %broadcast_in_dim3A_370 = vector.broadcast %jit3A_369 : f32 to vector<2560x10xf32>
          %select_n3A_371 = arith.select %lt3A_357, %mul3A_368, %broadcast_in_dim3A_370 : vector<2560x10xi1>, vector<2560x10xf32>
          %get3A_372 = arith.constant 0 : index
          %get3A_373 = arith.constant 0 : index
          %get3A_374 = vector.load %run_scoped3A_15[%get3A_372, %get3A_373] : memref<10x64xf32, #tpu.memory_space<vmem>>, vector<10x64xf32>
          %dot_general3A_375 = arith.constant dense<0.000000e+00> : vector<2560x64xf32>
          %dot_general3A_376 = tpu.matmul %select_n3A_371, %get3A_374, %dot_general3A_375 {dimension_numbers = #tpu.dot_dimension_numbers<[1], [0], [0], [1], [0, 0, 1, 1], [], []>, transpose_lhs_hint = false} : vector<2560x10xf32>, vector<10x64xf32>, vector<2560x64xf32> -> vector<2560x64xf32>
          %max3A_377 = arith.constant 0.000000e+00 : f32
          %max3A_378 = vector.broadcast %max3A_377 : f32 to vector<2560x64xf32>
          %max3A_379 = arith.maximumf %dot_general3A_376, %max3A_378 : vector<2560x64xf32>
          %get3A_380 = arith.constant 0 : index
          %get3A_381 = arith.constant 0 : index
          %get3A_382 = vector.load %run_scoped3A_16[%get3A_380, %get3A_381] : memref<64x256xf32, #tpu.memory_space<vmem>>, vector<64x256xf32>
          %dot_general3A_383 = arith.constant dense<0.000000e+00> : vector<2560x256xf32>
          %dot_general3A_384 = tpu.matmul %max3A_379, %get3A_382, %dot_general3A_383 {dimension_numbers = #tpu.dot_dimension_numbers<[1], [0], [0], [1], [0, 0, 1, 1], [], []>, transpose_lhs_hint = false} : vector<2560x64xf32>, vector<64x256xf32>, vector<2560x256xf32> -> vector<2560x256xf32>
          %slice3A = vector.extract_strided_slice %dot_general3A_384 {offsets = [0, 0], sizes = [2560, 64], strides = [1, 1]} : vector<2560x256xf32> to vector<2560x64xf32>
          %slice3A_385 = vector.extract_strided_slice %dot_general3A_384 {offsets = [0, 64], sizes = [2560, 64], strides = [1, 1]} : vector<2560x256xf32> to vector<2560x64xf32>
          %slice3A_386 = vector.extract_strided_slice %dot_general3A_384 {offsets = [0, 128], sizes = [2560, 64], strides = [1, 1]} : vector<2560x256xf32> to vector<2560x64xf32>
          %slice3A_387 = vector.extract_strided_slice %dot_general3A_384 {offsets = [0, 192], sizes = [2560, 64], strides = [1, 1]} : vector<2560x256xf32> to vector<2560x64xf32>
          %slice3A_388 = vector.extract_strided_slice %get3A_333 {offsets = [0, 0], sizes = [2560, 8], strides = [1, 1]} : vector<2560x32xf32> to vector<2560x8xf32>
          %slice3A_389 = vector.extract_strided_slice %get3A_333 {offsets = [0, 8], sizes = [2560, 24], strides = [1, 1]} : vector<2560x32xf32> to vector<2560x24xf32>
          %mul3A_390 = vector.broadcast %rsqrt3A : vector<2560x1xf32> to vector<2560x3xf32>
          %mul3A_391 = arith.mulf %get3A_326, %mul3A_390 : vector<2560x3xf32>
          %get3A_392 = arith.constant 0 : index
          %get3A_393 = arith.constant 0 : index
          %get3A_394 = vector.load %run_scoped3A_19[%get3A_392, %get3A_393] : memref<3x24xf32, #tpu.memory_space<vmem>>, vector<3x24xf32>
          %dot_general3A_395 = arith.constant dense<0.000000e+00> : vector<2560x24xf32>
          %dot_general3A_396 = tpu.matmul %mul3A_391, %get3A_394, %dot_general3A_395 {dimension_numbers = #tpu.dot_dimension_numbers<[1], [0], [0], [1], [0, 0, 1, 1], [], []>, transpose_lhs_hint = false} : vector<2560x3xf32>, vector<3x24xf32>, vector<2560x24xf32> -> vector<2560x24xf32>
          %mul3A_397 = arith.constant 1.73205078 : f32
          %mul3A_398 = vector.broadcast %mul3A_397 : f32 to vector<2560x24xf32>
          %mul3A_399 = arith.mulf %mul3A_398, %dot_general3A_396 : vector<2560x24xf32>
          %mul3A_400 = arith.constant 0.577350259 : f32
          %mul3A_401 = vector.broadcast %mul3A_400 : f32 to vector<2560x24xf32>
          %mul3A_402 = arith.mulf %mul3A_401, %mul3A_399 : vector<2560x24xf32>
          %mul3A_403 = arith.mulf %slice3A_389, %mul3A_402 : vector<2560x24xf32>
          %get3A_404 = arith.constant 0 : index
          %get3A_405 = arith.constant 0 : index
          %get3A_406 = vector.load %run_scoped3A_20[%get3A_404, %get3A_405] : memref<24x8xf32, #tpu.memory_space<vmem>>, vector<24x8xf32>
          %dot_general3A_407 = arith.constant dense<0.000000e+00> : vector<2560x8xf32>
          %dot_general3A_408 = tpu.matmul %mul3A_403, %get3A_406, %dot_general3A_407 {dimension_numbers = #tpu.dot_dimension_numbers<[1], [0], [0], [1], [0, 0, 1, 1], [], []>, transpose_lhs_hint = false} : vector<2560x24xf32>, vector<24x8xf32>, vector<2560x8xf32> -> vector<2560x8xf32>
          %concatenate3A_409 = tpu.concatenate %slice3A_388, %dot_general3A_408 in 1 : vector<2560x8xf32>, vector<2560x8xf32> -> vector<2560x16xf32>
          %get3A_410 = arith.constant 0 : index
          %get3A_411 = arith.constant 0 : index
          %get3A_412 = vector.load %run_scoped3A_17[%get3A_410, %get3A_411] : memref<16x128xf32, #tpu.memory_space<vmem>>, vector<16x128xf32>
          %dot_general3A_413 = arith.constant dense<0.000000e+00> : vector<2560x128xf32>
          %dot_general3A_414 = tpu.matmul %concatenate3A_409, %get3A_412, %dot_general3A_413 {dimension_numbers = #tpu.dot_dimension_numbers<[1], [0], [0], [1], [0, 0, 1, 1], [], []>, transpose_lhs_hint = false} : vector<2560x16xf32>, vector<16x128xf32>, vector<2560x128xf32> -> vector<2560x128xf32>
          %concatenate3A_415 = tpu.concatenate %slice3A, %slice3A_387 in 1 : vector<2560x64xf32>, vector<2560x64xf32> -> vector<2560x128xf32>
          %mul3A_416 = arith.mulf %dot_general3A_414, %concatenate3A_415 : vector<2560x128xf32>
          %get3A_417 = arith.constant 0 : index
          %get3A_418 = arith.constant 0 : index
          %get3A_419 = vector.load %run_scoped3A_18[%get3A_417, %get3A_418] : memref<128x8xf32, #tpu.memory_space<vmem>>, vector<128x8xf32>
          %dot_general3A_420 = arith.constant dense<0.000000e+00> : vector<2560x8xf32>
          %dot_general3A_421 = tpu.matmul %mul3A_416, %get3A_419, %dot_general3A_420 {dimension_numbers = #tpu.dot_dimension_numbers<[1], [0], [0], [1], [0, 0, 1, 1], [], []>, transpose_lhs_hint = false} : vector<2560x128xf32>, vector<128x8xf32>, vector<2560x8xf32> -> vector<2560x8xf32>
          %slice3A_422 = vector.extract_strided_slice %dot_general3A_414 {offsets = [0, 0], sizes = [2560, 64], strides = [1, 1]} : vector<2560x128xf32> to vector<2560x64xf32>
          %mul3A_423 = arith.mulf %slice3A_422, %slice3A_385 : vector<2560x64xf32>
          %get3A_424 = arith.constant 0 : index
          %get3A_425 = arith.constant 0 : index
          %get3A_426 = vector.load %run_scoped3A_23[%get3A_424, %get3A_425] : memref<64x24xf32, #tpu.memory_space<vmem>>, vector<64x24xf32>
          %dot_general3A_427 = arith.constant dense<0.000000e+00> : vector<2560x24xf32>
          %dot_general3A_428 = tpu.matmul %mul3A_423, %get3A_426, %dot_general3A_427 {dimension_numbers = #tpu.dot_dimension_numbers<[1], [0], [0], [1], [0, 0, 1, 1], [], []>, transpose_lhs_hint = false} : vector<2560x64xf32>, vector<64x24xf32>, vector<2560x24xf32> -> vector<2560x24xf32>
          %get3A_429 = arith.constant 0 : index
          %get3A_430 = arith.constant 0 : index
          %get3A_431 = vector.load %run_scoped3A_21[%get3A_429, %get3A_430] : memref<24x192xf32, #tpu.memory_space<vmem>>, vector<24x192xf32>
          %dot_general3A_432 = arith.constant dense<0.000000e+00> : vector<2560x192xf32>
          %dot_general3A_433 = tpu.matmul %slice3A_389, %get3A_431, %dot_general3A_432 {dimension_numbers = #tpu.dot_dimension_numbers<[1], [0], [0], [1], [0, 0, 1, 1], [], []>, transpose_lhs_hint = false} : vector<2560x24xf32>, vector<24x192xf32>, vector<2560x192xf32> -> vector<2560x192xf32>
          %concatenate3A_434 = tpu.concatenate %slice3A_386, %slice3A_386, %slice3A_386 in 1 : vector<2560x64xf32>, vector<2560x64xf32>, vector<2560x64xf32> -> vector<2560x192xf32>
          %mul3A_435 = arith.mulf %dot_general3A_433, %concatenate3A_434 : vector<2560x192xf32>
          %get3A_436 = arith.constant 0 : index
          %get3A_437 = arith.constant 0 : index
          %get3A_438 = vector.load %run_scoped3A_22[%get3A_436, %get3A_437] : memref<192x24xf32, #tpu.memory_space<vmem>>, vector<192x24xf32>
          %dot_general3A_439 = arith.constant dense<0.000000e+00> : vector<2560x24xf32>
          %dot_general3A_440 = tpu.matmul %mul3A_435, %get3A_438, %dot_general3A_439 {dimension_numbers = #tpu.dot_dimension_numbers<[1], [0], [0], [1], [0, 0, 1, 1], [], []>, transpose_lhs_hint = false} : vector<2560x192xf32>, vector<192x24xf32>, vector<2560x24xf32> -> vector<2560x24xf32>
          %mul3A_441 = arith.mulf %dot_general3A_428, %mul3A_399 : vector<2560x24xf32>
          %add3A_442 = arith.addf %mul3A_441, %dot_general3A_440 : vector<2560x24xf32>
          %concatenate3A_443 = tpu.concatenate %dot_general3A_421, %add3A_442 in 1 : vector<2560x8xf32>, vector<2560x24xf32> -> vector<2560x32xf32>
          %mul3A_444 = arith.constant 0.0441941731 : f32
          %mul3A_445 = vector.broadcast %mul3A_444 : f32 to vector<2560x32xf32>
          %mul3A_446 = arith.mulf %mul3A_445, %concatenate3A_443 : vector<2560x32xf32>
          %swap3A = arith.constant 0 : i32
          %swap3A_447 = arith.constant 0 : i32
          %swap3A_448 = tpu.memref_slice %run_scoped3A_24[%rem3A_322, %swap3A, %swap3A_447] : memref<2x2560x128xf32, #tpu.memory_space<vmem>> -> memref<1x2560x128xf32, #tpu.memory_space<vmem>>
          %swap3A_449 = tpu.memref_squeeze %swap3A_448 : memref<1x2560x128xf32, #tpu.memory_space<vmem>> -> memref<2560x128xf32, #tpu.memory_space<vmem>>
          %swap3A_450 = arith.constant 0 : index
          %swap3A_451 = arith.constant 0 : index
          %swap3A_452 = vector.load %swap3A_449[%swap3A_450, %swap3A_451] : memref<2560x128xf32, #tpu.memory_space<vmem>>, vector<2560x32xf32>
          tpu.vector_store %swap3A_449[%swap3A_450, %swap3A_451], %mul3A_446 {strides = array<i32>} : memref<2560x128xf32, #tpu.memory_space<vmem>>, vector<2560x32xf32>,
          "tpu.trace_stop"() : () -> ()
          %ne3A_453 = arith.cmpi ne, %add3A_213, %add3A_231 : i32
          %or3A_454 = arith.constant false
          %or3A_455 = arith.ori %or3A_454, %ne3A_453 : i1
          %or3A_456 = arith.constant false
          %or3A_457 = arith.ori %or3A_455, %or3A_456 : i1
          %or3A_458 = arith.ori %or3A_457, %eq3A_212 : i1
          %convert_element_type3A_459 = arith.extui %or3A_458 : i1 to i32
          %cond3A_460 = arith.constant 0 : i32
          %cond3A_461 = arith.cmpi ne, %convert_element_type3A_459, %cond3A_460 : i32
          scf.if %cond3A_461 {
          } else {
          }
          %and3A_462 = arith.constant false
          %and3A_463 = arith.andi %or3A_458, %and3A_462 : i1
          %ne3A_464 = arith.cmpi ne, %add3A_213, %add3A_231 : i32
          %or3A_465 = arith.constant false
          %or3A_466 = arith.ori %or3A_465, %ne3A_464 : i1
          %or3A_467 = arith.constant false
          %or3A_468 = arith.ori %or3A_466, %or3A_467 : i1
          %or3A_469 = arith.ori %or3A_468, %eq3A_212 : i1
          %convert_element_type3A_470 = arith.extui %or3A_469 : i1 to i32
          %cond3A_471 = arith.constant 0 : i32
          %cond3A_472 = arith.cmpi ne, %convert_element_type3A_470, %cond3A_471 : i32
          scf.if %cond3A_472 {
          } else {
          }
          %and3A_473 = arith.constant false
          %and3A_474 = arith.andi %or3A_469, %and3A_473 : i1
          %ne3A_475 = arith.cmpi ne, %add3A_213, %add3A_231 : i32
          %or3A_476 = arith.constant false
          %or3A_477 = arith.ori %or3A_476, %ne3A_475 : i1
          %or3A_478 = arith.constant false
          %or3A_479 = arith.ori %or3A_477, %or3A_478 : i1
          %or3A_480 = arith.ori %or3A_479, %eq3A_212 : i1
          %convert_element_type3A_481 = arith.extui %or3A_480 : i1 to i32
          %cond3A_482 = arith.constant 0 : i32
          %cond3A_483 = arith.cmpi ne, %convert_element_type3A_481, %cond3A_482 : i32
          scf.if %cond3A_483 {
            "tpu.trace_start"() <{level = 10 : i32, message = "ep_copy_out"}> : () -> ()
            %rem3A_611 = arith.constant 2 : i32
            %rem3A_612 = arith.remui %while3A_203, %rem3A_611 : i32
            %mul3A_613 = arith.constant 2560 : i32
            %mul3A_614 = arith.muli %mul3A_613, %add3A_213 : i32
            %dma_start3A_615 = tpu.memref_slice %run_scoped3A_25[%rem3A_612] : memref<2x!tpu.dma_semaphore, #tpu.memory_space<semaphore_mem>> -> memref<1x!tpu.dma_semaphore, #tpu.memory_space<semaphore_mem>>
            %dma_start3A_616 = tpu.memref_squeeze %dma_start3A_615 : memref<1x!tpu.dma_semaphore, #tpu.memory_space<semaphore_mem>> -> memref<!tpu.dma_semaphore, #tpu.memory_space<semaphore_mem>>
            %dma_start3A_617 = arith.constant 0 : i32
            %dma_start3A_618 = tpu.memref_slice %arg14[%mul3A_614, %dma_start3A_617] : memref<320000x128xf32, #tpu.memory_space<any>> -> memref<2560x128xf32, #tpu.memory_space<any>>
            %dma_start3A_619 = arith.constant 0 : i32
            %dma_start3A_620 = arith.constant 0 : i32
            %dma_start3A_621 = tpu.memref_slice %run_scoped3A_24[%rem3A_612, %dma_start3A_619, %dma_start3A_620] : memref<2x2560x128xf32, #tpu.memory_space<vmem>> -> memref<1x2560x128xf32, #tpu.memory_space<vmem>>
            %dma_start3A_622 = tpu.memref_squeeze %dma_start3A_621 : memref<1x2560x128xf32, #tpu.memory_space<vmem>> -> memref<2560x128xf32, #tpu.memory_space<vmem>>
            tpu.enqueue_dma source(%dma_start3A_622 : memref<2560x128xf32, #tpu.memory_space<vmem>>) target(%dma_start3A_618 : memref<2560x128xf32, #tpu.memory_space<any>>) target_semaphore(%dma_start3A_616 : memref<!tpu.dma_semaphore, #tpu.memory_space<semaphore_mem>>)
            "tpu.trace_stop"() : () -> ()
          } else {
          }
          %and3A_484 = arith.constant true
          %and3A_485 = arith.andi %or3A_480, %and3A_484 : i1
          %add3A_486 = arith.constant 1 : i32
          %add3A_487 = arith.addi %while3A_203, %add3A_486 : i32
          %select_n3A_488 = arith.select %and3A_485, %add3A_487, %while3A_203 : i32
          %ne3A_489 = arith.cmpi ne, %add3A_213, %add3A_223 : i32
          %or3A_490 = arith.constant false
          %or3A_491 = arith.ori %or3A_490, %ne3A_489 : i1
          %or3A_492 = arith.constant false
          %or3A_493 = arith.ori %or3A_491, %or3A_492 : i1
          %not3A_494 = arith.constant true
          %not3A_495 = arith.xori %eq3A_209, %not3A_494 : i1
          %and3A_496 = arith.andi %or3A_493, %not3A_495 : i1
          %convert_element_type3A_497 = arith.extui %and3A_496 : i1 to i32
          %cond3A_498 = arith.constant 0 : i32
          %cond3A_499 = arith.cmpi ne, %convert_element_type3A_497, %cond3A_498 : i32
          scf.if %cond3A_499 {
          } else {
          }
          %and3A_500 = arith.constant false
          %and3A_501 = arith.andi %and3A_496, %and3A_500 : i1
          %ne3A_502 = arith.cmpi ne, %add3A_213, %add3A_223 : i32
          %or3A_503 = arith.constant false
          %or3A_504 = arith.ori %or3A_503, %ne3A_502 : i1
          %or3A_505 = arith.constant false
          %or3A_506 = arith.ori %or3A_504, %or3A_505 : i1
          %not3A_507 = arith.constant true
          %not3A_508 = arith.xori %eq3A_209, %not3A_507 : i1
          %and3A_509 = arith.andi %or3A_506, %not3A_508 : i1
          %convert_element_type3A_510 = arith.extui %and3A_509 : i1 to i32
          %cond3A_511 = arith.constant 0 : i32
          %cond3A_512 = arith.cmpi ne, %convert_element_type3A_510, %cond3A_511 : i32
          scf.if %cond3A_512 {
          } else {
          }
          %and3A_513 = arith.constant false
          %and3A_514 = arith.andi %and3A_509, %and3A_513 : i1
          %ne3A_515 = arith.cmpi ne, %add3A_213, %add3A_223 : i32
          %or3A_516 = arith.constant false
          %or3A_517 = arith.ori %or3A_516, %ne3A_515 : i1
          %or3A_518 = arith.constant false
          %or3A_519 = arith.ori %or3A_517, %or3A_518 : i1
          %not3A_520 = arith.constant true
          %not3A_521 = arith.xori %eq3A_209, %not3A_520 : i1
          %and3A_522 = arith.andi %or3A_519, %not3A_521 : i1
          %convert_element_type3A_523 = arith.extui %and3A_522 : i1 to i32
          %cond3A_524 = arith.constant 0 : i32
          %cond3A_525 = arith.cmpi ne, %convert_element_type3A_523, %cond3A_524 : i32
          scf.if %cond3A_525 {
            "tpu.trace_start"() <{level = 10 : i32, message = "ep_wait_out"}> : () -> ()
            %rem3A_611 = arith.constant 2 : i32
            %rem3A_612 = arith.remui %while3A_204, %rem3A_611 : i32
            %mul3A_613 = arith.constant 2560 : i32
            %mul3A_614 = arith.muli %mul3A_613, %add3A_223 : i32
            %dma_wait3A = tpu.memref_slice %run_scoped3A_25[%rem3A_612] : memref<2x!tpu.dma_semaphore, #tpu.memory_space<semaphore_mem>> -> memref<1x!tpu.dma_semaphore, #tpu.memory_space<semaphore_mem>>
            %dma_wait3A_615 = tpu.memref_squeeze %dma_wait3A : memref<1x!tpu.dma_semaphore, #tpu.memory_space<semaphore_mem>> -> memref<!tpu.dma_semaphore, #tpu.memory_space<semaphore_mem>>
            %dma_wait3A_616 = arith.constant 0 : i32
            %dma_wait3A_617 = tpu.memref_slice %arg14[%mul3A_614, %dma_wait3A_616] : memref<320000x128xf32, #tpu.memory_space<any>> -> memref<2560x128xf32, #tpu.memory_space<any>>
            %dma_wait3A_618 = arith.constant 0 : i32
            %dma_wait3A_619 = arith.constant 0 : i32
            %dma_wait3A_620 = tpu.memref_slice %run_scoped3A_24[%rem3A_612, %dma_wait3A_618, %dma_wait3A_619] : memref<2x2560x128xf32, #tpu.memory_space<vmem>> -> memref<1x2560x128xf32, #tpu.memory_space<vmem>>
            %dma_wait3A_621 = tpu.memref_squeeze %dma_wait3A_620 : memref<1x2560x128xf32, #tpu.memory_space<vmem>> -> memref<2560x128xf32, #tpu.memory_space<vmem>>
            tpu.wait_dma2 semaphore(%dma_wait3A_615 : memref<!tpu.dma_semaphore, #tpu.memory_space<semaphore_mem>>) src(%dma_wait3A_621 : memref<2560x128xf32, #tpu.memory_space<vmem>>) dst(%dma_wait3A_617 : memref<2560x128xf32, #tpu.memory_space<any>>)
            "tpu.trace_stop"() : () -> ()
          } else {
          }
          %and3A_526 = arith.constant true
          %and3A_527 = arith.andi %and3A_522, %and3A_526 : i1
          %add3A_528 = arith.constant 1 : i32
          %add3A_529 = arith.addi %while3A_204, %add3A_528 : i32
          %select_n3A_530 = arith.select %and3A_527, %add3A_529, %while3A_204 : i32
          %ne3A_531 = arith.cmpi ne, %add3A_213, %add3A_231 : i32
          %or3A_532 = arith.constant false
          %or3A_533 = arith.ori %or3A_532, %ne3A_531 : i1
          %or3A_534 = arith.constant false
          %or3A_535 = arith.ori %or3A_533, %or3A_534 : i1
          %or3A_536 = arith.ori %or3A_535, %eq3A_212 : i1
          %add3A_537 = arith.constant 1 : i32
          %add3A_538 = arith.addi %while3A_189, %add3A_537 : i32
          %select_n3A_539 = arith.select %or3A_536, %add3A_538, %while3A_189 : i32
          %ne3A_540 = arith.cmpi ne, %add3A_213, %add3A_231 : i32
          %or3A_541 = arith.constant false
          %or3A_542 = arith.ori %or3A_541, %ne3A_540 : i1
          %or3A_543 = arith.constant false
          %or3A_544 = arith.ori %or3A_542, %or3A_543 : i1
          %or3A_545 = arith.ori %or3A_544, %eq3A_212 : i1
          %add3A_546 = arith.constant 1 : i32
          %add3A_547 = arith.addi %while3A_191, %add3A_546 : i32
          %select_n3A_548 = arith.select %or3A_545, %add3A_547, %while3A_191 : i32
          %or3A_549 = arith.constant false
          %or3A_550 = arith.ori %or3A_549, %eq3A_212 : i1
          %add3A_551 = arith.constant 1 : i32
          %add3A_552 = arith.addi %while3A_192, %add3A_551 : i32
          %select_n3A_553 = arith.select %or3A_550, %add3A_552, %while3A_192 : i32
          %or3A_554 = arith.constant false
          %or3A_555 = arith.ori %or3A_554, %eq3A_212 : i1
          %add3A_556 = arith.constant 1 : i32
          %add3A_557 = arith.addi %while3A_193, %add3A_556 : i32
          %select_n3A_558 = arith.select %or3A_555, %add3A_557, %while3A_193 : i32
          %or3A_559 = arith.constant false
          %or3A_560 = arith.ori %or3A_559, %eq3A_212 : i1
          %add3A_561 = arith.constant 1 : i32
          %add3A_562 = arith.addi %while3A_194, %add3A_561 : i32
          %select_n3A_563 = arith.select %or3A_560, %add3A_562, %while3A_194 : i32
          %or3A_564 = arith.constant false
          %or3A_565 = arith.ori %or3A_564, %eq3A_212 : i1
          %add3A_566 = arith.constant 1 : i32
          %add3A_567 = arith.addi %while3A_195, %add3A_566 : i32
          %select_n3A_568 = arith.select %or3A_565, %add3A_567, %while3A_195 : i32
          %or3A_569 = arith.constant false
          %or3A_570 = arith.ori %or3A_569, %eq3A_212 : i1
          %add3A_571 = arith.constant 1 : i32
          %add3A_572 = arith.addi %while3A_196, %add3A_571 : i32
          %select_n3A_573 = arith.select %or3A_570, %add3A_572, %while3A_196 : i32
          %or3A_574 = arith.constant false
          %or3A_575 = arith.ori %or3A_574, %eq3A_212 : i1
          %add3A_576 = arith.constant 1 : i32
          %add3A_577 = arith.addi %while3A_197, %add3A_576 : i32
          %select_n3A_578 = arith.select %or3A_575, %add3A_577, %while3A_197 : i32
          %or3A_579 = arith.constant false
          %or3A_580 = arith.ori %or3A_579, %eq3A_212 : i1
          %add3A_581 = arith.constant 1 : i32
          %add3A_582 = arith.addi %while3A_198, %add3A_581 : i32
          %select_n3A_583 = arith.select %or3A_580, %add3A_582, %while3A_198 : i32
          %or3A_584 = arith.constant false
          %or3A_585 = arith.ori %or3A_584, %eq3A_212 : i1
          %add3A_586 = arith.constant 1 : i32
          %add3A_587 = arith.addi %while3A_199, %add3A_586 : i32
          %select_n3A_588 = arith.select %or3A_585, %add3A_587, %while3A_199 : i32
          %or3A_589 = arith.constant false
          %or3A_590 = arith.ori %or3A_589, %eq3A_212 : i1
          %add3A_591 = arith.constant 1 : i32
          %add3A_592 = arith.addi %while3A_200, %add3A_591 : i32
          %select_n3A_593 = arith.select %or3A_590, %add3A_592, %while3A_200 : i32
          %or3A_594 = arith.constant false
          %or3A_595 = arith.ori %or3A_594, %eq3A_212 : i1
          %add3A_596 = arith.constant 1 : i32
          %add3A_597 = arith.addi %while3A_201, %add3A_596 : i32
          %select_n3A_598 = arith.select %or3A_595, %add3A_597, %while3A_201 : i32
          %or3A_599 = arith.constant false
          %or3A_600 = arith.ori %or3A_599, %eq3A_212 : i1
          %add3A_601 = arith.constant 1 : i32
          %add3A_602 = arith.addi %while3A_202, %add3A_601 : i32
          %select_n3A_603 = arith.select %or3A_600, %add3A_602, %while3A_202 : i32
          %add3A_604 = arith.constant 1 : i32
          %add3A_605 = arith.addi %while3A_205, %add3A_604 : i32
          %select_n3A_606 = arith.constant true
          %select_n3A_607 = arith.select %select_n3A_606, %add3A_605, %while3A_205 : i32
          %eq3A_608 = arith.cmpi eq, %select_n3A_607, %select_n3A : i32
          %select_n3A_609 = arith.constant 0 : i32
          %select_n3A_610 = arith.select %eq3A_608, %select_n3A_609, %select_n3A_607 : i32
          scf.yield %select_n3A_255, %select_n3A_539, %select_n3A_276, %select_n3A_548, %select_n3A_553, %select_n3A_558, %select_n3A_563, %select_n3A_568, %select_n3A_573, %select_n3A_578, %select_n3A_583, %select_n3A_588, %select_n3A_593, %select_n3A_598, %select_n3A_603, %select_n3A_488, %select_n3A_530, %select_n3A_610 : i32, i32, i32, i32, i32, i32, i32, i32, i32, i32, i32, i32, i32, i32, i32, i32, i32, i32
        }
        %sub3A_133 = arith.constant 1 : i32
        %sub3A_134 = arith.subi %while3A_132#17, %sub3A_133 : i32
        %select_n3A_135 = arith.constant true
        %select_n3A_136 = arith.select %select_n3A_135, %sub3A_134, %while3A_132#17 : i32
        %eq3A_137 = arith.constant -1 : i32
        %eq3A_138 = arith.cmpi eq, %select_n3A_136, %eq3A_137 : i32
        %sub3A_139 = arith.constant 1 : i32
        %sub3A_140 = arith.subi %select_n3A, %sub3A_139 : i32
        %select_n3A_141 = arith.select %eq3A_138, %sub3A_140, %select_n3A_136 : i32
        %sub3A_142 = arith.constant 1 : i32
        %sub3A_143 = arith.subi %mul3A_9, %sub3A_142 : i32
        %mul3A_144 = arith.constant 1 : i32
        %mul3A_145 = arith.muli %mul3A_144, %select_n3A : i32
        %eq3A_146 = arith.constant 0 : i32
        %eq3A_147 = arith.cmpi eq, %sub3A_143, %eq3A_146 : i32
        %sub3A_148 = arith.constant 1 : i32
        %sub3A_149 = arith.subi %mul3A_145, %sub3A_148 : i32
        %eq3A_150 = arith.cmpi eq, %sub3A_143, %sub3A_149 : i32
        %add3A_151 = arith.addi %select_n3A_141, %select_n3A_7 : i32
        %sub3A_152 = arith.constant 1 : i32
        %sub3A_153 = arith.subi %select_n3A_141, %sub3A_152 : i32
        %select_n3A_154 = arith.constant true
        %select_n3A_155 = arith.select %select_n3A_154, %sub3A_153, %select_n3A_141 : i32
        %eq3A_156 = arith.constant -1 : i32
        %eq3A_157 = arith.cmpi eq, %select_n3A_155, %eq3A_156 : i32
        %sub3A_158 = arith.constant 1 : i32
        %sub3A_159 = arith.subi %select_n3A, %sub3A_158 : i32
        %select_n3A_160 = arith.select %eq3A_157, %sub3A_159, %select_n3A_155 : i32
        %add3A_161 = arith.addi %select_n3A_160, %select_n3A_7 : i32
        %add3A_162 = arith.constant 1 : i32
        %add3A_163 = arith.addi %select_n3A_141, %add3A_162 : i32
        %select_n3A_164 = arith.constant true
        %select_n3A_165 = arith.select %select_n3A_164, %add3A_163, %select_n3A_141 : i32
        %eq3A_166 = arith.cmpi eq, %select_n3A_165, %select_n3A : i32
        %select_n3A_167 = arith.constant 0 : i32
        %select_n3A_168 = arith.select %eq3A_166, %select_n3A_167, %select_n3A_165 : i32
        %add3A_169 = arith.addi %select_n3A_168, %select_n3A_7 : i32
        %add3A_170 = arith.constant 1 : i32
        %add3A_171 = arith.addi %select_n3A_168, %add3A_170 : i32
        %select_n3A_172 = arith.constant true
        %select_n3A_173 = arith.select %select_n3A_172, %add3A_171, %select_n3A_168 : i32
        %eq3A_174 = arith.cmpi eq, %select_n3A_173, %select_n3A : i32
        %select_n3A_175 = arith.constant 0 : i32
        %select_n3A_176 = arith.select %eq3A_174, %select_n3A_175, %select_n3A_173 : i32
        %add3A_177 = arith.addi %select_n3A_176, %select_n3A_7 : i32
        %convert_element_type3A_178 = arith.extui %eq3A_150 : i1 to i32
        %cond3A_179 = arith.constant 0 : i32
        %cond3A_180 = arith.cmpi ne, %convert_element_type3A_178, %cond3A_179 : i32
        scf.if %cond3A_180 {
        } else {
        }
        %convert_element_type3A_181 = arith.extui %eq3A_150 : i1 to i32
        %cond3A_182 = arith.constant 0 : i32
        %cond3A_183 = arith.cmpi ne, %convert_element_type3A_181, %cond3A_182 : i32
        scf.if %cond3A_183 {
        } else {
        }
        %convert_element_type3A_184 = arith.extui %eq3A_150 : i1 to i32
        %cond3A_185 = arith.constant 0 : i32
        %cond3A_186 = arith.cmpi ne, %convert_element_type3A_184, %cond3A_185 : i32
        scf.if %cond3A_186 {
          "tpu.trace_start"() <{level = 10 : i32, message = "ep_finalize"}> : () -> ()
          %rem3A_187 = arith.constant 2 : i32
          %rem3A_188 = arith.remui %while3A_132#16, %rem3A_187 : i32
          %mul3A_189 = arith.constant 2560 : i32
          %mul3A_190 = arith.muli %mul3A_189, %add3A_151 : i32
          %dma_wait3A = tpu.memref_slice %run_scoped3A_25[%rem3A_188] : memref<2x!tpu.dma_semaphore, #tpu.memory_space<semaphore_mem>> -> memref<1x!tpu.dma_semaphore, #tpu.memory_space<semaphore_mem>>
          %dma_wait3A_191 = tpu.memref_squeeze %dma_wait3A : memref<1x!tpu.dma_semaphore, #tpu.memory_space<semaphore_mem>> -> memref<!tpu.dma_semaphore, #tpu.memory_space<semaphore_mem>>
          %dma_wait3A_192 = arith.constant 0 : i32
          %dma_wait3A_193 = tpu.memref_slice %arg14[%mul3A_190, %dma_wait3A_192] : memref<320000x128xf32, #tpu.memory_space<any>> -> memref<2560x128xf32, #tpu.memory_space<any>>
          %dma_wait3A_194 = arith.constant 0 : i32
          %dma_wait3A_195 = arith.constant 0 : i32
          %dma_wait3A_196 = tpu.memref_slice %run_scoped3A_24[%rem3A_188, %dma_wait3A_194, %dma_wait3A_195] : memref<2x2560x128xf32, #tpu.memory_space<vmem>> -> memref<1x2560x128xf32, #tpu.memory_space<vmem>>
          %dma_wait3A_197 = tpu.memref_squeeze %dma_wait3A_196 : memref<1x2560x128xf32, #tpu.memory_space<vmem>> -> memref<2560x128xf32, #tpu.memory_space<vmem>>
          tpu.wait_dma2 semaphore(%dma_wait3A_191 : memref<!tpu.dma_semaphore, #tpu.memory_space<semaphore_mem>>) src(%dma_wait3A_197 : memref<2560x128xf32, #tpu.memory_space<vmem>>) dst(%dma_wait3A_193 : memref<2560x128xf32, #tpu.memory_space<any>>)
          "tpu.trace_stop"() : () -> ()
        } else {
        }
      } else {
      }
      tpu.yield
    }) : () -> ()
    return
  }
}

module attributes {stable_mosaic.version = 14 : i64} {
  func.func @_combine_body(%arg0: memref<2x10000x32xf32, #tpu.memory_space<vmem>>, %arg1: memref<10000x32xf32, #tpu.memory_space<vmem>>) attributes {dimension_semantics = [], scalar_prefetch = 0 : i64, scratch_operands = 0 : i64, tpu.core_type = #tpu.core_type<tc>} {
    %get3A = arith.constant 0 : index
    %get3A_0 = arith.constant 0 : index
    %get3A_1 = arith.constant 0 : index
    %get3A_2 = vector.load %arg0[%get3A, %get3A_0, %get3A_1] : memref<2x10000x32xf32, #tpu.memory_space<vmem>>, vector<1x10000x32xf32>
    %get3A_3 = vector.shape_cast %get3A_2 : vector<1x10000x32xf32> to vector<10000x32xf32>
    %get3A_4 = arith.constant 1 : index
    %get3A_5 = arith.constant 0 : index
    %get3A_6 = arith.constant 0 : index
    %get3A_7 = vector.load %arg0[%get3A_4, %get3A_5, %get3A_6] : memref<2x10000x32xf32, #tpu.memory_space<vmem>>, vector<1x10000x32xf32>
    %get3A_8 = vector.shape_cast %get3A_7 : vector<1x10000x32xf32> to vector<10000x32xf32>
    %add3A = arith.addf %get3A_3, %get3A_8 : vector<10000x32xf32>
    %swap3A = arith.constant 0 : index
    %swap3A_9 = arith.constant 0 : index
    %swap3A_10 = vector.load %arg1[%swap3A, %swap3A_9] : memref<10000x32xf32, #tpu.memory_space<vmem>>, vector<10000x32xf32>
    tpu.vector_store %arg1[%swap3A, %swap3A_9], %add3A {strides = array<i32>} : memref<10000x32xf32, #tpu.memory_space<vmem>>, vector<10000x32xf32>,
    return
  }
}

</mosaic_0001>

<sc_bundles>
// kernel: kernel.6.cloned.1.call-start
scs
__scs_entry_jumppad:
0x0: {  	(pc) =	sbr.rel $0x88, $3  }
0x1: {  	(tag) =	ssettag $0x0;
	lr =	simm.s32 $0x1  }
0x2: {  	[smem:$0x3F9B] =	sst lr;
	_ =	strace $0xD0000000  }
0x3: {  	_ = 	snop  }
0x4: {  	_ = 	snop  }
0x5: {  	_ = 	snop  }
0x6: {  	_ = 	snop  }
0x7: {  	_ = 	snop  }
__scs_overlays_trampoline_lowered:
0x8: {  	[smem:$0x3FAA] =	sst s0  }
0x9: {  	[smem:$0x3FAB] =	sst s1  }
0xa: {  	[smem:$0x3FAC] =	sst s2  }
0xb: {  	[smem:$0x3FAD] =	sst s3  }
0xc: {  	[smem:$0x3FAE] =	sst s4  }
0xd: {  	[smem:$0x3FAF] =	sst s5  }
0xe: {  	[smem:$0x3FB0] =	sst s6  }
0xf: {  	[smem:$0x3FB1] =	sst s7  }
0x10: {  	[smem:$0x3FB2] =	sst s8  }
0x11: {  	[smem:$0x3FB3] =	sst s9;
	s0 =	simm.s32 @!p0 $0x0  }
0x12: {  	s1 =	sld [smem:$0x3F99];
	s0 =	simm.s32 @p0 $0x1  }
0x13: {  	[smem:$0x3FB4] =	sst s0;
	s0 =	simm.s32 @!p1 $0x0  }
0x14: {  	s2 =	sld [smem:$0x3F98];
	s0 =	simm.s32 @p1 $0x1  }
0x15: {  	[smem:$0x3FB5] =	sst s0;
	s0 =	simm.s32 @!p2 $0x0  }
0x16: {  	s3 =	sld [smem:$0x3FDB];
	s0 =	simm.s32 @p2 $0x1  }
0x17: {  	s4 =	simm.s32 $0x1BF5;
	[smem:$0x3FB7] =	sst s0  }
0x18: {  	s0 =	sld [smem:$0x3F9A];
	_ =	swait.ge [sflag:s4], $0x0  }
0x19: {  	s7 =	sld [smem:$0x3F9B]  }
0x1a: {  	s8 =	sadd.s32 $0xFFFFE003, lr  }
0x1b: {  	s9 =	sadd.s32 $0xFFFFFEF7, lr;
	s5 =	simm.s32 $0xFFFFFFFF;
	p2 =	slt.u32 s8, $0xFFFFF086  }
0x1c: {  	p1 =	slt.u32 s9, $0xF7A;
	s5 =	simm.s32 @!p2 $0x0  }
0x1d: {  	s5 =	simm.s32 @p1 $0x1;
	p0 =	seq.s32 s7, s2  }
0x1e: {  	s7 =	smul.u32 @!p0 $0xF7A, s2;
	p2 =	seq.s32 @!p0 s5, $0x0  }
0x1f: {  	s9 =	smul.u32 $0xF7A, s1;
	s8 =	simm.s32 @!p0 $0x1BF5;
	p2 =	por !p2, p0  }
0x20: {  	[sflag:s8] =	ssyncset.s32 @!p0 $0xFFFFF086;
	s6 =	sadd.s32 @!p0 s3, s7;
	s7 =	simm.s32 @!p0 $0x108  }
0x21: {  	s3 =	sadd.s32 s3, s9;
	s6 =	sadd.s32 @!p0 $0x88, s6;
	s7 =	simm.s32 @p2 $0x1082  }
0x22: {  	[simem:s7], [sflag:s8] =	dma.local @!p0 [hbm:s6], $0xF7A  }
0x23: {  	s9 =	sor.u32 $0xD0000000, s2;
	s6 =	simm.s32 $0x108;
	_ =	swait.ge @!p0 [sflag:s8], $0x0  }
0x24: {  	s3 =	sadd.s32 $0x88, s3;
	s6 =	simm.s32 @!p1 $0x1082;
	[sflag:s4] =	ssyncset.s32 $0xFFFFF086  }
0x25: {  	[simem:s6], [sflag:s4] =	dma.local [hbm:s3], $0xF7A  }
0x26: {  	[smem:$0x3F9B] =	sst s1;
	(tag) =	ssettag s2;
	_ =	strace s9  }
0x27: {  	s1 =	sld [smem:$0x3FAB]  }
0x28: {  	s2 =	sld [smem:$0x3FAC]  }
0x29: {  	s4 =	sld [smem:$0x3FAE]  }
0x2a: {  	p0 =	seq.s32 s5, $0x0;
	s5 =	sld [smem:$0x3FAF]  }
0x2b: {  	s6 =	sld [smem:$0x3FB0]  }
0x2c: {  	s7 =	sld [smem:$0x3FB1]  }
0x2d: {  	s3 =	simm.s32 $0x108;
	s8 =	sld [smem:$0x3FB2]  }
0x2e: {  	s3 =	simm.s32 @!p0 $0x1082;
	s9 =	sld [smem:$0x3FB3]  }
0x2f: {  	lr =	sadd.s32 s0, s3;
	s0 =	sld [smem:$0x3FAA]  }
0x30: {  	s3 =	sld [smem:$0x3FAD]  }
0x31: {  	[smem:$0x3FB6] =	sst s10  }
0x32: {  	s10 =	sld [smem:$0x3FB4];
	_ =	sdelay $0x3  }
0x33: {  	p0 =	seq.s32 s10, $0x1;
	s10 =	sld [smem:$0x3FB6];
	_ =	sdelay $0x3  }
0x34: {  	[smem:$0x3FB6] =	sst s10  }
0x35: {  	s10 =	sld [smem:$0x3FB5];
	_ =	sdelay $0x3  }
0x36: {  	p1 =	seq.s32 s10, $0x1;
	s10 =	sld [smem:$0x3FB6];
	_ =	sdelay $0x3  }
0x37: {  	[smem:$0x3FB6] =	sst s10  }
0x38: {  	s10 =	sld [smem:$0x3FB7]  }
0x39: {  	_ = 	snop;
	(pc) =	sbr.ind lr, $3  }
0x3a: {  	_ = 	snop  }
0x3b: {  	_ = 	snop  }
0x3c: {  	p2 =	seq.s32 s10, $0x1;
	s10 =	sld [smem:$0x3FB6]  }
0x3d: {  	_ =	shalt  }
0x3e: {  	_ =	shalt  }
0x3f: {  	_ =	shalt  }
0x40: {  	_ =	shalt  }
0x41: {  	_ =	shalt  }
0x42: {  	_ =	shalt  }
0x43: {  	_ =	shalt  }
0x44: {  	_ =	shalt  }
0x45: {  	_ =	shalt  }
0x46: {  	_ =	shalt  }
0x47: {  	_ =	shalt  }
0x48: {  	_ =	shalt  }
0x49: {  	_ =	shalt  }
0x4a: {  	_ =	shalt  }
0x4b: {  	_ =	shalt  }
0x4c: {  	_ =	shalt  }
0x4d: {  	_ =	shalt  }
0x4e: {  	_ =	shalt  }
0x4f: {  	_ =	shalt  }
0x50: {  	_ =	shalt  }
0x51: {  	_ =	shalt  }
0x52: {  	_ =	shalt  }
0x53: {  	_ =	shalt  }
0x54: {  	_ =	shalt  }
0x55: {  	_ =	shalt  }
0x56: {  	_ =	shalt  }
0x57: {  	_ =	shalt  }
0x58: {  	_ =	shalt  }
0x59: {  	_ =	shalt  }
0x5a: {  	_ =	shalt  }
0x5b: {  	_ =	shalt  }
0x5c: {  	_ =	shalt  }
0x5d: {  	_ =	shalt  }
0x5e: {  	_ =	shalt  }
0x5f: {  	_ =	shalt  }
0x60: {  	_ =	shalt  }
0x61: {  	_ =	shalt  }
0x62: {  	_ =	shalt  }
0x63: {  	_ =	shalt  }
0x64: {  	_ =	shalt  }
0x65: {  	_ =	shalt  }
0x66: {  	_ =	shalt  }
0x67: {  	_ =	shalt  }
0x68: {  	_ =	shalt  }
0x69: {  	_ =	shalt  }
0x6a: {  	_ =	shalt  }
0x6b: {  	_ =	shalt  }
0x6c: {  	_ =	shalt  }
0x6d: {  	_ =	shalt  }
0x6e: {  	_ =	shalt  }
0x6f: {  	_ =	shalt  }
0x70: {  	_ =	shalt  }
0x71: {  	_ =	shalt  }
0x72: {  	_ =	shalt  }
0x73: {  	_ =	shalt  }
0x74: {  	_ =	shalt  }
0x75: {  	_ =	shalt  }
0x76: {  	_ =	shalt  }
0x77: {  	_ =	shalt  }
0x78: {  	_ =	shalt  }
0x79: {  	_ =	shalt  }
0x7a: {  	_ =	shalt  }
0x7b: {  	_ =	shalt  }
0x7c: {  	_ =	shalt  }
0x7d: {  	_ =	shalt  }
0x7e: {  	_ =	shalt  }
0x7f: {  	_ =	shalt  }
0x80: {  	_ =	shalt  }
0x81: {  	_ =	shalt  }
0x82: {  	_ =	shalt  }
0x83: {  	_ =	shalt  }
0x84: {  	_ =	shalt  }
0x85: {  	_ =	shalt  }
0x86: {  	_ =	shalt  }
0x87: {  	_ =	shalt  }
.Lfunc_end0:
.L_simem_size_0:
called_computation_lowered:
.L_overlay_start_0:
0x88: {  	s2 =	sld [smem:$0x3FD9]  }
0x89: {  	s3 =	sld [smem:$0x3FFE];
	_ =	sdelay $0x1  }
0x8a: {  	s1 =	srdreg.scid  }
0x8b: {  	s0 =	sand.u32 $0x1, s1  }
0x8c: {  	s17 =	sshll.u32 s0, $0xA;
	s2 =	sadd.s32 s3, s2  }
0x8d: {  	s2 =	sadd.s32 s2, s17  }
0x8e: {  	[smem:$0x3FC2] =	sst s2  }
0x8f: {  	_ = 	snop  }
0x90: {  	s2 =	sld [smem:$0x3FC8]  }
0x91: {  	s18 =	sld [smem:$0x3FD0];
	(tm) =	ssettm $0x1  }
0x92: {  	s4 =	sld [smem:$0x3FFB];
	_ =	sdelay $0x3  }
0x93: {  	_ =	strace s4  }
0x94: {  	s4 =	sld [smem:$0x3FFC];
	_ =	sdelay $0x3  }
0x95: {  	_ =	strace s4  }
0x96: {  	s4 =	sld [smem:$0x3FFD];
	_ =	sdelay $0x3  }
0x97: {  	_ =	strace s4  }
0x98: {  	_ =	strace $0x8FFFFFFF  }
0x99: {  	s19 =	sld [smem:$0x3FDB];
	_ =	sdelay $0x1  }
0x9a: {  	s5 =	simm.s32 $_scs_section_size  }
0x9b: {  	s6 =	simm.s32 $_size__tile_overlayer_lowered;
	s7 =	simm.s32 $_tile_overlayer_lowered  }
0x9c: {  	s22 =	simm.s32 $0x1BFF;
	s21 =	sshll.u32 s7, $0x1;
	s4 =	sadd.s32 s5, s19  }
0x9d: {  	s8 =	simm.s32 $0x0;
	s20 =	sshll.u32 s6, $0x1;
	s6 =	sadd.s32 s21, s4  }
0x9e: {  	[timem:s8], [sflag:s22] =	dma.local [hbm:s6], s20  }
0x9f: {  	_ =	swait.ge [sflag:s22], s20  }
0xa0: {  	s5 =	ssub.s32 $0x0, s20;
	[sflag:s22] =	ssyncset.done $0x0  }
0xa1: {  	[sflag:s22] =	ssyncadd.s32 s5;
	_ =	sdelay $0x1  }
0xa2: {  	s23 =	simm.s32 $0x1B8B  }
0xa3: {  	_ =	swait.ge [sflag:s23], $0x1  }
0xa4: {  	[sflag:s23] =	ssyncset.done $0x0  }
0xa5: {  	s25 =	simm.s32 $0x1B8E;
	s24 =	sld [smem:$0x3FFE];
	[sflag:s23] =	ssyncadd.s32 $0xFFFFFFFF  }
0xa6: {  	s26 =	simm.s32 $execute0_lowered;
	[smem:$0x3FD2] =	sst s25  }
0xa7: {  	s6 =	sshll.u32 s26, $0x1;
	_ =	strace $0x80000046;
	[dreg:$0x1] =	wrdreg $0xFFFFFFFF  }
0xa8: {  	s28 =	simm.s32 $_size_execute0_lowered;
	s4 =	sadd.s32 s4, s6;
	[dreg:$0x0] =	wrdreg $0x0  }
0xa9: {  	s6 =	sshll.u32 s28, $0x1;
	[dreg:$0x2] =	wrdreg s4  }
0xaa: {  	[dreg:$0x3] =	wrdreg s6  }
0xab: {  	[dreg:$0x4] =	wrdreg $0xC0  }
0xac: {  	_ =	task [dreg:s8], $0x5FFFF  }
0xad: {  	[dreg:$0x1] =	wrdreg $0xFFFFFFFF  }
0xae: {  	[dreg:$0x0] =	wrdreg $0x60  }
0xaf: {  	[dreg:$0x2] =	wrdreg s18  }
0xb0: {  	[dreg:$0x3] =	wrdreg s2  }
0xb1: {  	[dreg:$0x4] =	wrdreg s24  }
0xb2: {  	[dreg:$0x5] =	wrdreg $0x9  }
0xb3: {  	_ =	task.clear_ibuf [dreg:s8], $0x6FFFF;
	_ =	strace $0x90000046  }
0xb4: {  	s29 =	simm.s32 $0x9;
	_ =	strace $0x8000004F  }
0xb5: {  	_ =	swait.ge [sflag:s29], $0x1  }
0xb6: {  	[sflag:s29] =	ssyncadd.s32 $0xFFFFFFFF  }
0xb7: {  	_ =	strace $0x9000004F  }
0xb8: {  	_ =	sfence  }
0xb9: {  	s30 =	sld [smem:$0x0];
	_ =	sdelay $0x2  }
0xba: {  	s31 =	sshll.u32 s1, $0xD;
	s1 =	sshrl.u32 s1, $0x2  }
0xbb: {  	s3 =	sand.u32 $0x4000, s31;
	s1 =	sadd.s32 s1, s30  }
0xbc: {  	s0 =	sor.u32 s3, s0;
	s1 =	sshll.u32 s1, $0x11  }
0xbd: {  	s0 =	sor.u32 s1, s0  }
0xbe: {  	s0 =	sadd.s32 $0x8F2B, s0  }
0xbf: {  	[sflag:s0] =	ssyncadd.remote.s32 $0x1  }
0xc0: {  	_ =	sfence.sel $0xFFFF  }
0xc1: {  	[dreg:$0x0] =	wrdreg $0xFFFFFFFF;
	(pc) =	sbr.abs _section_cstart, $3  }
0xc2: {  	[dreg:$0x1] =	wrdreg $0xFFFFFFFF  }
0xc3: {  	_ =	task.clear_ibuf [dreg:s8], $0x2FFFF;
	_ =	strace $0x9FFFFFFF  }
0xc4: {  	(tm) =	ssettm $0x7FFFFFFF  }
0xc5: {  	_ =	shalt  }
tec
execute0_lowered:
.L_overlay_start_1:
0x0: {  	(tag) =	ssettag $0x1  }
0x1: {  	s0 =	rddreg [dreg:$0x0]  }
0x2: {  	s28 =	srdreg.scid;
	s2 =	rddreg [dreg:$0x1]  }
0x3: {  	s4 =	rddreg [dreg:$0x2];
	s1 =	stileid.u32  }
0x4: {  	s3 =	simm.s32 $0x0;
	[dreg:$0x4] =	wrdreg s0;
	s5 =	sand.u32 $0x1, s28  }
0x5: {  	s10 =	simm.s32 $0x80;
	s0 =	rddreg [dreg:$0x3];
	s6 =	sshll.u32 s5, $0x4  }
0x6: {  	s11 =	simm.s32 $0x0;
	[smem:$0x7FF] =	sst s3;
	s6 =	sor.u32 s1, s6  }
0x7: {  	s9 =	sadd.s32 $0x1E00, s4;
	_ =	strace $0x80000047;
	s7 =	smul.u32 $0x4E, s6  }
0x8: {  	[dreg:$0x6] =	wrdreg s9;
	s29 =	ssub.s32 $0x2, s5;
	s8 =	smul.u32 $0x4F, s6  }
0x9: {  	s5 =	simm.s32 $0x4F;
	p0 =	slt.u32 s6, $0x4;
	s4 =	sadd.s32 $0x4, s7  }
0xa: {  	s9 =	simm.s32 $0x1;
	[dreg:$0x5] =	wrdreg s10;
	s4 =	smov.u32 @p0 s8  }
0xb: {  	s10 =	simm.s32 $0x5;
	s31 =	sshrl.u32 s29, $0x1;
	s30 =	sshll.u32 s4, $0x4  }
0xc: {  	s5 =	simm.s32 @!p0 $0x4E;
	s8 =	ssub.s32 s29, s31;
	s7 =	sand.u32 $0x1FFFFFF0, s30  }
0xd: {  	s8 =	smax.u32 s8, $0x1;
	s6 =	sadd.s32 s2, s7;
	s7 =	sadd.s32 $0xFFFFFFFF, s5  }
.LBB2_1:
0xe: {  	_ =	strace $0x80000048;
	p2 =	sne.s32 s5, $0x1  }
.Ltmp0:
0xf: {  	p0 =	seq.s32 s5, $0x1;
	s14 =	simm.s32 $0x1;
	(pc) =	sbr.rel @!p2 .LBB2_2-.Ltmp0, $4  }
0x10: {  	[tilespmem:s3], [sflag:$0x1] =	stream.linear.gather [hbm4b:s6+s3], $0x80, $0x200038;
	[tilespmem:$0x2100] =	vst v63  }
0x11: {  	s14 =	simm.s32 @p0 $0x0  }
0x12: {  	p6 =	sgt.u32 s7, $0x0;
	s12 =	simm.s32 $0x1;
	p1 =	sne.s32 s14, $0x0  }
0x13: {  	p5 =	por $0x0, $0x0;
	_ =	strace $0x90000048;
	p3 =	por !p6, !p1  }
0x14: {  	p2 =	por !p3, !p3  }
0x15: {  	s13 =	sadd.s32 @p2 s4, s14  }
0x16: {  	s21 =	sand.u32 $0x1, s3;
	s15 =	sand.u32 @p2 $0x1, s9;
	s13 =	sshll.u32 @p2 s13, $0x4  }
0x17: {  	_ =	strace @p2 $0x80000049;
	s17 =	simm.s32 @p2 $0x0;
	s13 =	sand.u32 @p2 $0x1FFFFFF0, s13  }
0x18: {  	s16 =	sshll.u32 @p2 s15, $0x7;
	s15 =	sadd.s32 @p2 $0x1, s15;
	s13 =	sadd.s32 @p2 s2, s13  }
0x19: {  	[tilespmem:s16], [sflag:s15] =	stream.linear.gather @p2 [hbm4b:s13+s17], $0x80, $0x200038;
	[tilespmem:$0x2100] =	vst v63  }
0x1a: {  	s18 =	simm.s32 $0x2;
	p0 =	por p1, p1;
	_ =	strace @p2 $0x90000049  }
0x1b: {  	p4 =	sne.s32 s5, $0x2;
	s26 =	sadd.s32 $0x1, s21;
	_ =	strace $0x8000004A  }
0x1c: {  	s20 =	simm.s32 $0x0;
	s19 =	sadd.s32 $0x1, s14;
	_ =	swait.ge [sflag:s26], $0x80  }
0x1d: {  	p6 =	sgt.u32 s7, $0x1;
	p5 =	por $0x0, $0x0;
	[sflag:s26] =	ssyncset.done $0x0  }
0x1e: {  	s24 =	simm.s32 $0x1;
	s23 =	simm.s32 $0x0;
	[sflag:s26] =	ssyncadd.s32 $0xFFFFFF80  }
0x1f: {  	s30 =	sshll.u32 s21, $0xC;
	s31 =	sand.u32 $0x80, s20;
	_ =	strace $0x9000004A  }
0x20: {  	p1 =	seq.s32 s19, s5;
	s24 =	simm.s32 @!p5 $0x0;
	_ =	strace $0x8000004B  }
0x21: {  	s20 =	simm.s32 $0x0;
	s19 =	simm.s32 @p1 $0x0;
	s28 =	rddreg [dreg:$0x4]  }
0x22: {  	s22 =	sor.u32 $0x100, s30;
	p1 =	sne.s32 s14, s19;
	s29 =	rddreg [dreg:$0x5]  }
0x23: {  	[tilespmem:s22], [sflag:$0x5] =	stream.indirect.gather [hbm4b:s28+s29], $0x20, s31, s29, $0x2000b8;
	[tilespmem:$0x2100] =	vst v63  }
.Ltmp1:
0x24: {  	p3 =	por !p6, !p1;
	p6 =	seq.s32 s7, $0x0;
	(pc) =	sbr.rel @!p4 .LBB2_4-.Ltmp1, $4  }
0x25: {  	s13 =	simm.s32 $0x1;
	p6 =	por p6, p0;
	_ =	swait.ge [sflag:s10], $0x1000  }
0x26: {  	s17 =	simm.s32 $0x0;
	s15 =	simm.s32 $0x0;
	[sflag:s10] =	ssyncset.done $0x0  }
0x27: {  	s13 =	simm.s32 @!p2 $0x0;
	p2 =	por $0x1, $0x1;
	[sflag:s10] =	ssyncadd.s32 $0xFFFFF000  }
0x28: {  	s16 =	sadd.s32 $0x1, s13;
	s13 =	simm.s32 $0x0;
	_ =	strace $0x9000004B  }
.LBB2_5:
0x29: {  	_ =	strace @p6 $0x8000004C  }
0x2a: {  	s13 =	sadd.s32 s24, s13;
	s24 =	smov.u32 s12;
	s23 =	sadd.s32 s4, s23  }
0x2b: {  	p5 =	por p1, p1;
	s26 =	simm.s32 @p6 $0x80;
	s23 =	sshll.u32 @p6 s23, $0xB  }
0x2c: {  	s28 =	simm.s32 $0x1;
	s25 =	rddreg [dreg:$0x6];
	s23 =	sand.u32 @p6 $0x1FFFF800, s23  }
0x2d: {  	s29 =	simm.s32 @p6 $0x20;
	s21 =	sadd.s32 @p6 $0x3, s21;
	s23 =	sadd.s32 @p6 s25, s23  }
0x2e: {  	[hbm4b:s23+s29] =	stream.strided.scatter @p6 [tilespmem:s22], [sflag:s21], $0x1000, s26, s29, $0x200038;
	[tilespmem:$0x2100] =	vst v63  }
0x2f: {  	s20 =	sand.u32 @!p2 $0x1, s20;
	p1 =	por !p3, !p3;
	_ =	strace @p6 $0x9000004C  }
0x30: {  	s28 =	simm.s32 @!p6 $0x0;
	s21 =	sadd.s32 @!p2 $0x3, s20;
	_ =	strace @!p2 $0x8000004D  }
0x31: {  	s17 =	sadd.s32 s28, s17;
	s23 =	smov.u32 s14;
	_ =	swait.ge @!p2 [sflag:s21], $0x1000  }
0x32: {  	s14 =	sand.u32 @p1 $0x1, s16;
	s22 =	sadd.s32 @p1 s4, s19;
	[sflag:s21] =	ssyncset.done @!p2 $0x0  }
0x33: {  	s25 =	sshll.u32 @p1 s14, $0x7;
	s22 =	sshll.u32 @p1 s22, $0x4;
	[sflag:s21] =	ssyncadd.s32 @!p2 $0xFFFFF000  }
0x34: {  	s14 =	sadd.s32 @p1 $0x1, s14;
	s21 =	sand.u32 @p1 $0x1FFFFFF0, s22;
	_ =	strace @!p2 $0x9000004D  }
0x35: {  	s22 =	simm.s32 @p1 $0x0;
	s21 =	sadd.s32 @p1 s2, s21;
	_ =	strace @p1 $0x80000049  }
0x36: {  	[tilespmem:s25], [sflag:s14] =	stream.linear.gather @p1 [hbm4b:s21+s22], $0x80, $0x200038;
	[tilespmem:$0x2100] =	vst v63  }
0x37: {  	s12 =	smov.u32 s18;
	s30 =	sand.u32 $0x1, s17;
	_ =	strace @p1 $0x90000049  }
0x38: {  	s18 =	sadd.s32 $0x1, s18;
	s26 =	sadd.s32 $0x1, s30;
	_ =	strace $0x8000004A  }
0x39: {  	p4 =	sne.s32 s5, s18;
	p0 =	sne.s32 s24, $0x0;
	_ =	swait.ge [sflag:s26], $0x80  }
0x3a: {  	s15 =	sadd.s32 s28, s15;
	s29 =	sshll.u32 s17, $0x7;
	[sflag:s26] =	ssyncset.done $0x0  }
0x3b: {  	s21 =	simm.s32 $0x1;
	s14 =	smov.u32 s19;
	[sflag:s26] =	ssyncadd.s32 $0xFFFFFF80  }
0x3c: {  	s25 =	sand.u32 $0x80, s29;
	s21 =	simm.s32 @!p1 $0x0;
	_ =	strace $0x9000004A  }
0x3d: {  	s16 =	sadd.s32 s21, s16;
	s21 =	sand.u32 $0x1, s15;
	_ =	strace $0x8000004B  }
0x3e: {  	s19 =	sadd.s32 $0x1, s19;
	s28 =	sshll.u32 s21, $0xC;
	s30 =	rddreg [dreg:$0x4]  }
0x3f: {  	p1 =	seq.s32 s19, s5;
	s22 =	sor.u32 $0x100, s28;
	s31 =	rddreg [dreg:$0x5]  }
0x40: {  	[tilespmem:s22], [sflag:$0x5] =	stream.indirect.gather [hbm4b:s30+s31], $0x20, s25, s31, $0x2000b8;
	[tilespmem:$0x2100] =	vst v63  }
.Ltmp2:
0x41: {  	s20 =	smov.u32 s13;
	s19 =	simm.s32 @p1 $0x0;
	(pc) =	sbr.rel @p4 .LBB2_5-.Ltmp2, $4  }
0x42: {  	p6 =	slt.u32 s12, s7;
	p1 =	sne.s32 s14, s19;
	_ =	swait.ge [sflag:s10], $0x1000  }
0x43: {  	p2 =	seq.s32 s24, $0x0;
	p3 =	por !p6, !p1;
	[sflag:s10] =	ssyncset.done $0x0  }
0x44: {  	p6 =	seq.s32 s7, s24;
	s24 =	simm.s32 $0x1;
	[sflag:s10] =	ssyncadd.s32 $0xFFFFF000  }
0x45: {  	p6 =	por p6, p5;
	s24 =	simm.s32 @!p0 $0x0;
	_ =	strace $0x9000004B  }
0x46: {  	s18 =	smov.u32 s14;
	s14 =	smov.u32 s19;
	p5 =	por $0x1, $0x1  }
.LBB2_7:
0x47: {  	p4 =	por !p6, !p5  }
0x48: {  	s19 =	sadd.s32 @p5 s4, s23;
	s26 =	simm.s32 $0x1;
	p2 =	por p2, !p5  }
0x49: {  	p3 =	por !p3, !p3;
	_ =	strace @!p4 $0x8000004C;
	s19 =	sshll.u32 @!p4 s19, $0xB  }
0x4a: {  	s25 =	simm.s32 @!p4 $0x80;
	s23 =	rddreg [dreg:$0x6];
	s19 =	sand.u32 @!p4 $0x1FFFF800, s19  }
0x4b: {  	s28 =	simm.s32 @!p4 $0x20;
	s21 =	sadd.s32 @!p4 $0x3, s21;
	s19 =	sadd.s32 @!p4 s23, s19  }
0x4c: {  	[hbm4b:s19+s28] =	stream.strided.scatter @!p4 [tilespmem:s22], [sflag:s21], $0x1000, s25, s28, $0x200038;
	[tilespmem:$0x2100] =	vst v63  }
0x4d: {  	s26 =	simm.s32 @p4 $0x0;
	s19 =	sand.u32 @!p2 $0x1, s20;
	_ =	strace @!p4 $0x9000004C  }
0x4e: {  	s14 =	sadd.s32 @p3 s4, s14;
	s19 =	sadd.s32 @!p2 $0x3, s19;
	_ =	strace @!p2 $0x8000004D  }
0x4f: {  	s16 =	sand.u32 @p3 $0x1, s16;
	s14 =	sshll.u32 @p3 s14, $0x4;
	_ =	swait.ge @!p2 [sflag:s19], $0x1000  }
0x50: {  	s17 =	sadd.s32 @p5 s26, s17;
	s14 =	sand.u32 @p3 $0x1FFFFFF0, s14;
	[sflag:s19] =	ssyncset.done @!p2 $0x0  }
0x51: {  	s20 =	simm.s32 $0x0;
	s14 =	sadd.s32 @p3 s2, s14;
	[sflag:s19] =	ssyncadd.s32 @!p2 $0xFFFFF000  }
0x52: {  	s20 =	smov.u32 @p5 s17;
	s17 =	sshll.u32 @p3 s16, $0x7;
	_ =	strace @!p2 $0x9000004D  }
0x53: {  	s16 =	sadd.s32 @p3 $0x1, s16;
	s19 =	simm.s32 @p3 $0x0;
	_ =	strace @p3 $0x80000049  }
0x54: {  	[tilespmem:s17], [sflag:s16] =	stream.linear.gather @p3 [hbm4b:s14+s19], $0x80, $0x200038;
	[tilespmem:$0x2100] =	vst v63  }
0x55: {  	s25 =	sand.u32 $0x1, s20;
	_ =	strace @p3 $0x90000049  }
0x56: {  	s14 =	sadd.s32 $0x1, s25;
	_ =	strace $0x8000004A  }
0x57: {  	_ =	swait.ge [sflag:s14], $0x80  }
0x58: {  	[sflag:s14] =	ssyncset.done $0x0  }
0x59: {  	[sflag:s14] =	ssyncadd.s32 $0xFFFFFF80;
	s14 =	sadd.s32 @p5 s26, s15;
	s15 =	simm.s32 $0x0  }
0x5a: {  	_ =	strace $0x9000004A;
	s15 =	smov.u32 @p5 s14  }
0x5b: {  	_ =	strace $0x8000004B;
	s15 =	sand.u32 $0x1, s15  }
0x5c: {  	s31 =	sshll.u32 s20, $0x7;
	s28 =	rddreg [dreg:$0x4];
	s30 =	sshll.u32 s15, $0xC  }
0x5d: {  	s19 =	sand.u32 $0x80, s31;
	s29 =	rddreg [dreg:$0x5];
	s17 =	sor.u32 $0x100, s30  }
0x5e: {  	[tilespmem:s17], [sflag:$0x5] =	stream.indirect.gather [hbm4b:s28+s29], $0x20, s19, s29, $0x2000b8;
	[tilespmem:$0x2100] =	vst v63  }
0x5f: {  	p0 =	por p1, p1;
	_ =	swait.ge [sflag:s10], $0x1000  }
0x60: {  	p6 =	seq.s32 s7, s12;
	s13 =	sadd.s32 @p5 s24, s13;
	[sflag:s10] =	ssyncset.done $0x0  }
0x61: {  	p1 =	por p6, p0;
	p0 =	seq.s32 s12, $0x0;
	[sflag:s10] =	ssyncadd.s32 $0xFFFFF000  }
0x62: {  	s16 =	sadd.s32 s4, s18;
	s14 =	simm.s32 $0x0;
	_ =	strace $0x9000004B  }
0x63: {  	s14 =	smov.u32 @p5 s13;
	s13 =	sshll.u32 @p1 s16, $0xB;
	_ =	strace @p1 $0x8000004C  }
0x64: {  	s16 =	simm.s32 @p1 $0x80;
	s13 =	sand.u32 @p1 $0x1FFFF800, s13;
	s18 =	rddreg [dreg:$0x6]  }
0x65: {  	s15 =	sadd.s32 @p1 $0x3, s15;
	s19 =	simm.s32 @p1 $0x20;
	s13 =	sadd.s32 @p1 s18, s13  }
0x66: {  	[hbm4b:s13+s19] =	stream.strided.scatter @p1 [tilespmem:s17], [sflag:s15], $0x1000, s16, s19, $0x200038;
	[tilespmem:$0x2100] =	vst v63  }
0x67: {  	s13 =	sand.u32 @!p0 $0x1, s14;
	_ =	strace @p1 $0x9000004C  }
0x68: {  	s13 =	sadd.s32 @!p0 $0x3, s13;
	_ =	strace @!p0 $0x8000004D  }
0x69: {  	p1 =	sne.s32 s12, $0x0;
	s12 =	simm.s32 $0x1;
	_ =	swait.ge @!p0 [sflag:s13], $0x1000  }
0x6a: {  	s12 =	simm.s32 @!p1 $0x0;
	[sflag:s13] =	ssyncset.done @!p0 $0x0  }
0x6b: {  	s11 =	sadd.s32 $0x1, s11;
	s12 =	sadd.s32 s12, s14;
	[sflag:s13] =	ssyncadd.s32 @!p0 $0xFFFFF000  }
0x6c: {  	s12 =	sand.u32 $0x1, s12;
	_ =	strace @!p0 $0x9000004D;
	p0 =	sne.s32 s11, s8  }
.Ltmp3:
0x6d: {  	s12 =	sadd.s32 $0x3, s12;
	_ =	strace $0x8000004E;
	(pc) =	sbr.rel @p0 .LBB2_1-.Ltmp3, $4  }
.Ltmp4:
0x6e: {  	_ =	swait.ge [sflag:s12], $0x1000;
	(pc) =	sbr.rel @!p0 .LBB2_8-.Ltmp4, $4  }
0x6f: {  	[sflag:s12] =	ssyncset.done $0x0  }
0x70: {  	[sflag:s12] =	ssyncadd.s32 $0xFFFFF000  }
0x71: {  	_ =	strace $0x9000004E  }
0x72: {  	_ = 	snop  }
.LBB2_2:
.Ltmp5:
0x73: {  	(pc) =	sbr.rel .LBB2_7-.Ltmp5, $3  }
0x74: {  	_ =	sdelay $0x1  }
0x75: {  	s13 =	simm.s32 $0x0;
	s12 =	simm.s32 $0x0;
	s17 =	simm.s32 $0x0  }
0x76: {  	s15 =	simm.s32 $0x0;
	s18 =	simm.s32 $0x0;
	s16 =	simm.s32 $0x1  }
.LBB2_4:
.Ltmp6:
0x77: {  	(pc) =	sbr.rel .LBB2_7-.Ltmp6, $4  }
0x78: {  	_ = 	snop  }
0x79: {  	s13 =	simm.s32 $0x0;
	s23 =	simm.s32 $0x0  }
0x7a: {  	s18 =	smov.u32 s14;
	s17 =	simm.s32 $0x0;
	s15 =	simm.s32 $0x0  }
0x7b: {  	s20 =	simm.s32 $0x0;
	s14 =	smov.u32 s19;
	p5 =	por $0x1, $0x1  }
.LBB2_8:
0x7c: {  	_ =	sfence.sel $0x180000  }
0x7d: {  	[bflag:$0x0] =	sbarrier.arrive $0xFFFF  }
0x7e: {  	p0 =	sne.s32 s1, $0x0;
	_ =	strace $0x90000047  }
0x7f: {  	s0 =	sadd.s32 @!p0 $0x100000, s0;
	[bflag:$0x2] =	sbarrier.arrive $0xFFFF  }
0x80: {  	[sflag:s0] =	ssyncadd.tile.s32 @!p0 $0x1;
	_ =	shalt  }
.Lfunc_end2:
_tile_overlayer_lowered:
.L_overlay_start_2:
0x81: {  	(tag) =	ssettag $0x2  }
0x82: {  	s0 =	rddreg [dreg:$0x0];
	s2 =	stileid.u32  }
0x83: {  	s1 =	rddreg [dreg:$0x1];
	p0 =	sne.s32 s2, $0x0  }
0x84: {  	s3 =	rddreg [dreg:$0x2];
	[bflag:$0x3] =	sbarrier.arrive $0xFFFF;
	s2 =	simm.s32 @!p0 $0x1C01  }
0x85: {  	[timem:s3], [sflag:s2] =	dma.local @!p0 [hbm:s0], s1  }
0x86: {  	s0 =	simm.s32 @!p0 $0x1  }
0x87: {  	_ =	swait.ge @!p0 [sflag:s0], s1  }
0x88: {  	s1 =	ssub.s32 @!p0 $0x0, s1;
	[sflag:s0] =	ssyncset.done @!p0 $0x0  }
0x89: {  	[sflag:s0] =	ssyncadd.s32 @!p0 s1  }
0x8a: {  	[bflag:$0x3] =	sbarrier.arrive $0xFFFF  }
0x8b: {  	_ =	shalt  }

// kernel: kernel.9.cloned.1.call-start
scs
__scs_entry_jumppad:
0x0: {  	(pc) =	sbr.rel $0x88, $3  }
0x1: {  	(tag) =	ssettag $0x0;
	lr =	simm.s32 $0x1  }
0x2: {  	[smem:$0x3F9B] =	sst lr;
	_ =	strace $0xD0000000  }
0x3: {  	_ = 	snop  }
0x4: {  	_ = 	snop  }
0x5: {  	_ = 	snop  }
0x6: {  	_ = 	snop  }
0x7: {  	_ = 	snop  }
__scs_overlays_trampoline_lowered:
0x8: {  	[smem:$0x3FAA] =	sst s0  }
0x9: {  	[smem:$0x3FAB] =	sst s1  }
0xa: {  	[smem:$0x3FAC] =	sst s2  }
0xb: {  	[smem:$0x3FAD] =	sst s3  }
0xc: {  	[smem:$0x3FAE] =	sst s4  }
0xd: {  	[smem:$0x3FAF] =	sst s5  }
0xe: {  	[smem:$0x3FB0] =	sst s6  }
0xf: {  	[smem:$0x3FB1] =	sst s7  }
0x10: {  	[smem:$0x3FB2] =	sst s8  }
0x11: {  	[smem:$0x3FB3] =	sst s9;
	s0 =	simm.s32 @!p0 $0x0  }
0x12: {  	s1 =	sld [smem:$0x3F99];
	s0 =	simm.s32 @p0 $0x1  }
0x13: {  	[smem:$0x3FB4] =	sst s0;
	s0 =	simm.s32 @!p1 $0x0  }
0x14: {  	s2 =	sld [smem:$0x3F98];
	s0 =	simm.s32 @p1 $0x1  }
0x15: {  	[smem:$0x3FB5] =	sst s0;
	s0 =	simm.s32 @!p2 $0x0  }
0x16: {  	s3 =	sld [smem:$0x3FDB];
	s0 =	simm.s32 @p2 $0x1  }
0x17: {  	s4 =	simm.s32 $0x1BF5;
	[smem:$0x3FB7] =	sst s0  }
0x18: {  	s0 =	sld [smem:$0x3F9A];
	_ =	swait.ge [sflag:s4], $0x0  }
0x19: {  	s7 =	sld [smem:$0x3F9B]  }
0x1a: {  	s8 =	sadd.s32 $0xFFFFE003, lr  }
0x1b: {  	s9 =	sadd.s32 $0xFFFFFEF7, lr;
	s5 =	simm.s32 $0xFFFFFFFF;
	p2 =	slt.u32 s8, $0xFFFFF086  }
0x1c: {  	p1 =	slt.u32 s9, $0xF7A;
	s5 =	simm.s32 @!p2 $0x0  }
0x1d: {  	s5 =	simm.s32 @p1 $0x1;
	p0 =	seq.s32 s7, s2  }
0x1e: {  	s7 =	smul.u32 @!p0 $0xF7A, s2;
	p2 =	seq.s32 @!p0 s5, $0x0  }
0x1f: {  	s9 =	smul.u32 $0xF7A, s1;
	s8 =	simm.s32 @!p0 $0x1BF5;
	p2 =	por !p2, p0  }
0x20: {  	[sflag:s8] =	ssyncset.s32 @!p0 $0xFFFFF086;
	s6 =	sadd.s32 @!p0 s3, s7;
	s7 =	simm.s32 @!p0 $0x108  }
0x21: {  	s3 =	sadd.s32 s3, s9;
	s6 =	sadd.s32 @!p0 $0x88, s6;
	s7 =	simm.s32 @p2 $0x1082  }
0x22: {  	[simem:s7], [sflag:s8] =	dma.local @!p0 [hbm:s6], $0xF7A  }
0x23: {  	s9 =	sor.u32 $0xD0000000, s2;
	s6 =	simm.s32 $0x108;
	_ =	swait.ge @!p0 [sflag:s8], $0x0  }
0x24: {  	s3 =	sadd.s32 $0x88, s3;
	s6 =	simm.s32 @!p1 $0x1082;
	[sflag:s4] =	ssyncset.s32 $0xFFFFF086  }
0x25: {  	[simem:s6], [sflag:s4] =	dma.local [hbm:s3], $0xF7A  }
0x26: {  	[smem:$0x3F9B] =	sst s1;
	(tag) =	ssettag s2;
	_ =	strace s9  }
0x27: {  	s1 =	sld [smem:$0x3FAB]  }
0x28: {  	s2 =	sld [smem:$0x3FAC]  }
0x29: {  	s4 =	sld [smem:$0x3FAE]  }
0x2a: {  	p0 =	seq.s32 s5, $0x0;
	s5 =	sld [smem:$0x3FAF]  }
0x2b: {  	s6 =	sld [smem:$0x3FB0]  }
0x2c: {  	s7 =	sld [smem:$0x3FB1]  }
0x2d: {  	s3 =	simm.s32 $0x108;
	s8 =	sld [smem:$0x3FB2]  }
0x2e: {  	s3 =	simm.s32 @!p0 $0x1082;
	s9 =	sld [smem:$0x3FB3]  }
0x2f: {  	lr =	sadd.s32 s0, s3;
	s0 =	sld [smem:$0x3FAA]  }
0x30: {  	s3 =	sld [smem:$0x3FAD]  }
0x31: {  	[smem:$0x3FB6] =	sst s10  }
0x32: {  	s10 =	sld [smem:$0x3FB4];
	_ =	sdelay $0x3  }
0x33: {  	p0 =	seq.s32 s10, $0x1;
	s10 =	sld [smem:$0x3FB6];
	_ =	sdelay $0x3  }
0x34: {  	[smem:$0x3FB6] =	sst s10  }
0x35: {  	s10 =	sld [smem:$0x3FB5];
	_ =	sdelay $0x3  }
0x36: {  	p1 =	seq.s32 s10, $0x1;
	s10 =	sld [smem:$0x3FB6];
	_ =	sdelay $0x3  }
0x37: {  	[smem:$0x3FB6] =	sst s10  }
0x38: {  	s10 =	sld [smem:$0x3FB7]  }
0x39: {  	_ = 	snop;
	(pc) =	sbr.ind lr, $3  }
0x3a: {  	_ = 	snop  }
0x3b: {  	_ = 	snop  }
0x3c: {  	p2 =	seq.s32 s10, $0x1;
	s10 =	sld [smem:$0x3FB6]  }
0x3d: {  	_ =	shalt  }
0x3e: {  	_ =	shalt  }
0x3f: {  	_ =	shalt  }
0x40: {  	_ =	shalt  }
0x41: {  	_ =	shalt  }
0x42: {  	_ =	shalt  }
0x43: {  	_ =	shalt  }
0x44: {  	_ =	shalt  }
0x45: {  	_ =	shalt  }
0x46: {  	_ =	shalt  }
0x47: {  	_ =	shalt  }
0x48: {  	_ =	shalt  }
0x49: {  	_ =	shalt  }
0x4a: {  	_ =	shalt  }
0x4b: {  	_ =	shalt  }
0x4c: {  	_ =	shalt  }
0x4d: {  	_ =	shalt  }
0x4e: {  	_ =	shalt  }
0x4f: {  	_ =	shalt  }
0x50: {  	_ =	shalt  }
0x51: {  	_ =	shalt  }
0x52: {  	_ =	shalt  }
0x53: {  	_ =	shalt  }
0x54: {  	_ =	shalt  }
0x55: {  	_ =	shalt  }
0x56: {  	_ =	shalt  }
0x57: {  	_ =	shalt  }
0x58: {  	_ =	shalt  }
0x59: {  	_ =	shalt  }
0x5a: {  	_ =	shalt  }
0x5b: {  	_ =	shalt  }
0x5c: {  	_ =	shalt  }
0x5d: {  	_ =	shalt  }
0x5e: {  	_ =	shalt  }
0x5f: {  	_ =	shalt  }
0x60: {  	_ =	shalt  }
0x61: {  	_ =	shalt  }
0x62: {  	_ =	shalt  }
0x63: {  	_ =	shalt  }
0x64: {  	_ =	shalt  }
0x65: {  	_ =	shalt  }
0x66: {  	_ =	shalt  }
0x67: {  	_ =	shalt  }
0x68: {  	_ =	shalt  }
0x69: {  	_ =	shalt  }
0x6a: {  	_ =	shalt  }
0x6b: {  	_ =	shalt  }
0x6c: {  	_ =	shalt  }
0x6d: {  	_ =	shalt  }
0x6e: {  	_ =	shalt  }
0x6f: {  	_ =	shalt  }
0x70: {  	_ =	shalt  }
0x71: {  	_ =	shalt  }
0x72: {  	_ =	shalt  }
0x73: {  	_ =	shalt  }
0x74: {  	_ =	shalt  }
0x75: {  	_ =	shalt  }
0x76: {  	_ =	shalt  }
0x77: {  	_ =	shalt  }
0x78: {  	_ =	shalt  }
0x79: {  	_ =	shalt  }
0x7a: {  	_ =	shalt  }
0x7b: {  	_ =	shalt  }
0x7c: {  	_ =	shalt  }
0x7d: {  	_ =	shalt  }
0x7e: {  	_ =	shalt  }
0x7f: {  	_ =	shalt  }
0x80: {  	_ =	shalt  }
0x81: {  	_ =	shalt  }
0x82: {  	_ =	shalt  }
0x83: {  	_ =	shalt  }
0x84: {  	_ =	shalt  }
0x85: {  	_ =	shalt  }
0x86: {  	_ =	shalt  }
0x87: {  	_ =	shalt  }
.Lfunc_end0:
.L_simem_size_0:
called_computation.1_lowered:
.L_overlay_start_0:
0x88: {  	s2 =	sld [smem:$0x3FD9]  }
0x89: {  	s3 =	sld [smem:$0x3FFE];
	_ =	sdelay $0x1  }
0x8a: {  	s1 =	srdreg.scid  }
0x8b: {  	s0 =	sand.u32 $0x1, s1  }
0x8c: {  	s17 =	sshll.u32 s0, $0xA;
	s2 =	sadd.s32 s3, s2  }
0x8d: {  	s2 =	sadd.s32 s2, s17  }
0x8e: {  	[smem:$0x3FC2] =	sst s2  }
0x8f: {  	_ = 	snop  }
0x90: {  	s2 =	sld [smem:$0x3FC7]  }
0x91: {  	s18 =	sld [smem:$0x3FD0];
	(tm) =	ssettm $0x1  }
0x92: {  	s4 =	sld [smem:$0x3FFB];
	_ =	sdelay $0x3  }
0x93: {  	_ =	strace s4  }
0x94: {  	s4 =	sld [smem:$0x3FFC];
	_ =	sdelay $0x3  }
0x95: {  	_ =	strace s4  }
0x96: {  	s4 =	sld [smem:$0x3FFD];
	_ =	sdelay $0x3  }
0x97: {  	_ =	strace s4  }
0x98: {  	_ =	strace $0x8FFFFFFF  }
0x99: {  	s19 =	sld [smem:$0x3FDB];
	_ =	sdelay $0x1  }
0x9a: {  	s5 =	simm.s32 $_scs_section_size  }
0x9b: {  	s6 =	simm.s32 $_size__tile_overlayer_lowered;
	s7 =	simm.s32 $_tile_overlayer_lowered  }
0x9c: {  	s22 =	simm.s32 $0x1BFF;
	s21 =	sshll.u32 s7, $0x1;
	s4 =	sadd.s32 s5, s19  }
0x9d: {  	s8 =	simm.s32 $0x0;
	s20 =	sshll.u32 s6, $0x1;
	s6 =	sadd.s32 s21, s4  }
0x9e: {  	[timem:s8], [sflag:s22] =	dma.local [hbm:s6], s20  }
0x9f: {  	_ =	swait.ge [sflag:s22], s20  }
0xa0: {  	s5 =	ssub.s32 $0x0, s20;
	[sflag:s22] =	ssyncset.done $0x0  }
0xa1: {  	[sflag:s22] =	ssyncadd.s32 s5;
	_ =	sdelay $0x1  }
0xa2: {  	s23 =	simm.s32 $0x1B8B  }
0xa3: {  	_ =	swait.ge [sflag:s23], $0x1  }
0xa4: {  	[sflag:s23] =	ssyncset.done $0x0  }
0xa5: {  	s25 =	simm.s32 $0x1B8E;
	s24 =	sld [smem:$0x3FFE];
	[sflag:s23] =	ssyncadd.s32 $0xFFFFFFFF  }
0xa6: {  	s26 =	simm.s32 $execute0_lowered;
	[smem:$0x3FD2] =	sst s25  }
0xa7: {  	s6 =	sshll.u32 s26, $0x1;
	_ =	strace $0x80000050;
	[dreg:$0x1] =	wrdreg $0xFFFFFFFF  }
0xa8: {  	s28 =	simm.s32 $_size_execute0_lowered;
	s4 =	sadd.s32 s4, s6;
	[dreg:$0x0] =	wrdreg $0x0  }
0xa9: {  	s6 =	sshll.u32 s28, $0x1;
	[dreg:$0x2] =	wrdreg s4  }
0xaa: {  	[dreg:$0x3] =	wrdreg s6  }
0xab: {  	[dreg:$0x4] =	wrdreg $0xC0  }
0xac: {  	_ =	task [dreg:s8], $0x5FFFF  }
0xad: {  	[dreg:$0x1] =	wrdreg $0xFFFFFFFF  }
0xae: {  	[dreg:$0x0] =	wrdreg $0x60  }
0xaf: {  	[dreg:$0x2] =	wrdreg s24  }
0xb0: {  	[dreg:$0x3] =	wrdreg s2  }
0xb1: {  	[dreg:$0x4] =	wrdreg s18  }
0xb2: {  	[dreg:$0x5] =	wrdreg $0x0  }
0xb3: {  	[dreg:$0x6] =	wrdreg $0x9  }
0xb4: {  	_ =	task.clear_ibuf [dreg:s8], $0x7FFFF;
	_ =	strace $0x90000050  }
0xb5: {  	s29 =	simm.s32 $0x9;
	_ =	strace $0x80000058  }
0xb6: {  	_ =	swait.ge [sflag:s29], $0x1  }
0xb7: {  	[sflag:s29] =	ssyncadd.s32 $0xFFFFFFFF  }
0xb8: {  	_ =	strace $0x90000058  }
0xb9: {  	_ =	sfence  }
0xba: {  	s30 =	sld [smem:$0x0];
	_ =	sdelay $0x2  }
0xbb: {  	s31 =	sshll.u32 s1, $0xD;
	s1 =	sshrl.u32 s1, $0x2  }
0xbc: {  	s3 =	sand.u32 $0x4000, s31;
	s1 =	sadd.s32 s1, s30  }
0xbd: {  	s0 =	sor.u32 s3, s0;
	s1 =	sshll.u32 s1, $0x11  }
0xbe: {  	s0 =	sor.u32 s1, s0  }
0xbf: {  	s0 =	sadd.s32 $0x8F2B, s0  }
0xc0: {  	[sflag:s0] =	ssyncadd.remote.s32 $0x1  }
0xc1: {  	_ =	sfence.sel $0xFFFF  }
0xc2: {  	[dreg:$0x0] =	wrdreg $0xFFFFFFFF;
	(pc) =	sbr.abs _section_cstart, $3  }
0xc3: {  	[dreg:$0x1] =	wrdreg $0xFFFFFFFF  }
0xc4: {  	_ =	task.clear_ibuf [dreg:s8], $0x2FFFF;
	_ =	strace $0x9FFFFFFF  }
0xc5: {  	(tm) =	ssettm $0x7FFFFFFF  }
tec
execute0_lowered:
.L_overlay_start_1:
0x0: {  	(tag) =	ssettag $0x1  }
0x1: {  	s6 =	rddreg [dreg:$0x0]  }
0x2: {  	s1 =	rddreg [dreg:$0x1]  }
0x3: {  	s7 =	rddreg [dreg:$0x2]  }
0x4: {  	s2 =	rddreg [dreg:$0x3]  }
0x5: {  	s0 =	simm.s32 $0x0;
	s4 =	srdreg.scid;
	s25 =	stileid.u32  }
0x6: {  	s16 =	simm.s32 $0x4E20;
	s17 =	simm.s32 $0x6E20;
	s18 =	simm.s32 $0x5  }
0x7: {  	s19 =	simm.s32 $0x1;
	[smem:$0x7FF] =	sst s0;
	s8 =	sand.u32 $0x1, s4  }
0x8: {  	s5 =	sadd.s32 $0x9C5E00, s6;
	s12 =	smul.u32 $0x4E20, s25;
	s28 =	sshll.u32 s25, $0x6  }
0x9: {  	s9 =	smul.u32 $0x9C40, s8;
	s10 =	ssub.s32 $0x2, s8;
	s8 =	sshll.u32 s8, $0x4  }
0xa: {  	_ =	strace $0x80000051;
	s11 =	sshrl.u32 s10, $0x1;
	s8 =	sor.u32 s25, s8  }
0xb: {  	s15 =	sadd.s32 s12, s2;
	s20 =	sshrl.u32 s12, $0x3;
	s26 =	smul.u32 $0x4E, s8  }
0xc: {  	s13 =	sadd.s32 s9, s6;
	s14 =	ssub.s32 s10, s11;
	s9 =	smul.u32 $0x4F, s8  }
0xd: {  	p0 =	slt.u32 s8, $0x4;
	s7 =	sadd.s32 s7, s20;
	s8 =	sor.u32 $0x1C01, s28  }
0xe: {  	s21 =	sadd.s32 $0x1E00, s13;
	s12 =	smax.u32 s14, $0x1;
	s13 =	sshrl.u32 s15, $0x3  }
0xf: {  	s15 =	simm.s32 $0x80;
	s6 =	sadd.s32 $0x4, s26;
	s20 =	sadd.s32 s20, s21  }
0x10: {  	s21 =	simm.s32 $0x0;
	s6 =	smov.u32 @p0 s9;
	s9 =	simm.s32 $0x4F  }
0x11: {  	s29 =	sshll.u32 s6, $0xB;
	s30 =	sshll.u32 s6, $0x4;
	s9 =	simm.s32 @!p0 $0x4E  }
0x12: {  	s10 =	sand.u32 $0x1FFFF800, s29;
	s11 =	sand.u32 $0x1FFFFFF0, s30;
	s31 =	sadd.s32 $0xFFFFFFFF, s9  }
0x13: {  	s10 =	sadd.s32 s5, s10;
	s11 =	sadd.s32 s1, s11;
	[dreg:$0x5] =	wrdreg s31  }
.LBB2_1:
0x14: {  	[spmem:s13], [sflag:s8] =	dma.local [hbm:s7], $0x9C4  }
0x15: {  	_ =	swait.ge [sflag:s19], $0x9C4  }
0x16: {  	[sflag:s19] =	ssyncset.done $0x0  }
0x17: {  	[sflag:s19] =	ssyncadd.s32 $0xFFFFF63C  }
0x18: {  	s0 =	simm.s32 $0x20;
	[bflag:$0x0] =	sbarrier.arrive $0xFFFF  }
0x19: {  	s31 =	simm.s32 $0x0;
	s24 =	simm.s32 $0x0;
	_ =	strace $0x80000052  }
0x1a: {  	[tilespmem:s16], [sflag:$0x1] =	stream.strided.gather [hbm4b:s10+s0], $0x1000, s15, s0, $0x200038;
	[tilespmem:$0x6F20] =	vst v63  }
0x1b: {  	s22 =	simm.s32 $0x0;
	s25 =	simm.s32 $0x1;
	s23 =	simm.s32 $0x0  }
0x1c: {  	[tilespmem:s17], [sflag:$0x3] =	stream.linear.gather [hbm4b:s11+s31], $0x80, $0x200038;
	[tilespmem:$0x6F20] =	vst v63  }
0x1d: {  	s28 =	simm.s32 $0x1;
	s26 =	simm.s32 $0x0;
	_ =	strace $0x90000052  }
.LBB2_2:
0x1e: {  	s29 =	smov.u32 s24;
	s24 =	sadd.s32 $0x1, s24  }
0x1f: {  	p0 =	seq.s32 s24, s9  }
0x20: {  	s24 =	simm.s32 @p0 $0x0  }
0x21: {  	s30 =	smov.u32 s28;
	p0 =	seq.s32 s29, s24  }
0x22: {  	s28 =	sadd.s32 @!p0 s6, s24;
	s31 =	sand.u32 @!p0 $0x1, s30  }
0x23: {  	_ =	strace @!p0 $0x80000053;
	s3 =	simm.s32 @!p0 $0x20;
	s4 =	sshll.u32 @!p0 s28, $0xB  }
0x24: {  	s14 =	simm.s32 @!p0 $0x80;
	s0 =	sshll.u32 @!p0 s31, $0xC;
	s4 =	sand.u32 @!p0 $0x1FFFF800, s4  }
0x25: {  	s31 =	sadd.s32 @!p0 $0x1, s31;
	s0 =	sor.u32 @!p0 $0x4E20, s0;
	s4 =	sadd.s32 @!p0 s5, s4  }
0x26: {  	[tilespmem:s0], [sflag:s31] =	stream.strided.gather @!p0 [hbm4b:s4+s3], $0x1000, s14, s3, $0x200038;
	[tilespmem:$0x6F20] =	vst v63  }
0x27: {  	s0 =	sand.u32 @!p0 $0x1, s25  }
0x28: {  	s4 =	sshll.u32 @!p0 s28, $0x4;
	s14 =	simm.s32 @!p0 $0x0;
	_ =	strace @!p0 $0x90000053  }
0x29: {  	s3 =	sshll.u32 @!p0 s0, $0x7;
	s4 =	sand.u32 @!p0 $0x1FFFFFF0, s4;
	s0 =	sadd.s32 @!p0 $0x3, s0  }
0x2a: {  	_ =	strace @!p0 $0x80000054;
	s3 =	sor.u32 @!p0 $0x6E20, s3;
	s4 =	sadd.s32 @!p0 s1, s4  }
0x2b: {  	[tilespmem:s3], [sflag:s0] =	stream.linear.gather @!p0 [hbm4b:s4+s14], $0x80, $0x200038;
	[tilespmem:$0x6F20] =	vst v63  }
0x2c: {  	s31 =	sand.u32 $0x1, s23;
	_ =	strace @!p0 $0x90000054  }
0x2d: {  	s0 =	sadd.s32 $0x1, s31;
	_ =	strace $0x80000055  }
0x2e: {  	_ =	swait.ge [sflag:s0], $0x1000  }
0x2f: {  	[sflag:s0] =	ssyncset.done $0x0  }
0x30: {  	[sflag:s0] =	ssyncadd.s32 $0xFFFFF000  }
0x31: {  	s3 =	sand.u32 $0x1, s22;
	_ =	strace $0x90000055  }
0x32: {  	s0 =	sadd.s32 $0x3, s3;
	_ =	strace $0x80000056  }
0x33: {  	_ =	swait.ge [sflag:s0], $0x80  }
0x34: {  	[sflag:s0] =	ssyncset.done $0x0  }
0x35: {  	s4 =	sshll.u32 s23, $0xC;
	s14 =	sshll.u32 s22, $0x7;
	[sflag:s0] =	ssyncadd.s32 $0xFFFFFF80  }
0x36: {  	s3 =	sand.u32 $0x80, s14;
	s0 =	sand.u32 $0x1000, s4;
	_ =	strace $0x90000056  }
0x37: {  	s3 =	sor.u32 $0x6E20, s3;
	s0 =	sor.u32 $0x4E20, s0;
	_ =	strace $0x80000057  }
0x38: {  	[spmem:s2] =	stream.indirect.scatter.add.f32 [tilespmem:s0], [sflag:$0x5], $0x20, s3, s15, $0x2000b8;
	[tilespmem:$0x6F20] =	vst v63  }
0x39: {  	_ =	swait.ge [sflag:s18], $0x1000  }
0x3a: {  	[sflag:s18] =	ssyncset.done $0x0  }
0x3b: {  	[sflag:s18] =	ssyncadd.s32 $0xFFFFF000  }
0x3c: {  	s26 =	sadd.s32 $0x1, s26;
	_ =	strace $0x90000057  }
0x3d: {  	s28 =	sadd.s32 @!p0 $0x1, s30;
	s3 =	simm.s32 @!p0 $0x1;
	s31 =	rddreg [dreg:$0x5]  }
0x3e: {  	s28 =	smov.u32 @p0 s30;
	s3 =	simm.s32 @p0 $0x0;
	p0 =	sne.s32 s31, s26  }
.Ltmp0:
0x3f: {  	_ = 	snop;
	(pc) =	sbr.rel @p0 .LBB2_2-.Ltmp0, $4  }
0x40: {  	_ = 	snop  }
0x41: {  	p1 =	sne.s32 s29, s24;
	s4 =	simm.s32 $0x1  }
0x42: {  	s4 =	simm.s32 @!p1 $0x0  }
0x43: {  	s23 =	sadd.s32 s4, s23;
	s22 =	sadd.s32 s4, s22;
	s25 =	sadd.s32 s25, s3  }
0x44: {  	s0 =	sand.u32 $0x1, s23  }
0x45: {  	_ =	strace $0x80000055;
	s0 =	sadd.s32 $0x1, s0  }
0x46: {  	_ =	swait.ge [sflag:s0], $0x1000  }
0x47: {  	[sflag:s0] =	ssyncset.done $0x0  }
0x48: {  	[sflag:s0] =	ssyncadd.s32 $0xFFFFF000  }
0x49: {  	s30 =	sand.u32 $0x1, s22;
	_ =	strace $0x90000055  }
0x4a: {  	s0 =	sadd.s32 $0x3, s30;
	_ =	strace $0x80000056  }
0x4b: {  	_ =	swait.ge [sflag:s0], $0x80  }
0x4c: {  	[sflag:s0] =	ssyncset.done $0x0  }
0x4d: {  	s31 =	sshll.u32 s23, $0xC;
	s3 =	sshll.u32 s22, $0x7;
	[sflag:s0] =	ssyncadd.s32 $0xFFFFFF80  }
0x4e: {  	s3 =	sand.u32 $0x80, s3;
	s0 =	sand.u32 $0x1000, s31;
	_ =	strace $0x90000056  }
0x4f: {  	s3 =	sor.u32 $0x6E20, s3;
	s0 =	sor.u32 $0x4E20, s0;
	_ =	strace $0x80000057  }
0x50: {  	[spmem:s2] =	stream.indirect.scatter.add.f32 [tilespmem:s0], [sflag:$0x5], $0x20, s3, s15, $0x2000b8;
	[tilespmem:$0x6F20] =	vst v63  }
0x51: {  	_ =	swait.ge [sflag:s18], $0x1000  }
0x52: {  	[sflag:s18] =	ssyncset.done $0x0  }
0x53: {  	s21 =	sadd.s32 $0x1, s21;
	[sflag:s18] =	ssyncadd.s32 $0xFFFFF000  }
0x54: {  	p0 =	sne.s32 s21, s12;
	_ =	strace $0x90000057  }
.Ltmp1:
0x55: {  	[bflag:$0x0] =	sbarrier.arrive $0xFFFF;
	(pc) =	sbr.rel @p0 .LBB2_1-.Ltmp1, $4  }
0x56: {  	[hbm:s20], [sflag:s8] =	dma.local [spmem:s13], $0x9C4  }
0x57: {  	_ =	swait.ge [sflag:s19], $0x9C4  }
0x58: {  	[sflag:s19] =	ssyncset.done $0x0  }
0x59: {  	[sflag:s19] =	ssyncadd.s32 $0xFFFFF63C  }
0x5a: {  	_ =	sfence.sel $0x180000  }
0x5b: {  	[bflag:$0x0] =	sbarrier.arrive $0xFFFF  }
0x5c: {  	_ =	strace $0x90000051  }
0x5d: {  	s0 =	stileid.u32;
	[bflag:$0x2] =	sbarrier.arrive $0xFFFF  }
0x5e: {  	p0 =	sne.s32 s0, $0x0;
	s0 =	rddreg [dreg:$0x4]  }
0x5f: {  	s0 =	sadd.s32 @!p0 $0x100000, s0  }
0x60: {  	[sflag:s0] =	ssyncadd.tile.s32 @!p0 $0x1;
	_ =	shalt  }
.Lfunc_end2:
_tile_overlayer_lowered:
.L_overlay_start_2:
0x61: {  	(tag) =	ssettag $0x2  }
0x62: {  	s0 =	rddreg [dreg:$0x0];
	s2 =	stileid.u32  }
0x63: {  	s1 =	rddreg [dreg:$0x1];
	p0 =	sne.s32 s2, $0x0  }
0x64: {  	s3 =	rddreg [dreg:$0x2];
	[bflag:$0x3] =	sbarrier.arrive $0xFFFF;
	s2 =	simm.s32 @!p0 $0x1C01  }
0x65: {  	[timem:s3], [sflag:s2] =	dma.local @!p0 [hbm:s0], s1  }
0x66: {  	s0 =	simm.s32 @!p0 $0x1  }
0x67: {  	_ =	swait.ge @!p0 [sflag:s0], s1  }
0x68: {  	s1 =	ssub.s32 @!p0 $0x0, s1;
	[sflag:s0] =	ssyncset.done @!p0 $0x0  }
0x69: {  	[sflag:s0] =	ssyncadd.s32 @!p0 s1  }
0x6a: {  	[bflag:$0x3] =	sbarrier.arrive $0xFFFF  }
0x6b: {  	_ =	shalt  }

</sc_bundles>
